<compile_context>
chip_gen: v7x
topology: tpu7x:2x2x1
jax: 0.10.2.dev20260603
libtpu: 0.0.44.dev20260713+nightly
codegen_flags: <defaults>
</compile_context>

<pallas_src>
import functools

import jax
import jax.numpy as jnp
from jax import lax
from jax.experimental import pallas as pl
from jax.experimental.pallas import tpu as pltpu
from jax.experimental.pallas import tpu_sc as plsc

_THRESH = 0.5
_NEGPOS = 3.0
_VAR = 0.1
_CHUNK = 8192
_TILE = 8192
_LANE = 128


def _match_kernel(tc_ref, tbl_ref, pt_ref, conf_ref, g_ref, rt_ref,
                  btm_scr, bti_scr):
    O = tc_ref.shape[1]
    P = pt_ref.shape[1]
    nch = P // _CHUNK
    tc = tc_ref[0]
    ax1, ay1 = tc[:, 0:1], tc[:, 1:2]
    ax2, ay2 = tc[:, 2:3], tc[:, 3:4]
    area_a = (ax2 - ax1) * (ay2 - ay1)
    row_i = lax.broadcasted_iota(jnp.int32, (O, _CHUNK), 0)
    lane_i = lax.broadcasted_iota(jnp.int32, (O, _CHUNK), 1)

    bp_max = jnp.full((O, 1), -1.0, jnp.float32)
    bp_idx = jnp.zeros((O, 1), jnp.int32)
    for c in range(nch):
        sl = slice(c * _CHUNK, (c + 1) * _CHUNK)
        pcx, pcy = pt_ref[0:1, sl], pt_ref[1:2, sl]
        pw, ph = pt_ref[2:3, sl], pt_ref[3:4, sl]
        bx1, by1 = pcx - pw / 2, pcy - ph / 2
        bx2, by2 = pcx + pw / 2, pcy + ph / 2
        wid = jnp.maximum(jnp.minimum(ax2, bx2) - jnp.maximum(ax1, bx1), 0.0)
        hei = jnp.maximum(jnp.minimum(ay2, by2) - jnp.maximum(ay1, by1), 0.0)
        inter = wid * hei
        area_b = (bx2 - bx1) * (by2 - by1)
        ovl = inter / (area_a + area_b - inter)
        cmax = jnp.max(ovl, axis=1, keepdims=True)
        cidx = jnp.min(jnp.where(ovl == cmax, lane_i, P), axis=1,
                       keepdims=True) + c * _CHUNK
        upd = cmax > bp_max
        bp_idx = jnp.where(upd, cidx, bp_idx)
        bp_max = jnp.where(upd, cmax, bp_max)
        btm = jnp.max(ovl, axis=0, keepdims=True)
        bti = jnp.min(jnp.where(ovl == btm, row_i, O), axis=0, keepdims=True)
        btm_scr[0:1, sl] = btm
        bti_scr[0:1, sl] = bti

    tbl = tbl_ref[0]
    for c in range(nch):
        sl = slice(c * _CHUNK, (c + 1) * _CHUNK)
        btm = btm_scr[0:1, sl]
        bti = bti_scr[0:1, sl]
        lane_g = lane_i + c * _CHUNK
        F = lane_g == bp_idx
        ch_o = jnp.max(jnp.where(F, row_i, -1), axis=0, keepdims=True)
        forced = ch_o >= 0
        fidx = jnp.where(forced, ch_o, bti)
        fovl = jnp.where(forced, 2.0, btm)
        eq2f = (row_i == fidx).astype(jnp.float32)
        m = jax.lax.dot(tbl, eq2f,
                        precision=jax.lax.Precision.HIGHEST,
                        preferred_element_type=jnp.float32)
        conf = jnp.where(fovl < _THRESH, 0.0, m[0:1])
        pcx, pcy = pt_ref[0:1, sl], pt_ref[1:2, sl]
        pw, ph = pt_ref[2:3, sl], pt_ref[3:4, sl]
        conf_ref[0, 0:1, sl] = conf.astype(jnp.int32)
        g_ref[0, 0:1, sl] = (m[1:2] - pcx) / (_VAR * pw)
        g_ref[0, 1:2, sl] = (m[2:3] - pcy) / (_VAR * ph)
        rt_ref[0, 0:1, sl] = m[3:4]


def _stream_kernel(conf_ref, lx_ref, ly_ref, rd_ref, ct_ref, gx_ref, gy_ref,
                   rt_ref, ce_ref, acc_ref):
    b = pl.program_id(0)
    t = pl.program_id(1)
    G, L, C = conf_ref.shape[1], conf_ref.shape[2], conf_ref.shape[3]

    @pl.when(jnp.logical_and(b == 0, t == 0))
    def _init():
        acc_ref[...] = jnp.zeros_like(acc_ref)

    x = conf_ref[0]
    m = jnp.max(x, axis=2)
    s = jnp.sum(jnp.exp(x - m[:, :, None]), axis=2)
    lse = m + jnp.log(s)
    ct = ct_ref[0]
    cls_i = lax.broadcasted_iota(jnp.int32, (G, L, C), 2)
    gathered = jnp.sum(jnp.where(cls_i == ct[:, :, None], x, 0.0), axis=2)
    ce = lse - gathered
    pos = ct > 0
    posf = pos.astype(jnp.float32)
    ce_ref[0] = jnp.where(pos, 0.0, jnp.maximum(ce, 0.0))

    dx = lx_ref[0] - gx_ref[0]
    dy = ly_ref[0] - gy_ref[0]
    adx, ady = jnp.abs(dx), jnp.abs(dy)
    sl1 = (jnp.where(adx < 1.0, 0.5 * dx * dx, adx - 0.5)
           + jnp.where(ady < 1.0, 0.5 * dy * dy, ady - 0.5))
    part_l = jnp.sum(sl1 * posf)
    part_r = jnp.sum(jnp.abs(rd_ref[0] - rt_ref[0]) * posf)
    part_ce = jnp.sum(ce * posf)
    npos = jnp.sum(posf)

    li = lax.broadcasted_iota(jnp.int32, (1, 128), 1)
    v = (jnp.where(li == 0, part_l, 0.0) + jnp.where(li == 1, part_r, 0.0)
         + jnp.where(li == 2, part_ce, 0.0) + jnp.where(li == 3, npos, 0.0))
    ri = lax.broadcasted_iota(jnp.int32, (acc_ref.shape[0], 128), 0)
    acc_ref[...] += jnp.where(ri == b, 1.0, 0.0) * v


_L = 16
_NBIN = 2048


def _sc_select_kernel(ce_hbm, kacc_hbm, out_hbm, vals, hist, mem, tmp16):
    c = lax.axis_index("c")
    s = lax.axis_index("s")
    B = ce_hbm.shape[0]
    P = ce_hbm.shape[1]
    nchunk = P // _L
    lane = lax.broadcasted_iota(jnp.int32, (_L,), 0)

    @pl.when(jnp.logical_and(c == 0, s < B))
    def _row_work():
        pltpu.sync_copy(ce_hbm.at[s], vals)
        pltpu.sync_copy(kacc_hbm.at[3], tmp16)
        npos = tmp16[...]
        ks = jnp.max(jnp.where(lane == s,
                               jnp.minimum(_NEGPOS * npos, float(P - 1)),
                               -1.0))

        def zero_hist(j, _):
            hist[0, pl.ds(j * _L, _L)] = jnp.zeros((_L,), jnp.int32)
            hist[1, pl.ds(j * _L, _L)] = jnp.zeros((_L,), jnp.int32)
            hist[2, pl.ds(j * _L, _L)] = jnp.zeros((_L,), jnp.int32)
            hist[3, pl.ds(j * _L, _L)] = jnp.zeros((_L,), jnp.int32)
            hist[4, pl.ds(j * _L, _L)] = jnp.zeros((_L,), jnp.int32)
            hist[5, pl.ds(j * _L, _L)] = jnp.zeros((_L,), jnp.int32)
            hist[6, pl.ds(j * _L, _L)] = jnp.zeros((_L,), jnp.int32)
            hist[7, pl.ds(j * _L, _L)] = jnp.zeros((_L,), jnp.int32)
            hist[8, pl.ds(j * _L, _L)] = jnp.zeros((_L,), jnp.int32)
            hist[9, pl.ds(j * _L, _L)] = jnp.zeros((_L,), jnp.int32)
            hist[10, pl.ds(j * _L, _L)] = jnp.zeros((_L,), jnp.int32)
            hist[11, pl.ds(j * _L, _L)] = jnp.zeros((_L,), jnp.int32)
            hist[12, pl.ds(j * _L, _L)] = jnp.zeros((_L,), jnp.int32)
            hist[13, pl.ds(j * _L, _L)] = jnp.zeros((_L,), jnp.int32)
            hist[14, pl.ds(j * _L, _L)] = jnp.zeros((_L,), jnp.int32)
            hist[15, pl.ds(j * _L, _L)] = jnp.zeros((_L,), jnp.int32)
            return 0
        lax.fori_loop(0, _NBIN // _L, zero_hist, 0, unroll=2)

        ones = jnp.ones((_L,), jnp.int32)

        def hist_pass(j, _):
            v = vals[pl.ds(j * _L, _L)]
            b = lax.shift_right_logical(plsc.bitcast(v, jnp.int32), 20)
            plsc.addupdate_scatter(hist, [lane, b], ones)
            return 0
        lax.fori_loop(0, nchunk, hist_pass, 0, unroll=4)

        def scan_pass(jj, carry):
            cum, found, bstar, cntgt = carry
            j = (_NBIN // _L - 1) - jj
            sl = pl.ds(j * _L, _L)
            tot = (hist[0, sl] + hist[1, sl] + hist[2, sl] + hist[3, sl]
                   + hist[4, sl] + hist[5, sl] + hist[6, sl] + hist[7, sl]
                   + hist[8, sl] + hist[9, sl] + hist[10, sl] + hist[11, sl]
                   + hist[12, sl] + hist[13, sl] + hist[14, sl]
                   + hist[15, sl]).astype(jnp.float32)
            s_chunk = jnp.sum(tot)
            rev = lax.rev(tot, (0,))
            cs = plsc.cumsum(rev)
            mask = (cum + cs) >= ks
            m = plsc.all_reduce_ffs(mask)
            csm = jnp.sum(jnp.where(lane == m, cs, 0.0))
            revm = jnp.sum(jnp.where(lane == m, rev, 0.0))
            hit = jnp.logical_and(jnp.logical_not(found), cum + s_chunk >= ks)
            bstar = jnp.where(hit, j * _L + (_L - 1) - jnp.max(m), bstar)
            cntgt = jnp.where(hit, cum + csm - revm, cntgt)
            found = jnp.logical_or(found, hit)
            cum = jnp.where(found, cum, cum + s_chunk)
            return cum, found, bstar, cntgt
        _, _, bstar, cnt_gt_bin = lax.fori_loop(
            0, _NBIN // _L, scan_pass, (0.0, False, 0, 0.0))

        def sum_pass(j, carry):
            off, sgt = carry
            v = vals[pl.ds(j * _L, _L)]
            b = lax.shift_right_logical(plsc.bitcast(v, jnp.int32), 20)
            mgt = b > bstar
            sgt = sgt + jnp.sum(jnp.where(mgt, v, 0.0))
            meq = b == bstar
            pos = off + plsc.cumsum(meq.astype(jnp.int32)) - 1
            plsc.store_scatter(mem, [pos], v, mask=meq)
            off = off + jnp.sum(meq.astype(jnp.int32))
            return off, sgt
        moff, sum_gt_bin = lax.fori_loop(0, nchunk, sum_pass, (0, 0.0),
                                         unroll=4)

        mem[pl.ds(moff, _L)] = plsc.bitcast(
            jnp.full((_L,), -1, jnp.int32), jnp.float32)
        nmc = lax.shift_right_logical(moff + _L - 1, 4)

        kprime = ks - cnt_gt_bin

        def count_ge(mid):
            def cbody(j, cc):
                mb = plsc.bitcast(mem[pl.ds(j * _L, _L)], jnp.int32)
                return cc + jnp.sum(jnp.where(mb >= mid, 1.0, 0.0))
            return lax.fori_loop(0, nmc, cbody, 0.0)

        def bs_body(_, carry):
            lo, hi = carry
            mid = lo + lax.shift_right_logical(hi - lo + 1, 1)
            pred = count_ge(mid) >= kprime
            lo = jnp.where(pred, mid, lo)
            hi = jnp.where(pred, hi, mid - 1)
            return lo, hi
        lo0 = lax.shift_left(bstar, 20)
        hi0 = lo0 + (1 << 20) - 1
        thr, _ = lax.fori_loop(0, 20, bs_body, (lo0, hi0))
        thr_f = jnp.max(plsc.bitcast(
            jnp.full((_L,), 1, jnp.int32) * thr, jnp.float32))

        def final_body(j, carry):
            cgt, sgt = carry
            mv = mem[pl.ds(j * _L, _L)]
            mb = plsc.bitcast(mv, jnp.int32)
            m2 = mb > thr
            cgt = cgt + jnp.sum(jnp.where(m2, 1.0, 0.0))
            sgt = sgt + jnp.sum(jnp.where(m2, mv, 0.0))
            return cgt, sgt
        cnt_gt_thr, sum_gt_thr = lax.fori_loop(0, nmc, final_body, (0.0, 0.0))

        topk = (sum_gt_bin + sum_gt_thr
                + (ks - cnt_gt_bin - cnt_gt_thr) * thr_f)
        tmp16[...] = jnp.zeros((_L,), jnp.float32) + topk
        pltpu.sync_copy(tmp16, out_hbm.at[s])


def _combine_kernel(acc_ref, topk_ref, out_ref):
    accv = acc_ref[...]
    topks = topk_ref[...][:, 0:1]
    n_total = jnp.sum(accv[:, 3:4])
    loss_l = jnp.sum(accv[:, 0:1]) / n_total
    loss_r = jnp.sum(accv[:, 1:2]) / n_total
    loss_c = jnp.sum(accv[:, 2:3] + topks) / n_total
    ri = lax.broadcasted_iota(jnp.int32, out_ref.shape, 0)
    ci = lax.broadcasted_iota(jnp.int32, out_ref.shape, 1)
    r0 = ri == 0
    out_ref[...] = (jnp.where(r0 & (ci == 0), loss_l, 0.0)
                    + jnp.where(r0 & (ci == 1), loss_c, 0.0)
                    + jnp.where(r0 & (ci == 2), loss_r, 0.0))


def kernel(loc_data, conf_data, regr_data, priors, t_coords, t_labels, t_regr):
    B, P, C = conf_data.shape
    O = t_coords.shape[1]
    priors_t = priors.T
    tcx = (t_coords[:, :, 0] + t_coords[:, :, 2]) * 0.5
    tcy = (t_coords[:, :, 1] + t_coords[:, :, 3]) * 0.5
    tbl = jnp.stack([t_labels.astype(jnp.float32) + 1.0, tcx, tcy,
                     t_regr[:, :, 0]], axis=1)

    conf_t, g_row, rt_row = pl.pallas_call(
        _match_kernel,
        grid=(B,),
        in_specs=[
            pl.BlockSpec((1, O, 4), lambda b: (b, 0, 0)),
            pl.BlockSpec((1, 4, O), lambda b: (b, 0, 0)),
            pl.BlockSpec((4, P), lambda b: (0, 0)),
        ],
        out_specs=[
            pl.BlockSpec((1, 1, P), lambda b: (b, 0, 0)),
            pl.BlockSpec((1, 2, P), lambda b: (b, 0, 0)),
            pl.BlockSpec((1, 1, P), lambda b: (b, 0, 0)),
        ],
        out_shape=[
            jax.ShapeDtypeStruct((B, 1, P), jnp.int32),
            jax.ShapeDtypeStruct((B, 2, P), jnp.float32),
            jax.ShapeDtypeStruct((B, 1, P), jnp.float32),
        ],
        scratch_shapes=[
            pltpu.VMEM((8, P), jnp.float32),
            pltpu.VMEM((8, P), jnp.int32),
        ],
    )(t_coords, tbl, priors_t)

    PG = P // _LANE
    TG = _TILE // _LANE
    conf4 = conf_data.reshape(B, PG, _LANE, C)
    ct_g = conf_t.reshape(B, PG, _LANE)
    gx_g = g_row[:, 0, :].reshape(B, PG, _LANE)
    gy_g = g_row[:, 1, :].reshape(B, PG, _LANE)
    rt_g = rt_row.reshape(B, PG, _LANE)
    lx_g = loc_data[:, :, 0].reshape(B, PG, _LANE)
    ly_g = loc_data[:, :, 1].reshape(B, PG, _LANE)
    rd_g = regr_data.reshape(B, PG, _LANE)

    nt = P // _TILE
    spec3 = pl.BlockSpec((1, TG, _LANE), lambda b, t: (b, t, 0))
    ce_neg, acc = pl.pallas_call(
        _stream_kernel,
        grid=(B, nt),
        in_specs=[
            pl.BlockSpec((1, TG, _LANE, C), lambda b, t: (b, t, 0, 0)),
            spec3, spec3, spec3, spec3, spec3, spec3, spec3,
        ],
        out_specs=[
            pl.BlockSpec((1, TG, _LANE), lambda b, t: (b, t, 0)),
            pl.BlockSpec((B, 128), lambda b, t: (0, 0)),
        ],
        out_shape=[
            jax.ShapeDtypeStruct((B, PG, _LANE), jnp.float32),
            jax.ShapeDtypeStruct((B, 128), jnp.float32),
        ],
    )(conf4, lx_g, ly_g, rd_g, ct_g, gx_g, gy_g, rt_g)

    sc_sel = functools.partial(
        pl.kernel,
        mesh=plsc.VectorSubcoreMesh(core_axis_name="c", subcore_axis_name="s"),
        out_type=jax.ShapeDtypeStruct((B, _L), jnp.float32),
        scratch_types=[
            pltpu.VMEM((P,), jnp.float32),
            pltpu.VMEM((_L, _NBIN), jnp.int32),
            pltpu.VMEM((P + _L,), jnp.float32),
            pltpu.VMEM((_L,), jnp.float32),
        ],
        compiler_params=pltpu.CompilerParams(needs_layout_passes=False),
    )(_sc_select_kernel)
    topk = sc_sel(ce_neg.reshape(B, P), acc[:, :4].T)

    out = pl.pallas_call(
        _combine_kernel,
        in_specs=[
            pl.BlockSpec((B, 128), lambda: (0, 0)),
            pl.BlockSpec((B, _L), lambda: (0, 0)),
        ],
        out_specs=pl.BlockSpec((8, 128), lambda: (0, 0)),
        out_shape=jax.ShapeDtypeStruct((8, 128), jnp.float32),
    )(acc, topk)

    return (out[0, 0], out[0, 1], out[0, 2])

# --- scband reference (transcript-rebuilt; emitter-appended) ---
"""Pipeline reference for scband-multi-box-loss-40097814675630 (READ-ONLY COPY).

The authoritative reference and input builder live on the scoring server;
editing this copy changes nothing except your own understanding.
"""

import jax, jax.numpy as jnp
import numpy as np

BS = 16
NP = 32768
NC = 81
NOBJ = 50
THRESH = 0.5
NEGPOS = 3
VAR = 0.1


def setup_inputs(seed: int = 0) -> dict:
    key = jax.random.key(seed)
    ks = jax.random.split(key, 8)
    loc_data = jax.random.normal(ks[0], (BS, NP, 2), dtype=jnp.float32)
    conf_data = jax.random.normal(ks[1], (BS, NP, NC), dtype=jnp.float32)
    regr_data = jax.random.normal(ks[2], (BS, NP, 1), dtype=jnp.float32)
    p_cxcy = jax.random.uniform(ks[3], (NP, 2), minval=0.05, maxval=0.95)
    p_wh = jax.random.uniform(ks[4], (NP, 2), minval=0.05, maxval=0.3)
    priors = jnp.concatenate([p_cxcy, p_wh], axis=1).astype(jnp.float32)
    t_c = jax.random.uniform(ks[5], (BS, NOBJ, 2), minval=0.2, maxval=0.8)
    t_wh = jax.random.uniform(ks[6], (BS, NOBJ, 2), minval=0.05, maxval=0.3)
    t_coords = jnp.concatenate([t_c - t_wh / 2, t_c + t_wh / 2], axis=2).astype(jnp.float32)
    t_labels = jax.random.randint(ks[7], (BS, NOBJ), 0, NC - 1)
    t_regr = jax.random.normal(jax.random.fold_in(key, 99), (BS, NOBJ, 1), dtype=jnp.float32)
    return {"loc_data": loc_data, "conf_data": conf_data, "regr_data": regr_data,
            "priors": priors, "t_coords": t_coords, "t_labels": t_labels, "t_regr": t_regr}


def point_form(p):
    return jnp.concatenate([p[:, :2] - p[:, 2:] / 2, p[:, :2] + p[:, 2:] / 2], axis=1)


def jaccard(a, b):
    lt = jnp.maximum(a[:, None, :2], b[None, :, :2])
    rb = jnp.minimum(a[:, None, 2:], b[None, :, 2:])
    wh = jnp.clip(rb - lt, 0.0, None)
    inter = wh[..., 0] * wh[..., 1]
    area_a = ((a[:, 2] - a[:, 0]) * (a[:, 3] - a[:, 1]))[:, None]
    area_b = ((b[:, 2] - b[:, 0]) * (b[:, 3] - b[:, 1]))[None, :]
    return inter / (area_a + area_b - inter)


def match_one(truths, labels, regres, priors):
    overlaps = jaccard(truths, point_form(priors))  # [O, P]
    best_prior_idx = jnp.argmax(overlaps, axis=1)   # [O]
    best_truth_overlap = jnp.max(overlaps, axis=0)  # [P]
    best_truth_idx = jnp.argmax(overlaps, axis=0)   # [P]
    best_truth_overlap = best_truth_overlap.at[best_prior_idx].set(2.0)
    best_truth_idx = best_truth_idx.at[best_prior_idx].set(jnp.arange(truths.shape[0]))
    matched = truths[best_truth_idx]                # [P, 4] gather
    conf = labels[best_truth_idx] + 1
    conf = jnp.where(best_truth_overlap < THRESH, 0, conf)
    g_cxcy = ((matched[:, :2] + matched[:, 2:]) / 2.0 - priors[:, :2]) / (VAR * priors[:, 2:])
    regr = regres[best_truth_idx]
    return g_cxcy, conf, regr


def reference(loc_data, conf_data, regr_data, priors, t_coords, t_labels, t_regr):
    loc_t, conf_t, regr_t = jax.vmap(match_one, in_axes=(0, 0, 0, None))(t_coords, t_labels, t_regr, priors)
    pos = conf_t > 0
    posf = pos.astype(jnp.float32)
    # localization: smooth L1 over positives (sum)
    d = loc_data - loc_t
    ad = jnp.abs(d)
    sl1 = jnp.where(ad < 1.0, 0.5 * d * d, ad - 0.5)
    loss_l = jnp.sum(sl1 * posf[..., None])
    # per-element cross entropy = logsumexp - gathered logit
    b_conf = conf_data.reshape(-1, NC)
    lse = jax.scipy.special.logsumexp(b_conf, axis=1)
    gathered = jnp.take_along_axis(b_conf, conf_t.reshape(-1, 1), axis=1)[:, 0]
    ce = (lse - gathered).reshape(BS, -1)
    # hard negative mining via double argsort rank (topk masking)
    ce_neg = jnp.where(pos, 0.0, ce)
    loss_idx = jnp.argsort(-ce_neg, axis=1)
    idx_rank = jnp.argsort(loss_idx, axis=1)
    num_pos = jnp.sum(pos.astype(jnp.int32), axis=1, keepdims=True)
    num_neg = jnp.minimum(NEGPOS * num_pos, NP - 1)
    neg = idx_rank < num_neg
    mask = (pos | neg).astype(jnp.float32)
    loss_c = jnp.sum(ce * mask)
    # regression head: L1 over positives (sum)
    loss_r = jnp.sum(jnp.abs(regr_data - regr_t) * posf[..., None])
    N = jnp.sum(posf)
    return (loss_l / N, loss_c / N, loss_r / N)

if __name__ == "__main__":
    import jax
    _d = setup_inputs()
    print(jax.jit(kernel)(*tuple(_d.values())))

</pallas_src>

<mosaic_0001>
#map = affine_map<(d0, d1) -> (0, 0)>
module attributes {stable_mosaic.version = 14 : i64} {
  func.func @_sc_select_kernel(%arg0: i32, %arg1: i32, %arg2: memref<16x32768xf32, #tpu.memory_space<hbm>>, %arg3: memref<4x16xf32, #tpu.memory_space<hbm>>, %arg4: memref<16x16xf32, #tpu.memory_space<hbm>>, %arg5: memref<32768xf32, #tpu.memory_space<vmem>>, %arg6: memref<16x2048xi32, #tpu.memory_space<vmem>>, %arg7: memref<32784xf32, #tpu.memory_space<vmem>>, %arg8: memref<16xf32, #tpu.memory_space<vmem>>) attributes {dimension_semantics = [#tpu.dimension_semantics<core_parallel>, #tpu.dimension_semantics<subcore_parallel>], iteration_bounds = array<i64: 2, 16>, scalar_prefetch = 0 : i64, scratch_operands = 4 : i64, tpu.core_type = #tpu.core_type<sc_vector_subcore>, window_params = [{transform_indices = #map}, {transform_indices = #map}, {transform_indices = #map}]} {
    %iota3A = tpu.iota {dimensions = array<i32: 0>} : vector<16xi32>
    %eq3A = arith.constant 0 : i32
    %eq3A_0 = arith.cmpi eq, %arg0, %eq3A : i32
    %lt3A = arith.constant 16 : i32
    %lt3A_1 = arith.cmpi slt, %arg1, %lt3A : i32
    %and3A = arith.andi %eq3A_0, %lt3A_1 : i1
    %convert_element_type3A = arith.extui %and3A : i1 to i32
    %cond3A = arith.constant 0 : i32
    %cond3A_2 = arith.cmpi ne, %convert_element_type3A, %cond3A : i32
    scf.if %cond3A_2 {
      "tpu.region"() ({
        %run_scoped3A_96 = tpu.sem_alloc : memref<!tpu.dma_semaphore, #tpu.memory_space<semaphore_mem>>
        %dma_start3A = arith.constant 0 : i32
        %dma_start3A_97 = tpu.memref_slice %arg2[%arg1, %dma_start3A] : memref<16x32768xf32, #tpu.memory_space<hbm>> -> memref<1x32768xf32, #tpu.memory_space<hbm>>
        %dma_start3A_98 = tpu.memref_squeeze %dma_start3A_97 : memref<1x32768xf32, #tpu.memory_space<hbm>> -> memref<32768xf32, #tpu.memory_space<hbm>>
        %dma_start3A_99 = arith.constant 0 : i32
        %dma_start3A_100 = tpu.memref_slice %arg2[%arg1, %dma_start3A_99] : memref<16x32768xf32, #tpu.memory_space<hbm>> -> memref<1x32768xf32, #tpu.memory_space<hbm>>
        %dma_start3A_101 = tpu.memref_squeeze %dma_start3A_100 : memref<1x32768xf32, #tpu.memory_space<hbm>> -> memref<32768xf32, #tpu.memory_space<hbm>>
        tpu.enqueue_dma source(%dma_start3A_101 : memref<32768xf32, #tpu.memory_space<hbm>>) target(%arg5 : memref<32768xf32, #tpu.memory_space<vmem>>) target_semaphore(%run_scoped3A_96 : memref<!tpu.dma_semaphore, #tpu.memory_space<semaphore_mem>>)
        %dma_wait3A = arith.constant 0 : i32
        %dma_wait3A_102 = tpu.memref_slice %arg2[%arg1, %dma_wait3A] : memref<16x32768xf32, #tpu.memory_space<hbm>> -> memref<1x32768xf32, #tpu.memory_space<hbm>>
        %dma_wait3A_103 = tpu.memref_squeeze %dma_wait3A_102 : memref<1x32768xf32, #tpu.memory_space<hbm>> -> memref<32768xf32, #tpu.memory_space<hbm>>
        %dma_wait3A_104 = arith.constant 0 : i32
        %dma_wait3A_105 = tpu.memref_slice %arg2[%arg1, %dma_wait3A_104] : memref<16x32768xf32, #tpu.memory_space<hbm>> -> memref<1x32768xf32, #tpu.memory_space<hbm>>
        %dma_wait3A_106 = tpu.memref_squeeze %dma_wait3A_105 : memref<1x32768xf32, #tpu.memory_space<hbm>> -> memref<32768xf32, #tpu.memory_space<hbm>>
        tpu.wait_dma2 semaphore(%run_scoped3A_96 : memref<!tpu.dma_semaphore, #tpu.memory_space<semaphore_mem>>) src(%dma_wait3A_106 : memref<32768xf32, #tpu.memory_space<hbm>>) dst(%arg5 : memref<32768xf32, #tpu.memory_space<vmem>>)
        tpu.yield
      }) : () -> ()
      %run_scoped3A = arith.constant 3 : i32
      "tpu.region"() ({
        %run_scoped3A_96 = tpu.sem_alloc : memref<!tpu.dma_semaphore, #tpu.memory_space<semaphore_mem>>
        %dma_start3A = arith.constant 0 : i32
        %dma_start3A_97 = tpu.memref_slice %arg3[%run_scoped3A, %dma_start3A] : memref<4x16xf32, #tpu.memory_space<hbm>> -> memref<1x16xf32, #tpu.memory_space<hbm>>
        %dma_start3A_98 = tpu.memref_squeeze %dma_start3A_97 : memref<1x16xf32, #tpu.memory_space<hbm>> -> memref<16xf32, #tpu.memory_space<hbm>>
        %dma_start3A_99 = arith.constant 0 : i32
        %dma_start3A_100 = tpu.memref_slice %arg3[%run_scoped3A, %dma_start3A_99] : memref<4x16xf32, #tpu.memory_space<hbm>> -> memref<1x16xf32, #tpu.memory_space<hbm>>
        %dma_start3A_101 = tpu.memref_squeeze %dma_start3A_100 : memref<1x16xf32, #tpu.memory_space<hbm>> -> memref<16xf32, #tpu.memory_space<hbm>>
        tpu.enqueue_dma source(%dma_start3A_101 : memref<16xf32, #tpu.memory_space<hbm>>) target(%arg8 : memref<16xf32, #tpu.memory_space<vmem>>) target_semaphore(%run_scoped3A_96 : memref<!tpu.dma_semaphore, #tpu.memory_space<semaphore_mem>>)
        %dma_wait3A = arith.constant 0 : i32
        %dma_wait3A_102 = tpu.memref_slice %arg3[%run_scoped3A, %dma_wait3A] : memref<4x16xf32, #tpu.memory_space<hbm>> -> memref<1x16xf32, #tpu.memory_space<hbm>>
        %dma_wait3A_103 = tpu.memref_squeeze %dma_wait3A_102 : memref<1x16xf32, #tpu.memory_space<hbm>> -> memref<16xf32, #tpu.memory_space<hbm>>
        %dma_wait3A_104 = arith.constant 0 : i32
        %dma_wait3A_105 = tpu.memref_slice %arg3[%run_scoped3A, %dma_wait3A_104] : memref<4x16xf32, #tpu.memory_space<hbm>> -> memref<1x16xf32, #tpu.memory_space<hbm>>
        %dma_wait3A_106 = tpu.memref_squeeze %dma_wait3A_105 : memref<1x16xf32, #tpu.memory_space<hbm>> -> memref<16xf32, #tpu.memory_space<hbm>>
        tpu.wait_dma2 semaphore(%run_scoped3A_96 : memref<!tpu.dma_semaphore, #tpu.memory_space<semaphore_mem>>) src(%dma_wait3A_106 : memref<16xf32, #tpu.memory_space<hbm>>) dst(%arg8 : memref<16xf32, #tpu.memory_space<vmem>>)
        tpu.yield
      }) : () -> ()
      %get3A = arith.constant 0 : index
      %get3A_3 = tpu.vector_load %arg8[%get3A] {strides = array<i32>} : memref<16xf32, #tpu.memory_space<vmem>>, vector<16xf32>,
      %eq3A_4 = vector.broadcast %arg1 : i32 to vector<16xi32>
      %eq3A_5 = arith.cmpi eq, %iota3A, %eq3A_4 : vector<16xi32>
      %mul3A = arith.constant 3.000000e+00 : f32
      %mul3A_6 = vector.broadcast %mul3A : f32 to vector<16xf32>
      %mul3A_7 = arith.mulf %mul3A_6, %get3A_3 : vector<16xf32>
      %min3A = arith.constant 3.276700e+04 : f32
      %min3A_8 = vector.broadcast %min3A : f32 to vector<16xf32>
      %min3A_9 = arith.minimumf %mul3A_7, %min3A_8 : vector<16xf32>
      %jit3A = arith.constant -1.000000e+00 : f32
      %broadcast_in_dim3A = vector.broadcast %jit3A : f32 to vector<16xf32>
      %select_n3A = arith.select %eq3A_5, %min3A_9, %broadcast_in_dim3A : vector<16xi1>, vector<16xf32>
      %reduce_max3A = arith.constant true
      %reduce_max3A_10 = vector.broadcast %reduce_max3A : i1 to vector<16xi1>
      %reduce_max3A_11 = tpu.scan <max>, %select_n3A masked %reduce_max3A_10 : vector<16xf32>, vector<16xi1> -> vector<16xf32>
      %reduce_max3A_12 = vector.extract %reduce_max3A_11[15] : f32 from vector<16xf32>
      %scan3A = arith.constant 0 : i32
      %scan3A_13 = arith.constant 0 : i32
      %scan3A_14 = arith.constant 128 : i32
      %scan3A_15 = arith.addi %scan3A_13, %scan3A_14 : i32
      %scan3A_16 = arith.constant 2 : i32
      %scan3A_17 = scf.for %scan3A_96 = %scan3A_13 to %scan3A_15 step %scan3A_16 iter_args(%scan3A_97 = %scan3A) -> (i32)  : i32 {
        %broadcast_in_dim3A_98 = arith.constant 0 : i32
        %broadcast_in_dim3A_99 = vector.broadcast %broadcast_in_dim3A_98 : i32 to vector<16xi32>
        %mul3A_100 = arith.constant 16 : i32
        %mul3A_101 = arith.muli %scan3A_96, %mul3A_100 : i32
        %swap3A_102 = arith.constant 0 : i32
        %swap3A_103 = arith.index_cast %swap3A_102 : i32 to index
        %swap3A_104 = arith.index_cast %mul3A_101 : i32 to index
        %swap3A_105 = tpu.vector_load %arg6[%swap3A_103, %swap3A_104] {strides = array<i32>} : memref<16x2048xi32, #tpu.memory_space<vmem>>, vector<16xi32>,
        tpu.vector_store %arg6[%swap3A_103, %swap3A_104], %broadcast_in_dim3A_99 {strides = array<i32>} : memref<16x2048xi32, #tpu.memory_space<vmem>>, vector<16xi32>,
        %broadcast_in_dim3A_106 = arith.constant 0 : i32
        %broadcast_in_dim3A_107 = vector.broadcast %broadcast_in_dim3A_106 : i32 to vector<16xi32>
        %mul3A_108 = arith.constant 16 : i32
        %mul3A_109 = arith.muli %scan3A_96, %mul3A_108 : i32
        %swap3A_110 = arith.constant 1 : i32
        %swap3A_111 = arith.index_cast %swap3A_110 : i32 to index
        %swap3A_112 = arith.index_cast %mul3A_109 : i32 to index
        %swap3A_113 = tpu.vector_load %arg6[%swap3A_111, %swap3A_112] {strides = array<i32>} : memref<16x2048xi32, #tpu.memory_space<vmem>>, vector<16xi32>,
        tpu.vector_store %arg6[%swap3A_111, %swap3A_112], %broadcast_in_dim3A_107 {strides = array<i32>} : memref<16x2048xi32, #tpu.memory_space<vmem>>, vector<16xi32>,
        %broadcast_in_dim3A_114 = arith.constant 0 : i32
        %broadcast_in_dim3A_115 = vector.broadcast %broadcast_in_dim3A_114 : i32 to vector<16xi32>
        %mul3A_116 = arith.constant 16 : i32
        %mul3A_117 = arith.muli %scan3A_96, %mul3A_116 : i32
        %swap3A_118 = arith.constant 2 : i32
        %swap3A_119 = arith.index_cast %swap3A_118 : i32 to index
        %swap3A_120 = arith.index_cast %mul3A_117 : i32 to index
        %swap3A_121 = tpu.vector_load %arg6[%swap3A_119, %swap3A_120] {strides = array<i32>} : memref<16x2048xi32, #tpu.memory_space<vmem>>, vector<16xi32>,
        tpu.vector_store %arg6[%swap3A_119, %swap3A_120], %broadcast_in_dim3A_115 {strides = array<i32>} : memref<16x2048xi32, #tpu.memory_space<vmem>>, vector<16xi32>,
        %broadcast_in_dim3A_122 = arith.constant 0 : i32
        %broadcast_in_dim3A_123 = vector.broadcast %broadcast_in_dim3A_122 : i32 to vector<16xi32>
        %mul3A_124 = arith.constant 16 : i32
        %mul3A_125 = arith.muli %scan3A_96, %mul3A_124 : i32
        %swap3A_126 = arith.constant 3 : i32
        %swap3A_127 = arith.index_cast %swap3A_126 : i32 to index
        %swap3A_128 = arith.index_cast %mul3A_125 : i32 to index
        %swap3A_129 = tpu.vector_load %arg6[%swap3A_127, %swap3A_128] {strides = array<i32>} : memref<16x2048xi32, #tpu.memory_space<vmem>>, vector<16xi32>,
        tpu.vector_store %arg6[%swap3A_127, %swap3A_128], %broadcast_in_dim3A_123 {strides = array<i32>} : memref<16x2048xi32, #tpu.memory_space<vmem>>, vector<16xi32>,
        %broadcast_in_dim3A_130 = arith.constant 0 : i32
        %broadcast_in_dim3A_131 = vector.broadcast %broadcast_in_dim3A_130 : i32 to vector<16xi32>
        %mul3A_132 = arith.constant 16 : i32
        %mul3A_133 = arith.muli %scan3A_96, %mul3A_132 : i32
        %swap3A_134 = arith.constant 4 : i32
        %swap3A_135 = arith.index_cast %swap3A_134 : i32 to index
        %swap3A_136 = arith.index_cast %mul3A_133 : i32 to index
        %swap3A_137 = tpu.vector_load %arg6[%swap3A_135, %swap3A_136] {strides = array<i32>} : memref<16x2048xi32, #tpu.memory_space<vmem>>, vector<16xi32>,
        tpu.vector_store %arg6[%swap3A_135, %swap3A_136], %broadcast_in_dim3A_131 {strides = array<i32>} : memref<16x2048xi32, #tpu.memory_space<vmem>>, vector<16xi32>,
        %broadcast_in_dim3A_138 = arith.constant 0 : i32
        %broadcast_in_dim3A_139 = vector.broadcast %broadcast_in_dim3A_138 : i32 to vector<16xi32>
        %mul3A_140 = arith.constant 16 : i32
        %mul3A_141 = arith.muli %scan3A_96, %mul3A_140 : i32
        %swap3A_142 = arith.constant 5 : i32
        %swap3A_143 = arith.index_cast %swap3A_142 : i32 to index
        %swap3A_144 = arith.index_cast %mul3A_141 : i32 to index
        %swap3A_145 = tpu.vector_load %arg6[%swap3A_143, %swap3A_144] {strides = array<i32>} : memref<16x2048xi32, #tpu.memory_space<vmem>>, vector<16xi32>,
        tpu.vector_store %arg6[%swap3A_143, %swap3A_144], %broadcast_in_dim3A_139 {strides = array<i32>} : memref<16x2048xi32, #tpu.memory_space<vmem>>, vector<16xi32>,
        %broadcast_in_dim3A_146 = arith.constant 0 : i32
        %broadcast_in_dim3A_147 = vector.broadcast %broadcast_in_dim3A_146 : i32 to vector<16xi32>
        %mul3A_148 = arith.constant 16 : i32
        %mul3A_149 = arith.muli %scan3A_96, %mul3A_148 : i32
        %swap3A_150 = arith.constant 6 : i32
        %swap3A_151 = arith.index_cast %swap3A_150 : i32 to index
        %swap3A_152 = arith.index_cast %mul3A_149 : i32 to index
        %swap3A_153 = tpu.vector_load %arg6[%swap3A_151, %swap3A_152] {strides = array<i32>} : memref<16x2048xi32, #tpu.memory_space<vmem>>, vector<16xi32>,
        tpu.vector_store %arg6[%swap3A_151, %swap3A_152], %broadcast_in_dim3A_147 {strides = array<i32>} : memref<16x2048xi32, #tpu.memory_space<vmem>>, vector<16xi32>,
        %broadcast_in_dim3A_154 = arith.constant 0 : i32
        %broadcast_in_dim3A_155 = vector.broadcast %broadcast_in_dim3A_154 : i32 to vector<16xi32>
        %mul3A_156 = arith.constant 16 : i32
        %mul3A_157 = arith.muli %scan3A_96, %mul3A_156 : i32
        %swap3A_158 = arith.constant 7 : i32
        %swap3A_159 = arith.index_cast %swap3A_158 : i32 to index
        %swap3A_160 = arith.index_cast %mul3A_157 : i32 to index
        %swap3A_161 = tpu.vector_load %arg6[%swap3A_159, %swap3A_160] {strides = array<i32>} : memref<16x2048xi32, #tpu.memory_space<vmem>>, vector<16xi32>,
        tpu.vector_store %arg6[%swap3A_159, %swap3A_160], %broadcast_in_dim3A_155 {strides = array<i32>} : memref<16x2048xi32, #tpu.memory_space<vmem>>, vector<16xi32>,
        %broadcast_in_dim3A_162 = arith.constant 0 : i32
        %broadcast_in_dim3A_163 = vector.broadcast %broadcast_in_dim3A_162 : i32 to vector<16xi32>
        %mul3A_164 = arith.constant 16 : i32
        %mul3A_165 = arith.muli %scan3A_96, %mul3A_164 : i32
        %swap3A_166 = arith.constant 8 : i32
        %swap3A_167 = arith.index_cast %swap3A_166 : i32 to index
        %swap3A_168 = arith.index_cast %mul3A_165 : i32 to index
        %swap3A_169 = tpu.vector_load %arg6[%swap3A_167, %swap3A_168] {strides = array<i32>} : memref<16x2048xi32, #tpu.memory_space<vmem>>, vector<16xi32>,
        tpu.vector_store %arg6[%swap3A_167, %swap3A_168], %broadcast_in_dim3A_163 {strides = array<i32>} : memref<16x2048xi32, #tpu.memory_space<vmem>>, vector<16xi32>,
        %broadcast_in_dim3A_170 = arith.constant 0 : i32
        %broadcast_in_dim3A_171 = vector.broadcast %broadcast_in_dim3A_170 : i32 to vector<16xi32>
        %mul3A_172 = arith.constant 16 : i32
        %mul3A_173 = arith.muli %scan3A_96, %mul3A_172 : i32
        %swap3A_174 = arith.constant 9 : i32
        %swap3A_175 = arith.index_cast %swap3A_174 : i32 to index
        %swap3A_176 = arith.index_cast %mul3A_173 : i32 to index
        %swap3A_177 = tpu.vector_load %arg6[%swap3A_175, %swap3A_176] {strides = array<i32>} : memref<16x2048xi32, #tpu.memory_space<vmem>>, vector<16xi32>,
        tpu.vector_store %arg6[%swap3A_175, %swap3A_176], %broadcast_in_dim3A_171 {strides = array<i32>} : memref<16x2048xi32, #tpu.memory_space<vmem>>, vector<16xi32>,
        %broadcast_in_dim3A_178 = arith.constant 0 : i32
        %broadcast_in_dim3A_179 = vector.broadcast %broadcast_in_dim3A_178 : i32 to vector<16xi32>
        %mul3A_180 = arith.constant 16 : i32
        %mul3A_181 = arith.muli %scan3A_96, %mul3A_180 : i32
        %swap3A_182 = arith.constant 10 : i32
        %swap3A_183 = arith.index_cast %swap3A_182 : i32 to index
        %swap3A_184 = arith.index_cast %mul3A_181 : i32 to index
        %swap3A_185 = tpu.vector_load %arg6[%swap3A_183, %swap3A_184] {strides = array<i32>} : memref<16x2048xi32, #tpu.memory_space<vmem>>, vector<16xi32>,
        tpu.vector_store %arg6[%swap3A_183, %swap3A_184], %broadcast_in_dim3A_179 {strides = array<i32>} : memref<16x2048xi32, #tpu.memory_space<vmem>>, vector<16xi32>,
        %broadcast_in_dim3A_186 = arith.constant 0 : i32
        %broadcast_in_dim3A_187 = vector.broadcast %broadcast_in_dim3A_186 : i32 to vector<16xi32>
        %mul3A_188 = arith.constant 16 : i32
        %mul3A_189 = arith.muli %scan3A_96, %mul3A_188 : i32
        %swap3A_190 = arith.constant 11 : i32
        %swap3A_191 = arith.index_cast %swap3A_190 : i32 to index
        %swap3A_192 = arith.index_cast %mul3A_189 : i32 to index
        %swap3A_193 = tpu.vector_load %arg6[%swap3A_191, %swap3A_192] {strides = array<i32>} : memref<16x2048xi32, #tpu.memory_space<vmem>>, vector<16xi32>,
        tpu.vector_store %arg6[%swap3A_191, %swap3A_192], %broadcast_in_dim3A_187 {strides = array<i32>} : memref<16x2048xi32, #tpu.memory_space<vmem>>, vector<16xi32>,
        %broadcast_in_dim3A_194 = arith.constant 0 : i32
        %broadcast_in_dim3A_195 = vector.broadcast %broadcast_in_dim3A_194 : i32 to vector<16xi32>
        %mul3A_196 = arith.constant 16 : i32
        %mul3A_197 = arith.muli %scan3A_96, %mul3A_196 : i32
        %swap3A_198 = arith.constant 12 : i32
        %swap3A_199 = arith.index_cast %swap3A_198 : i32 to index
        %swap3A_200 = arith.index_cast %mul3A_197 : i32 to index
        %swap3A_201 = tpu.vector_load %arg6[%swap3A_199, %swap3A_200] {strides = array<i32>} : memref<16x2048xi32, #tpu.memory_space<vmem>>, vector<16xi32>,
        tpu.vector_store %arg6[%swap3A_199, %swap3A_200], %broadcast_in_dim3A_195 {strides = array<i32>} : memref<16x2048xi32, #tpu.memory_space<vmem>>, vector<16xi32>,
        %broadcast_in_dim3A_202 = arith.constant 0 : i32
        %broadcast_in_dim3A_203 = vector.broadcast %broadcast_in_dim3A_202 : i32 to vector<16xi32>
        %mul3A_204 = arith.constant 16 : i32
        %mul3A_205 = arith.muli %scan3A_96, %mul3A_204 : i32
        %swap3A_206 = arith.constant 13 : i32
        %swap3A_207 = arith.index_cast %swap3A_206 : i32 to index
        %swap3A_208 = arith.index_cast %mul3A_205 : i32 to index
        %swap3A_209 = tpu.vector_load %arg6[%swap3A_207, %swap3A_208] {strides = array<i32>} : memref<16x2048xi32, #tpu.memory_space<vmem>>, vector<16xi32>,
        tpu.vector_store %arg6[%swap3A_207, %swap3A_208], %broadcast_in_dim3A_203 {strides = array<i32>} : memref<16x2048xi32, #tpu.memory_space<vmem>>, vector<16xi32>,
        %broadcast_in_dim3A_210 = arith.constant 0 : i32
        %broadcast_in_dim3A_211 = vector.broadcast %broadcast_in_dim3A_210 : i32 to vector<16xi32>
        %mul3A_212 = arith.constant 16 : i32
        %mul3A_213 = arith.muli %scan3A_96, %mul3A_212 : i32
        %swap3A_214 = arith.constant 14 : i32
        %swap3A_215 = arith.index_cast %swap3A_214 : i32 to index
        %swap3A_216 = arith.index_cast %mul3A_213 : i32 to index
        %swap3A_217 = tpu.vector_load %arg6[%swap3A_215, %swap3A_216] {strides = array<i32>} : memref<16x2048xi32, #tpu.memory_space<vmem>>, vector<16xi32>,
        tpu.vector_store %arg6[%swap3A_215, %swap3A_216], %broadcast_in_dim3A_211 {strides = array<i32>} : memref<16x2048xi32, #tpu.memory_space<vmem>>, vector<16xi32>,
        %broadcast_in_dim3A_218 = arith.constant 0 : i32
        %broadcast_in_dim3A_219 = vector.broadcast %broadcast_in_dim3A_218 : i32 to vector<16xi32>
        %mul3A_220 = arith.constant 16 : i32
        %mul3A_221 = arith.muli %scan3A_96, %mul3A_220 : i32
        %swap3A_222 = arith.constant 15 : i32
        %swap3A_223 = arith.index_cast %swap3A_222 : i32 to index
        %swap3A_224 = arith.index_cast %mul3A_221 : i32 to index
        %swap3A_225 = tpu.vector_load %arg6[%swap3A_223, %swap3A_224] {strides = array<i32>} : memref<16x2048xi32, #tpu.memory_space<vmem>>, vector<16xi32>,
        tpu.vector_store %arg6[%swap3A_223, %swap3A_224], %broadcast_in_dim3A_219 {strides = array<i32>} : memref<16x2048xi32, #tpu.memory_space<vmem>>, vector<16xi32>,
        %scan3A_226 = arith.constant 0 : i32
        %scan3A_227 = arith.constant 1 : i32
        %scan3A_228 = arith.addi %scan3A_96, %scan3A_227 : i32
        %broadcast_in_dim3A_229 = arith.constant 0 : i32
        %broadcast_in_dim3A_230 = vector.broadcast %broadcast_in_dim3A_229 : i32 to vector<16xi32>
        %mul3A_231 = arith.constant 16 : i32
        %mul3A_232 = arith.muli %scan3A_228, %mul3A_231 : i32
        %swap3A_233 = arith.constant 0 : i32
        %swap3A_234 = arith.index_cast %swap3A_233 : i32 to index
        %swap3A_235 = arith.index_cast %mul3A_232 : i32 to index
        %swap3A_236 = tpu.vector_load %arg6[%swap3A_234, %swap3A_235] {strides = array<i32>} : memref<16x2048xi32, #tpu.memory_space<vmem>>, vector<16xi32>,
        tpu.vector_store %arg6[%swap3A_234, %swap3A_235], %broadcast_in_dim3A_230 {strides = array<i32>} : memref<16x2048xi32, #tpu.memory_space<vmem>>, vector<16xi32>,
        %broadcast_in_dim3A_237 = arith.constant 0 : i32
        %broadcast_in_dim3A_238 = vector.broadcast %broadcast_in_dim3A_237 : i32 to vector<16xi32>
        %mul3A_239 = arith.constant 16 : i32
        %mul3A_240 = arith.muli %scan3A_228, %mul3A_239 : i32
        %swap3A_241 = arith.constant 1 : i32
        %swap3A_242 = arith.index_cast %swap3A_241 : i32 to index
        %swap3A_243 = arith.index_cast %mul3A_240 : i32 to index
        %swap3A_244 = tpu.vector_load %arg6[%swap3A_242, %swap3A_243] {strides = array<i32>} : memref<16x2048xi32, #tpu.memory_space<vmem>>, vector<16xi32>,
        tpu.vector_store %arg6[%swap3A_242, %swap3A_243], %broadcast_in_dim3A_238 {strides = array<i32>} : memref<16x2048xi32, #tpu.memory_space<vmem>>, vector<16xi32>,
        %broadcast_in_dim3A_245 = arith.constant 0 : i32
        %broadcast_in_dim3A_246 = vector.broadcast %broadcast_in_dim3A_245 : i32 to vector<16xi32>
        %mul3A_247 = arith.constant 16 : i32
        %mul3A_248 = arith.muli %scan3A_228, %mul3A_247 : i32
        %swap3A_249 = arith.constant 2 : i32
        %swap3A_250 = arith.index_cast %swap3A_249 : i32 to index
        %swap3A_251 = arith.index_cast %mul3A_248 : i32 to index
        %swap3A_252 = tpu.vector_load %arg6[%swap3A_250, %swap3A_251] {strides = array<i32>} : memref<16x2048xi32, #tpu.memory_space<vmem>>, vector<16xi32>,
        tpu.vector_store %arg6[%swap3A_250, %swap3A_251], %broadcast_in_dim3A_246 {strides = array<i32>} : memref<16x2048xi32, #tpu.memory_space<vmem>>, vector<16xi32>,
        %broadcast_in_dim3A_253 = arith.constant 0 : i32
        %broadcast_in_dim3A_254 = vector.broadcast %broadcast_in_dim3A_253 : i32 to vector<16xi32>
        %mul3A_255 = arith.constant 16 : i32
        %mul3A_256 = arith.muli %scan3A_228, %mul3A_255 : i32
        %swap3A_257 = arith.constant 3 : i32
        %swap3A_258 = arith.index_cast %swap3A_257 : i32 to index
        %swap3A_259 = arith.index_cast %mul3A_256 : i32 to index
        %swap3A_260 = tpu.vector_load %arg6[%swap3A_258, %swap3A_259] {strides = array<i32>} : memref<16x2048xi32, #tpu.memory_space<vmem>>, vector<16xi32>,
        tpu.vector_store %arg6[%swap3A_258, %swap3A_259], %broadcast_in_dim3A_254 {strides = array<i32>} : memref<16x2048xi32, #tpu.memory_space<vmem>>, vector<16xi32>,
        %broadcast_in_dim3A_261 = arith.constant 0 : i32
        %broadcast_in_dim3A_262 = vector.broadcast %broadcast_in_dim3A_261 : i32 to vector<16xi32>
        %mul3A_263 = arith.constant 16 : i32
        %mul3A_264 = arith.muli %scan3A_228, %mul3A_263 : i32
        %swap3A_265 = arith.constant 4 : i32
        %swap3A_266 = arith.index_cast %swap3A_265 : i32 to index
        %swap3A_267 = arith.index_cast %mul3A_264 : i32 to index
        %swap3A_268 = tpu.vector_load %arg6[%swap3A_266, %swap3A_267] {strides = array<i32>} : memref<16x2048xi32, #tpu.memory_space<vmem>>, vector<16xi32>,
        tpu.vector_store %arg6[%swap3A_266, %swap3A_267], %broadcast_in_dim3A_262 {strides = array<i32>} : memref<16x2048xi32, #tpu.memory_space<vmem>>, vector<16xi32>,
        %broadcast_in_dim3A_269 = arith.constant 0 : i32
        %broadcast_in_dim3A_270 = vector.broadcast %broadcast_in_dim3A_269 : i32 to vector<16xi32>
        %mul3A_271 = arith.constant 16 : i32
        %mul3A_272 = arith.muli %scan3A_228, %mul3A_271 : i32
        %swap3A_273 = arith.constant 5 : i32
        %swap3A_274 = arith.index_cast %swap3A_273 : i32 to index
        %swap3A_275 = arith.index_cast %mul3A_272 : i32 to index
        %swap3A_276 = tpu.vector_load %arg6[%swap3A_274, %swap3A_275] {strides = array<i32>} : memref<16x2048xi32, #tpu.memory_space<vmem>>, vector<16xi32>,
        tpu.vector_store %arg6[%swap3A_274, %swap3A_275], %broadcast_in_dim3A_270 {strides = array<i32>} : memref<16x2048xi32, #tpu.memory_space<vmem>>, vector<16xi32>,
        %broadcast_in_dim3A_277 = arith.constant 0 : i32
        %broadcast_in_dim3A_278 = vector.broadcast %broadcast_in_dim3A_277 : i32 to vector<16xi32>
        %mul3A_279 = arith.constant 16 : i32
        %mul3A_280 = arith.muli %scan3A_228, %mul3A_279 : i32
        %swap3A_281 = arith.constant 6 : i32
        %swap3A_282 = arith.index_cast %swap3A_281 : i32 to index
        %swap3A_283 = arith.index_cast %mul3A_280 : i32 to index
        %swap3A_284 = tpu.vector_load %arg6[%swap3A_282, %swap3A_283] {strides = array<i32>} : memref<16x2048xi32, #tpu.memory_space<vmem>>, vector<16xi32>,
        tpu.vector_store %arg6[%swap3A_282, %swap3A_283], %broadcast_in_dim3A_278 {strides = array<i32>} : memref<16x2048xi32, #tpu.memory_space<vmem>>, vector<16xi32>,
        %broadcast_in_dim3A_285 = arith.constant 0 : i32
        %broadcast_in_dim3A_286 = vector.broadcast %broadcast_in_dim3A_285 : i32 to vector<16xi32>
        %mul3A_287 = arith.constant 16 : i32
        %mul3A_288 = arith.muli %scan3A_228, %mul3A_287 : i32
        %swap3A_289 = arith.constant 7 : i32
        %swap3A_290 = arith.index_cast %swap3A_289 : i32 to index
        %swap3A_291 = arith.index_cast %mul3A_288 : i32 to index
        %swap3A_292 = tpu.vector_load %arg6[%swap3A_290, %swap3A_291] {strides = array<i32>} : memref<16x2048xi32, #tpu.memory_space<vmem>>, vector<16xi32>,
        tpu.vector_store %arg6[%swap3A_290, %swap3A_291], %broadcast_in_dim3A_286 {strides = array<i32>} : memref<16x2048xi32, #tpu.memory_space<vmem>>, vector<16xi32>,
        %broadcast_in_dim3A_293 = arith.constant 0 : i32
        %broadcast_in_dim3A_294 = vector.broadcast %broadcast_in_dim3A_293 : i32 to vector<16xi32>
        %mul3A_295 = arith.constant 16 : i32
        %mul3A_296 = arith.muli %scan3A_228, %mul3A_295 : i32
        %swap3A_297 = arith.constant 8 : i32
        %swap3A_298 = arith.index_cast %swap3A_297 : i32 to index
        %swap3A_299 = arith.index_cast %mul3A_296 : i32 to index
        %swap3A_300 = tpu.vector_load %arg6[%swap3A_298, %swap3A_299] {strides = array<i32>} : memref<16x2048xi32, #tpu.memory_space<vmem>>, vector<16xi32>,
        tpu.vector_store %arg6[%swap3A_298, %swap3A_299], %broadcast_in_dim3A_294 {strides = array<i32>} : memref<16x2048xi32, #tpu.memory_space<vmem>>, vector<16xi32>,
        %broadcast_in_dim3A_301 = arith.constant 0 : i32
        %broadcast_in_dim3A_302 = vector.broadcast %broadcast_in_dim3A_301 : i32 to vector<16xi32>
        %mul3A_303 = arith.constant 16 : i32
        %mul3A_304 = arith.muli %scan3A_228, %mul3A_303 : i32
        %swap3A_305 = arith.constant 9 : i32
        %swap3A_306 = arith.index_cast %swap3A_305 : i32 to index
        %swap3A_307 = arith.index_cast %mul3A_304 : i32 to index
        %swap3A_308 = tpu.vector_load %arg6[%swap3A_306, %swap3A_307] {strides = array<i32>} : memref<16x2048xi32, #tpu.memory_space<vmem>>, vector<16xi32>,
        tpu.vector_store %arg6[%swap3A_306, %swap3A_307], %broadcast_in_dim3A_302 {strides = array<i32>} : memref<16x2048xi32, #tpu.memory_space<vmem>>, vector<16xi32>,
        %broadcast_in_dim3A_309 = arith.constant 0 : i32
        %broadcast_in_dim3A_310 = vector.broadcast %broadcast_in_dim3A_309 : i32 to vector<16xi32>
        %mul3A_311 = arith.constant 16 : i32
        %mul3A_312 = arith.muli %scan3A_228, %mul3A_311 : i32
        %swap3A_313 = arith.constant 10 : i32
        %swap3A_314 = arith.index_cast %swap3A_313 : i32 to index
        %swap3A_315 = arith.index_cast %mul3A_312 : i32 to index
        %swap3A_316 = tpu.vector_load %arg6[%swap3A_314, %swap3A_315] {strides = array<i32>} : memref<16x2048xi32, #tpu.memory_space<vmem>>, vector<16xi32>,
        tpu.vector_store %arg6[%swap3A_314, %swap3A_315], %broadcast_in_dim3A_310 {strides = array<i32>} : memref<16x2048xi32, #tpu.memory_space<vmem>>, vector<16xi32>,
        %broadcast_in_dim3A_317 = arith.constant 0 : i32
        %broadcast_in_dim3A_318 = vector.broadcast %broadcast_in_dim3A_317 : i32 to vector<16xi32>
        %mul3A_319 = arith.constant 16 : i32
        %mul3A_320 = arith.muli %scan3A_228, %mul3A_319 : i32
        %swap3A_321 = arith.constant 11 : i32
        %swap3A_322 = arith.index_cast %swap3A_321 : i32 to index
        %swap3A_323 = arith.index_cast %mul3A_320 : i32 to index
        %swap3A_324 = tpu.vector_load %arg6[%swap3A_322, %swap3A_323] {strides = array<i32>} : memref<16x2048xi32, #tpu.memory_space<vmem>>, vector<16xi32>,
        tpu.vector_store %arg6[%swap3A_322, %swap3A_323], %broadcast_in_dim3A_318 {strides = array<i32>} : memref<16x2048xi32, #tpu.memory_space<vmem>>, vector<16xi32>,
        %broadcast_in_dim3A_325 = arith.constant 0 : i32
        %broadcast_in_dim3A_326 = vector.broadcast %broadcast_in_dim3A_325 : i32 to vector<16xi32>
        %mul3A_327 = arith.constant 16 : i32
        %mul3A_328 = arith.muli %scan3A_228, %mul3A_327 : i32
        %swap3A_329 = arith.constant 12 : i32
        %swap3A_330 = arith.index_cast %swap3A_329 : i32 to index
        %swap3A_331 = arith.index_cast %mul3A_328 : i32 to index
        %swap3A_332 = tpu.vector_load %arg6[%swap3A_330, %swap3A_331] {strides = array<i32>} : memref<16x2048xi32, #tpu.memory_space<vmem>>, vector<16xi32>,
        tpu.vector_store %arg6[%swap3A_330, %swap3A_331], %broadcast_in_dim3A_326 {strides = array<i32>} : memref<16x2048xi32, #tpu.memory_space<vmem>>, vector<16xi32>,
        %broadcast_in_dim3A_333 = arith.constant 0 : i32
        %broadcast_in_dim3A_334 = vector.broadcast %broadcast_in_dim3A_333 : i32 to vector<16xi32>
        %mul3A_335 = arith.constant 16 : i32
        %mul3A_336 = arith.muli %scan3A_228, %mul3A_335 : i32
        %swap3A_337 = arith.constant 13 : i32
        %swap3A_338 = arith.index_cast %swap3A_337 : i32 to index
        %swap3A_339 = arith.index_cast %mul3A_336 : i32 to index
        %swap3A_340 = tpu.vector_load %arg6[%swap3A_338, %swap3A_339] {strides = array<i32>} : memref<16x2048xi32, #tpu.memory_space<vmem>>, vector<16xi32>,
        tpu.vector_store %arg6[%swap3A_338, %swap3A_339], %broadcast_in_dim3A_334 {strides = array<i32>} : memref<16x2048xi32, #tpu.memory_space<vmem>>, vector<16xi32>,
        %broadcast_in_dim3A_341 = arith.constant 0 : i32
        %broadcast_in_dim3A_342 = vector.broadcast %broadcast_in_dim3A_341 : i32 to vector<16xi32>
        %mul3A_343 = arith.constant 16 : i32
        %mul3A_344 = arith.muli %scan3A_228, %mul3A_343 : i32
        %swap3A_345 = arith.constant 14 : i32
        %swap3A_346 = arith.index_cast %swap3A_345 : i32 to index
        %swap3A_347 = arith.index_cast %mul3A_344 : i32 to index
        %swap3A_348 = tpu.vector_load %arg6[%swap3A_346, %swap3A_347] {strides = array<i32>} : memref<16x2048xi32, #tpu.memory_space<vmem>>, vector<16xi32>,
        tpu.vector_store %arg6[%swap3A_346, %swap3A_347], %broadcast_in_dim3A_342 {strides = array<i32>} : memref<16x2048xi32, #tpu.memory_space<vmem>>, vector<16xi32>,
        %broadcast_in_dim3A_349 = arith.constant 0 : i32
        %broadcast_in_dim3A_350 = vector.broadcast %broadcast_in_dim3A_349 : i32 to vector<16xi32>
        %mul3A_351 = arith.constant 16 : i32
        %mul3A_352 = arith.muli %scan3A_228, %mul3A_351 : i32
        %swap3A_353 = arith.constant 15 : i32
        %swap3A_354 = arith.index_cast %swap3A_353 : i32 to index
        %swap3A_355 = arith.index_cast %mul3A_352 : i32 to index
        %swap3A_356 = tpu.vector_load %arg6[%swap3A_354, %swap3A_355] {strides = array<i32>} : memref<16x2048xi32, #tpu.memory_space<vmem>>, vector<16xi32>,
        tpu.vector_store %arg6[%swap3A_354, %swap3A_355], %broadcast_in_dim3A_350 {strides = array<i32>} : memref<16x2048xi32, #tpu.memory_space<vmem>>, vector<16xi32>,
        %scan3A_357 = arith.constant 0 : i32
        scf.yield %scan3A_357 : i32
      }
      %scan3A_18 = arith.constant 128 : i32
      %broadcast_in_dim3A_19 = arith.constant 1 : i32
      %broadcast_in_dim3A_20 = vector.broadcast %broadcast_in_dim3A_19 : i32 to vector<16xi32>
      %scan3A_21 = arith.constant 0 : i32
      %scan3A_22 = arith.constant 0 : i32
      %scan3A_23 = arith.constant 2048 : i32
      %scan3A_24 = arith.addi %scan3A_22, %scan3A_23 : i32
      %scan3A_25 = arith.constant 4 : i32
      %scan3A_26 = scf.for %scan3A_96 = %scan3A_22 to %scan3A_24 step %scan3A_25 iter_args(%scan3A_97 = %scan3A_21) -> (i32)  : i32 {
        %mul3A_98 = arith.constant 16 : i32
        %mul3A_99 = arith.muli %scan3A_96, %mul3A_98 : i32
        %get3A_100 = arith.index_cast %mul3A_99 : i32 to index
        %get3A_101 = tpu.vector_load %arg5[%get3A_100] {strides = array<i32>} : memref<32768xf32, #tpu.memory_space<vmem>>, vector<16xf32>,
        %bitcast3A_102 = vector.bitcast %get3A_101 : vector<16xf32> to vector<16xi32>
        %shift_right_logical3A_103 = arith.constant 20 : i32
        %shift_right_logical3A_104 = vector.broadcast %shift_right_logical3A_103 : i32 to vector<16xi32>
        %shift_right_logical3A_105 = arith.shrui %bitcast3A_102, %shift_right_logical3A_104 : vector<16xi32>
        tpu.vector_store_idx %arg6[%iota3A, %shift_right_logical3A_105], %broadcast_in_dim3A_20 {add = true} : memref<16x2048xi32, #tpu.memory_space<vmem>>[vector<16xi32>, vector<16xi32>], vector<16xi32>,
        %scan3A_106 = arith.constant 0 : i32
        %scan3A_107 = arith.constant 1 : i32
        %scan3A_108 = arith.addi %scan3A_96, %scan3A_107 : i32
        %mul3A_109 = arith.constant 16 : i32
        %mul3A_110 = arith.muli %scan3A_108, %mul3A_109 : i32
        %get3A_111 = arith.index_cast %mul3A_110 : i32 to index
        %get3A_112 = tpu.vector_load %arg5[%get3A_111] {strides = array<i32>} : memref<32768xf32, #tpu.memory_space<vmem>>, vector<16xf32>,
        %bitcast3A_113 = vector.bitcast %get3A_112 : vector<16xf32> to vector<16xi32>
        %shift_right_logical3A_114 = arith.constant 20 : i32
        %shift_right_logical3A_115 = vector.broadcast %shift_right_logical3A_114 : i32 to vector<16xi32>
        %shift_right_logical3A_116 = arith.shrui %bitcast3A_113, %shift_right_logical3A_115 : vector<16xi32>
        tpu.vector_store_idx %arg6[%iota3A, %shift_right_logical3A_116], %broadcast_in_dim3A_20 {add = true} : memref<16x2048xi32, #tpu.memory_space<vmem>>[vector<16xi32>, vector<16xi32>], vector<16xi32>,
        %scan3A_117 = arith.constant 0 : i32
        %scan3A_118 = arith.constant 2 : i32
        %scan3A_119 = arith.addi %scan3A_96, %scan3A_118 : i32
        %mul3A_120 = arith.constant 16 : i32
        %mul3A_121 = arith.muli %scan3A_119, %mul3A_120 : i32
        %get3A_122 = arith.index_cast %mul3A_121 : i32 to index
        %get3A_123 = tpu.vector_load %arg5[%get3A_122] {strides = array<i32>} : memref<32768xf32, #tpu.memory_space<vmem>>, vector<16xf32>,
        %bitcast3A_124 = vector.bitcast %get3A_123 : vector<16xf32> to vector<16xi32>
        %shift_right_logical3A_125 = arith.constant 20 : i32
        %shift_right_logical3A_126 = vector.broadcast %shift_right_logical3A_125 : i32 to vector<16xi32>
        %shift_right_logical3A_127 = arith.shrui %bitcast3A_124, %shift_right_logical3A_126 : vector<16xi32>
        tpu.vector_store_idx %arg6[%iota3A, %shift_right_logical3A_127], %broadcast_in_dim3A_20 {add = true} : memref<16x2048xi32, #tpu.memory_space<vmem>>[vector<16xi32>, vector<16xi32>], vector<16xi32>,
        %scan3A_128 = arith.constant 0 : i32
        %scan3A_129 = arith.constant 3 : i32
        %scan3A_130 = arith.addi %scan3A_96, %scan3A_129 : i32
        %mul3A_131 = arith.constant 16 : i32
        %mul3A_132 = arith.muli %scan3A_130, %mul3A_131 : i32
        %get3A_133 = arith.index_cast %mul3A_132 : i32 to index
        %get3A_134 = tpu.vector_load %arg5[%get3A_133] {strides = array<i32>} : memref<32768xf32, #tpu.memory_space<vmem>>, vector<16xf32>,
        %bitcast3A_135 = vector.bitcast %get3A_134 : vector<16xf32> to vector<16xi32>
        %shift_right_logical3A_136 = arith.constant 20 : i32
        %shift_right_logical3A_137 = vector.broadcast %shift_right_logical3A_136 : i32 to vector<16xi32>
        %shift_right_logical3A_138 = arith.shrui %bitcast3A_135, %shift_right_logical3A_137 : vector<16xi32>
        tpu.vector_store_idx %arg6[%iota3A, %shift_right_logical3A_138], %broadcast_in_dim3A_20 {add = true} : memref<16x2048xi32, #tpu.memory_space<vmem>>[vector<16xi32>, vector<16xi32>], vector<16xi32>,
        %scan3A_139 = arith.constant 0 : i32
        scf.yield %scan3A_139 : i32
      }
      %scan3A_27 = arith.constant 2048 : i32
      %scan3A_28 = arith.constant 0.000000e+00 : f32
      %scan3A_29 = arith.constant false
      %scan3A_30 = arith.constant 0 : i32
      %scan3A_31 = arith.constant 0.000000e+00 : f32
      %scan3A_32 = arith.constant 0 : i32
      %scan3A_33 = arith.constant 128 : i32
      %scan3A_34 = arith.addi %scan3A_32, %scan3A_33 : i32
      %scan3A_35 = arith.constant 1 : i32
      %scan3A_36:4 = scf.for %scan3A_96 = %scan3A_32 to %scan3A_34 step %scan3A_35 iter_args(%scan3A_97 = %scan3A_28, %scan3A_98 = %scan3A_29, %scan3A_99 = %scan3A_30, %scan3A_100 = %scan3A_31) -> (f32, i1, i32, f32)  : i32 {
        %sub3A_101 = arith.constant 127 : i32
        %sub3A_102 = arith.subi %sub3A_101, %scan3A_96 : i32
        %mul3A_103 = arith.constant 16 : i32
        %mul3A_104 = arith.muli %sub3A_102, %mul3A_103 : i32
        %get3A_105 = arith.constant 0 : i32
        %get3A_106 = arith.index_cast %get3A_105 : i32 to index
        %get3A_107 = arith.index_cast %mul3A_104 : i32 to index
        %get3A_108 = tpu.vector_load %arg6[%get3A_106, %get3A_107] {strides = array<i32>} : memref<16x2048xi32, #tpu.memory_space<vmem>>, vector<16xi32>,
        %get3A_109 = arith.constant 1 : i32
        %get3A_110 = arith.index_cast %get3A_109 : i32 to index
        %get3A_111 = arith.index_cast %mul3A_104 : i32 to index
        %get3A_112 = tpu.vector_load %arg6[%get3A_110, %get3A_111] {strides = array<i32>} : memref<16x2048xi32, #tpu.memory_space<vmem>>, vector<16xi32>,
        %add3A_113 = arith.addi %get3A_108, %get3A_112 : vector<16xi32>
        %get3A_114 = arith.constant 2 : i32
        %get3A_115 = arith.index_cast %get3A_114 : i32 to index
        %get3A_116 = arith.index_cast %mul3A_104 : i32 to index
        %get3A_117 = tpu.vector_load %arg6[%get3A_115, %get3A_116] {strides = array<i32>} : memref<16x2048xi32, #tpu.memory_space<vmem>>, vector<16xi32>,
        %add3A_118 = arith.addi %add3A_113, %get3A_117 : vector<16xi32>
        %get3A_119 = arith.constant 3 : i32
        %get3A_120 = arith.index_cast %get3A_119 : i32 to index
        %get3A_121 = arith.index_cast %mul3A_104 : i32 to index
        %get3A_122 = tpu.vector_load %arg6[%get3A_120, %get3A_121] {strides = array<i32>} : memref<16x2048xi32, #tpu.memory_space<vmem>>, vector<16xi32>,
        %add3A_123 = arith.addi %add3A_118, %get3A_122 : vector<16xi32>
        %get3A_124 = arith.constant 4 : i32
        %get3A_125 = arith.index_cast %get3A_124 : i32 to index
        %get3A_126 = arith.index_cast %mul3A_104 : i32 to index
        %get3A_127 = tpu.vector_load %arg6[%get3A_125, %get3A_126] {strides = array<i32>} : memref<16x2048xi32, #tpu.memory_space<vmem>>, vector<16xi32>,
        %add3A_128 = arith.addi %add3A_123, %get3A_127 : vector<16xi32>
        %get3A_129 = arith.constant 5 : i32
        %get3A_130 = arith.index_cast %get3A_129 : i32 to index
        %get3A_131 = arith.index_cast %mul3A_104 : i32 to index
        %get3A_132 = tpu.vector_load %arg6[%get3A_130, %get3A_131] {strides = array<i32>} : memref<16x2048xi32, #tpu.memory_space<vmem>>, vector<16xi32>,
        %add3A_133 = arith.addi %add3A_128, %get3A_132 : vector<16xi32>
        %get3A_134 = arith.constant 6 : i32
        %get3A_135 = arith.index_cast %get3A_134 : i32 to index
        %get3A_136 = arith.index_cast %mul3A_104 : i32 to index
        %get3A_137 = tpu.vector_load %arg6[%get3A_135, %get3A_136] {strides = array<i32>} : memref<16x2048xi32, #tpu.memory_space<vmem>>, vector<16xi32>,
        %add3A_138 = arith.addi %add3A_133, %get3A_137 : vector<16xi32>
        %get3A_139 = arith.constant 7 : i32
        %get3A_140 = arith.index_cast %get3A_139 : i32 to index
        %get3A_141 = arith.index_cast %mul3A_104 : i32 to index
        %get3A_142 = tpu.vector_load %arg6[%get3A_140, %get3A_141] {strides = array<i32>} : memref<16x2048xi32, #tpu.memory_space<vmem>>, vector<16xi32>,
        %add3A_143 = arith.addi %add3A_138, %get3A_142 : vector<16xi32>
        %get3A_144 = arith.constant 8 : i32
        %get3A_145 = arith.index_cast %get3A_144 : i32 to index
        %get3A_146 = arith.index_cast %mul3A_104 : i32 to index
        %get3A_147 = tpu.vector_load %arg6[%get3A_145, %get3A_146] {strides = array<i32>} : memref<16x2048xi32, #tpu.memory_space<vmem>>, vector<16xi32>,
        %add3A_148 = arith.addi %add3A_143, %get3A_147 : vector<16xi32>
        %get3A_149 = arith.constant 9 : i32
        %get3A_150 = arith.index_cast %get3A_149 : i32 to index
        %get3A_151 = arith.index_cast %mul3A_104 : i32 to index
        %get3A_152 = tpu.vector_load %arg6[%get3A_150, %get3A_151] {strides = array<i32>} : memref<16x2048xi32, #tpu.memory_space<vmem>>, vector<16xi32>,
        %add3A_153 = arith.addi %add3A_148, %get3A_152 : vector<16xi32>
        %get3A_154 = arith.constant 10 : i32
        %get3A_155 = arith.index_cast %get3A_154 : i32 to index
        %get3A_156 = arith.index_cast %mul3A_104 : i32 to index
        %get3A_157 = tpu.vector_load %arg6[%get3A_155, %get3A_156] {strides = array<i32>} : memref<16x2048xi32, #tpu.memory_space<vmem>>, vector<16xi32>,
        %add3A_158 = arith.addi %add3A_153, %get3A_157 : vector<16xi32>
        %get3A_159 = arith.constant 11 : i32
        %get3A_160 = arith.index_cast %get3A_159 : i32 to index
        %get3A_161 = arith.index_cast %mul3A_104 : i32 to index
        %get3A_162 = tpu.vector_load %arg6[%get3A_160, %get3A_161] {strides = array<i32>} : memref<16x2048xi32, #tpu.memory_space<vmem>>, vector<16xi32>,
        %add3A_163 = arith.addi %add3A_158, %get3A_162 : vector<16xi32>
        %get3A_164 = arith.constant 12 : i32
        %get3A_165 = arith.index_cast %get3A_164 : i32 to index
        %get3A_166 = arith.index_cast %mul3A_104 : i32 to index
        %get3A_167 = tpu.vector_load %arg6[%get3A_165, %get3A_166] {strides = array<i32>} : memref<16x2048xi32, #tpu.memory_space<vmem>>, vector<16xi32>,
        %add3A_168 = arith.addi %add3A_163, %get3A_167 : vector<16xi32>
        %get3A_169 = arith.constant 13 : i32
        %get3A_170 = arith.index_cast %get3A_169 : i32 to index
        %get3A_171 = arith.index_cast %mul3A_104 : i32 to index
        %get3A_172 = tpu.vector_load %arg6[%get3A_170, %get3A_171] {strides = array<i32>} : memref<16x2048xi32, #tpu.memory_space<vmem>>, vector<16xi32>,
        %add3A_173 = arith.addi %add3A_168, %get3A_172 : vector<16xi32>
        %get3A_174 = arith.constant 14 : i32
        %get3A_175 = arith.index_cast %get3A_174 : i32 to index
        %get3A_176 = arith.index_cast %mul3A_104 : i32 to index
        %get3A_177 = tpu.vector_load %arg6[%get3A_175, %get3A_176] {strides = array<i32>} : memref<16x2048xi32, #tpu.memory_space<vmem>>, vector<16xi32>,
        %add3A_178 = arith.addi %add3A_173, %get3A_177 : vector<16xi32>
        %get3A_179 = arith.constant 15 : i32
        %get3A_180 = arith.index_cast %get3A_179 : i32 to index
        %get3A_181 = arith.index_cast %mul3A_104 : i32 to index
        %get3A_182 = tpu.vector_load %arg6[%get3A_180, %get3A_181] {strides = array<i32>} : memref<16x2048xi32, #tpu.memory_space<vmem>>, vector<16xi32>,
        %add3A_183 = arith.addi %add3A_178, %get3A_182 : vector<16xi32>
        %convert_element_type3A_184 = arith.sitofp %add3A_183 : vector<16xi32> to vector<16xf32>
        %reduce_sum3A = arith.constant true
        %reduce_sum3A_185 = vector.broadcast %reduce_sum3A : i1 to vector<16xi1>
        %reduce_sum3A_186 = tpu.scan <sum>, %convert_element_type3A_184 masked %reduce_sum3A_185 : vector<16xf32>, vector<16xi1> -> vector<16xf32>
        %reduce_sum3A_187 = vector.extract %reduce_sum3A_186[15] : f32 from vector<16xf32>
        %rev3A = arith.constant 15 : i32
        %rev3A_188 = vector.broadcast %rev3A : i32 to vector<16xi32>
        %rev3A_189 = tpu.iota {dimensions = array<i32: 0>} : vector<16xi32>
        %rev3A_190 = arith.subi %rev3A_188, %rev3A_189 : vector<16xi32>
        %rev3A_191 = tpu.dynamic_gather %convert_element_type3A_184[%rev3A_190] in [0] : vector<16xf32>, vector<16xi32> -> vector<16xf32>
        %broadcast_in_dim3A_192 = arith.constant true
        %broadcast_in_dim3A_193 = vector.broadcast %broadcast_in_dim3A_192 : i1 to vector<16xi1>
        %masked_cumsum3A = tpu.scan <sum>, %rev3A_191 masked %broadcast_in_dim3A_193 : vector<16xf32>, vector<16xi1> -> vector<16xf32>
        %add3A_194 = vector.broadcast %scan3A_97 : f32 to vector<16xf32>
        %add3A_195 = arith.addf %add3A_194, %masked_cumsum3A : vector<16xf32>
        %ge3A = vector.broadcast %reduce_max3A_12 : f32 to vector<16xf32>
        %ge3A_196 = arith.cmpf oge, %add3A_195, %ge3A : vector<16xf32>
        %all_reduce_ffs3A = tpu.all_reduce %ge3A_196 {dim = 0 : i64, kind = #tpu.reduction_kind<find_first_set>} : vector<16xi1> -> vector<16xi32>
        %eq3A_197 = arith.cmpi eq, %iota3A, %all_reduce_ffs3A : vector<16xi32>
        %jit3A_198 = arith.constant 0.000000e+00 : f32
        %broadcast_in_dim3A_199 = vector.broadcast %jit3A_198 : f32 to vector<16xf32>
        %select_n3A_200 = arith.select %eq3A_197, %masked_cumsum3A, %broadcast_in_dim3A_199 : vector<16xi1>, vector<16xf32>
        %reduce_sum3A_201 = arith.constant true
        %reduce_sum3A_202 = vector.broadcast %reduce_sum3A_201 : i1 to vector<16xi1>
        %reduce_sum3A_203 = tpu.scan <sum>, %select_n3A_200 masked %reduce_sum3A_202 : vector<16xf32>, vector<16xi1> -> vector<16xf32>
        %reduce_sum3A_204 = vector.extract %reduce_sum3A_203[15] : f32 from vector<16xf32>
        %eq3A_205 = arith.cmpi eq, %iota3A, %all_reduce_ffs3A : vector<16xi32>
        %jit3A_206 = arith.constant 0.000000e+00 : f32
        %broadcast_in_dim3A_207 = vector.broadcast %jit3A_206 : f32 to vector<16xf32>
        %select_n3A_208 = arith.select %eq3A_205, %rev3A_191, %broadcast_in_dim3A_207 : vector<16xi1>, vector<16xf32>
        %reduce_sum3A_209 = arith.constant true
        %reduce_sum3A_210 = vector.broadcast %reduce_sum3A_209 : i1 to vector<16xi1>
        %reduce_sum3A_211 = tpu.scan <sum>, %select_n3A_208 masked %reduce_sum3A_210 : vector<16xf32>, vector<16xi1> -> vector<16xf32>
        %reduce_sum3A_212 = vector.extract %reduce_sum3A_211[15] : f32 from vector<16xf32>
        %not3A = arith.constant true
        %not3A_213 = arith.xori %scan3A_98, %not3A : i1
        %add3A_214 = arith.addf %scan3A_97, %reduce_sum3A_187 : f32
        %ge3A_215 = arith.cmpf oge, %add3A_214, %reduce_max3A_12 : f32
        %and3A_216 = arith.andi %not3A_213, %ge3A_215 : i1
        %mul3A_217 = arith.constant 16 : i32
        %mul3A_218 = arith.muli %sub3A_102, %mul3A_217 : i32
        %add3A_219 = arith.constant 15 : i32
        %add3A_220 = arith.addi %mul3A_218, %add3A_219 : i32
        %reduce_max3A_221 = arith.constant true
        %reduce_max3A_222 = vector.broadcast %reduce_max3A_221 : i1 to vector<16xi1>
        %reduce_max3A_223 = arith.constant -2147483648 : i32
        %reduce_max3A_224 = vector.broadcast %reduce_max3A_223 : i32 to vector<16xi32>
        %reduce_max3A_225 = arith.xori %all_reduce_ffs3A, %reduce_max3A_224 : vector<16xi32>
        %reduce_max3A_226 = tpu.scan <max>, %reduce_max3A_225 masked %reduce_max3A_222 : vector<16xi32>, vector<16xi1> -> vector<16xi32>
        %reduce_max3A_227 = arith.xori %reduce_max3A_226, %reduce_max3A_224 : vector<16xi32>
        %reduce_max3A_228 = vector.extract %reduce_max3A_227[15] : i32 from vector<16xi32>
        %sub3A_229 = arith.subi %add3A_220, %reduce_max3A_228 : i32
        %select_n3A_230 = arith.select %and3A_216, %sub3A_229, %scan3A_99 : i32
        %add3A_231 = arith.addf %scan3A_97, %reduce_sum3A_204 : f32
        %sub3A_232 = arith.subf %add3A_231, %reduce_sum3A_212 : f32
        %select_n3A_233 = arith.select %and3A_216, %sub3A_232, %scan3A_100 : f32
        %or3A = arith.ori %scan3A_98, %and3A_216 : i1
        %add3A_234 = arith.addf %scan3A_97, %reduce_sum3A_187 : f32
        %select_n3A_235 = arith.select %or3A, %scan3A_97, %add3A_234 : f32
        scf.yield %select_n3A_235, %or3A, %select_n3A_230, %select_n3A_233 : f32, i1, i32, f32
      }
      %scan3A_37 = arith.constant 128 : i32
      %scan3A_38 = arith.constant 0 : i32
      %scan3A_39 = arith.constant 0.000000e+00 : f32
      %scan3A_40 = arith.constant 0 : i32
      %scan3A_41 = arith.constant 2048 : i32
      %scan3A_42 = arith.addi %scan3A_40, %scan3A_41 : i32
      %scan3A_43 = arith.constant 4 : i32
      %scan3A_44:2 = scf.for %scan3A_96 = %scan3A_40 to %scan3A_42 step %scan3A_43 iter_args(%scan3A_97 = %scan3A_38, %scan3A_98 = %scan3A_39) -> (i32, f32)  : i32 {
        %mul3A_99 = arith.constant 16 : i32
        %mul3A_100 = arith.muli %scan3A_96, %mul3A_99 : i32
        %get3A_101 = arith.index_cast %mul3A_100 : i32 to index
        %get3A_102 = tpu.vector_load %arg5[%get3A_101] {strides = array<i32>} : memref<32768xf32, #tpu.memory_space<vmem>>, vector<16xf32>,
        %bitcast3A_103 = vector.bitcast %get3A_102 : vector<16xf32> to vector<16xi32>
        %shift_right_logical3A_104 = arith.constant 20 : i32
        %shift_right_logical3A_105 = vector.broadcast %shift_right_logical3A_104 : i32 to vector<16xi32>
        %shift_right_logical3A_106 = arith.shrui %bitcast3A_103, %shift_right_logical3A_105 : vector<16xi32>
        %gt3A = vector.broadcast %scan3A_36#2 : i32 to vector<16xi32>
        %gt3A_107 = arith.cmpi sgt, %shift_right_logical3A_106, %gt3A : vector<16xi32>
        %jit3A_108 = arith.constant 0.000000e+00 : f32
        %broadcast_in_dim3A_109 = vector.broadcast %jit3A_108 : f32 to vector<16xf32>
        %select_n3A_110 = arith.select %gt3A_107, %get3A_102, %broadcast_in_dim3A_109 : vector<16xi1>, vector<16xf32>
        %reduce_sum3A = arith.constant true
        %reduce_sum3A_111 = vector.broadcast %reduce_sum3A : i1 to vector<16xi1>
        %reduce_sum3A_112 = tpu.scan <sum>, %select_n3A_110 masked %reduce_sum3A_111 : vector<16xf32>, vector<16xi1> -> vector<16xf32>
        %reduce_sum3A_113 = vector.extract %reduce_sum3A_112[15] : f32 from vector<16xf32>
        %add3A_114 = arith.addf %scan3A_98, %reduce_sum3A_113 : f32
        %eq3A_115 = vector.broadcast %scan3A_36#2 : i32 to vector<16xi32>
        %eq3A_116 = arith.cmpi eq, %shift_right_logical3A_106, %eq3A_115 : vector<16xi32>
        %convert_element_type3A_117 = arith.extui %eq3A_116 : vector<16xi1> to vector<16xi32>
        %broadcast_in_dim3A_118 = arith.constant true
        %broadcast_in_dim3A_119 = vector.broadcast %broadcast_in_dim3A_118 : i1 to vector<16xi1>
        %masked_cumsum3A = tpu.scan <sum>, %convert_element_type3A_117 masked %broadcast_in_dim3A_119 : vector<16xi32>, vector<16xi1> -> vector<16xi32>
        %add3A_120 = vector.broadcast %scan3A_97 : i32 to vector<16xi32>
        %add3A_121 = arith.addi %add3A_120, %masked_cumsum3A : vector<16xi32>
        %sub3A_122 = arith.constant 1 : i32
        %sub3A_123 = vector.broadcast %sub3A_122 : i32 to vector<16xi32>
        %sub3A_124 = arith.subi %add3A_121, %sub3A_123 : vector<16xi32>
        tpu.vector_store_idx %arg7[%sub3A_124], %get3A_102 masked %eq3A_116 : memref<32784xf32, #tpu.memory_space<vmem>>[vector<16xi32>], vector<16xf32>, vector<16xi1>
        %convert_element_type3A_125 = arith.extui %eq3A_116 : vector<16xi1> to vector<16xi32>
        %reduce_sum3A_126 = arith.constant true
        %reduce_sum3A_127 = vector.broadcast %reduce_sum3A_126 : i1 to vector<16xi1>
        %reduce_sum3A_128 = tpu.scan <sum>, %convert_element_type3A_125 masked %reduce_sum3A_127 : vector<16xi32>, vector<16xi1> -> vector<16xi32>
        %reduce_sum3A_129 = vector.extract %reduce_sum3A_128[15] : i32 from vector<16xi32>
        %add3A_130 = arith.addi %scan3A_97, %reduce_sum3A_129 : i32
        %scan3A_131 = arith.constant 1 : i32
        %scan3A_132 = arith.addi %scan3A_96, %scan3A_131 : i32
        %mul3A_133 = arith.constant 16 : i32
        %mul3A_134 = arith.muli %scan3A_132, %mul3A_133 : i32
        %get3A_135 = arith.index_cast %mul3A_134 : i32 to index
        %get3A_136 = tpu.vector_load %arg5[%get3A_135] {strides = array<i32>} : memref<32768xf32, #tpu.memory_space<vmem>>, vector<16xf32>,
        %bitcast3A_137 = vector.bitcast %get3A_136 : vector<16xf32> to vector<16xi32>
        %shift_right_logical3A_138 = arith.constant 20 : i32
        %shift_right_logical3A_139 = vector.broadcast %shift_right_logical3A_138 : i32 to vector<16xi32>
        %shift_right_logical3A_140 = arith.shrui %bitcast3A_137, %shift_right_logical3A_139 : vector<16xi32>
        %gt3A_141 = vector.broadcast %scan3A_36#2 : i32 to vector<16xi32>
        %gt3A_142 = arith.cmpi sgt, %shift_right_logical3A_140, %gt3A_141 : vector<16xi32>
        %jit3A_143 = arith.constant 0.000000e+00 : f32
        %broadcast_in_dim3A_144 = vector.broadcast %jit3A_143 : f32 to vector<16xf32>
        %select_n3A_145 = arith.select %gt3A_142, %get3A_136, %broadcast_in_dim3A_144 : vector<16xi1>, vector<16xf32>
        %reduce_sum3A_146 = arith.constant true
        %reduce_sum3A_147 = vector.broadcast %reduce_sum3A_146 : i1 to vector<16xi1>
        %reduce_sum3A_148 = tpu.scan <sum>, %select_n3A_145 masked %reduce_sum3A_147 : vector<16xf32>, vector<16xi1> -> vector<16xf32>
        %reduce_sum3A_149 = vector.extract %reduce_sum3A_148[15] : f32 from vector<16xf32>
        %add3A_150 = arith.addf %add3A_114, %reduce_sum3A_149 : f32
        %eq3A_151 = vector.broadcast %scan3A_36#2 : i32 to vector<16xi32>
        %eq3A_152 = arith.cmpi eq, %shift_right_logical3A_140, %eq3A_151 : vector<16xi32>
        %convert_element_type3A_153 = arith.extui %eq3A_152 : vector<16xi1> to vector<16xi32>
        %broadcast_in_dim3A_154 = arith.constant true
        %broadcast_in_dim3A_155 = vector.broadcast %broadcast_in_dim3A_154 : i1 to vector<16xi1>
        %masked_cumsum3A_156 = tpu.scan <sum>, %convert_element_type3A_153 masked %broadcast_in_dim3A_155 : vector<16xi32>, vector<16xi1> -> vector<16xi32>
        %add3A_157 = vector.broadcast %add3A_130 : i32 to vector<16xi32>
        %add3A_158 = arith.addi %add3A_157, %masked_cumsum3A_156 : vector<16xi32>
        %sub3A_159 = arith.constant 1 : i32
        %sub3A_160 = vector.broadcast %sub3A_159 : i32 to vector<16xi32>
        %sub3A_161 = arith.subi %add3A_158, %sub3A_160 : vector<16xi32>
        tpu.vector_store_idx %arg7[%sub3A_161], %get3A_136 masked %eq3A_152 : memref<32784xf32, #tpu.memory_space<vmem>>[vector<16xi32>], vector<16xf32>, vector<16xi1>
        %convert_element_type3A_162 = arith.extui %eq3A_152 : vector<16xi1> to vector<16xi32>
        %reduce_sum3A_163 = arith.constant true
        %reduce_sum3A_164 = vector.broadcast %reduce_sum3A_163 : i1 to vector<16xi1>
        %reduce_sum3A_165 = tpu.scan <sum>, %convert_element_type3A_162 masked %reduce_sum3A_164 : vector<16xi32>, vector<16xi1> -> vector<16xi32>
        %reduce_sum3A_166 = vector.extract %reduce_sum3A_165[15] : i32 from vector<16xi32>
        %add3A_167 = arith.addi %add3A_130, %reduce_sum3A_166 : i32
        %scan3A_168 = arith.constant 2 : i32
        %scan3A_169 = arith.addi %scan3A_96, %scan3A_168 : i32
        %mul3A_170 = arith.constant 16 : i32
        %mul3A_171 = arith.muli %scan3A_169, %mul3A_170 : i32
        %get3A_172 = arith.index_cast %mul3A_171 : i32 to index
        %get3A_173 = tpu.vector_load %arg5[%get3A_172] {strides = array<i32>} : memref<32768xf32, #tpu.memory_space<vmem>>, vector<16xf32>,
        %bitcast3A_174 = vector.bitcast %get3A_173 : vector<16xf32> to vector<16xi32>
        %shift_right_logical3A_175 = arith.constant 20 : i32
        %shift_right_logical3A_176 = vector.broadcast %shift_right_logical3A_175 : i32 to vector<16xi32>
        %shift_right_logical3A_177 = arith.shrui %bitcast3A_174, %shift_right_logical3A_176 : vector<16xi32>
        %gt3A_178 = vector.broadcast %scan3A_36#2 : i32 to vector<16xi32>
        %gt3A_179 = arith.cmpi sgt, %shift_right_logical3A_177, %gt3A_178 : vector<16xi32>
        %jit3A_180 = arith.constant 0.000000e+00 : f32
        %broadcast_in_dim3A_181 = vector.broadcast %jit3A_180 : f32 to vector<16xf32>
        %select_n3A_182 = arith.select %gt3A_179, %get3A_173, %broadcast_in_dim3A_181 : vector<16xi1>, vector<16xf32>
        %reduce_sum3A_183 = arith.constant true
        %reduce_sum3A_184 = vector.broadcast %reduce_sum3A_183 : i1 to vector<16xi1>
        %reduce_sum3A_185 = tpu.scan <sum>, %select_n3A_182 masked %reduce_sum3A_184 : vector<16xf32>, vector<16xi1> -> vector<16xf32>
        %reduce_sum3A_186 = vector.extract %reduce_sum3A_185[15] : f32 from vector<16xf32>
        %add3A_187 = arith.addf %add3A_150, %reduce_sum3A_186 : f32
        %eq3A_188 = vector.broadcast %scan3A_36#2 : i32 to vector<16xi32>
        %eq3A_189 = arith.cmpi eq, %shift_right_logical3A_177, %eq3A_188 : vector<16xi32>
        %convert_element_type3A_190 = arith.extui %eq3A_189 : vector<16xi1> to vector<16xi32>
        %broadcast_in_dim3A_191 = arith.constant true
        %broadcast_in_dim3A_192 = vector.broadcast %broadcast_in_dim3A_191 : i1 to vector<16xi1>
        %masked_cumsum3A_193 = tpu.scan <sum>, %convert_element_type3A_190 masked %broadcast_in_dim3A_192 : vector<16xi32>, vector<16xi1> -> vector<16xi32>
        %add3A_194 = vector.broadcast %add3A_167 : i32 to vector<16xi32>
        %add3A_195 = arith.addi %add3A_194, %masked_cumsum3A_193 : vector<16xi32>
        %sub3A_196 = arith.constant 1 : i32
        %sub3A_197 = vector.broadcast %sub3A_196 : i32 to vector<16xi32>
        %sub3A_198 = arith.subi %add3A_195, %sub3A_197 : vector<16xi32>
        tpu.vector_store_idx %arg7[%sub3A_198], %get3A_173 masked %eq3A_189 : memref<32784xf32, #tpu.memory_space<vmem>>[vector<16xi32>], vector<16xf32>, vector<16xi1>
        %convert_element_type3A_199 = arith.extui %eq3A_189 : vector<16xi1> to vector<16xi32>
        %reduce_sum3A_200 = arith.constant true
        %reduce_sum3A_201 = vector.broadcast %reduce_sum3A_200 : i1 to vector<16xi1>
        %reduce_sum3A_202 = tpu.scan <sum>, %convert_element_type3A_199 masked %reduce_sum3A_201 : vector<16xi32>, vector<16xi1> -> vector<16xi32>
        %reduce_sum3A_203 = vector.extract %reduce_sum3A_202[15] : i32 from vector<16xi32>
        %add3A_204 = arith.addi %add3A_167, %reduce_sum3A_203 : i32
        %scan3A_205 = arith.constant 3 : i32
        %scan3A_206 = arith.addi %scan3A_96, %scan3A_205 : i32
        %mul3A_207 = arith.constant 16 : i32
        %mul3A_208 = arith.muli %scan3A_206, %mul3A_207 : i32
        %get3A_209 = arith.index_cast %mul3A_208 : i32 to index
        %get3A_210 = tpu.vector_load %arg5[%get3A_209] {strides = array<i32>} : memref<32768xf32, #tpu.memory_space<vmem>>, vector<16xf32>,
        %bitcast3A_211 = vector.bitcast %get3A_210 : vector<16xf32> to vector<16xi32>
        %shift_right_logical3A_212 = arith.constant 20 : i32
        %shift_right_logical3A_213 = vector.broadcast %shift_right_logical3A_212 : i32 to vector<16xi32>
        %shift_right_logical3A_214 = arith.shrui %bitcast3A_211, %shift_right_logical3A_213 : vector<16xi32>
        %gt3A_215 = vector.broadcast %scan3A_36#2 : i32 to vector<16xi32>
        %gt3A_216 = arith.cmpi sgt, %shift_right_logical3A_214, %gt3A_215 : vector<16xi32>
        %jit3A_217 = arith.constant 0.000000e+00 : f32
        %broadcast_in_dim3A_218 = vector.broadcast %jit3A_217 : f32 to vector<16xf32>
        %select_n3A_219 = arith.select %gt3A_216, %get3A_210, %broadcast_in_dim3A_218 : vector<16xi1>, vector<16xf32>
        %reduce_sum3A_220 = arith.constant true
        %reduce_sum3A_221 = vector.broadcast %reduce_sum3A_220 : i1 to vector<16xi1>
        %reduce_sum3A_222 = tpu.scan <sum>, %select_n3A_219 masked %reduce_sum3A_221 : vector<16xf32>, vector<16xi1> -> vector<16xf32>
        %reduce_sum3A_223 = vector.extract %reduce_sum3A_222[15] : f32 from vector<16xf32>
        %add3A_224 = arith.addf %add3A_187, %reduce_sum3A_223 : f32
        %eq3A_225 = vector.broadcast %scan3A_36#2 : i32 to vector<16xi32>
        %eq3A_226 = arith.cmpi eq, %shift_right_logical3A_214, %eq3A_225 : vector<16xi32>
        %convert_element_type3A_227 = arith.extui %eq3A_226 : vector<16xi1> to vector<16xi32>
        %broadcast_in_dim3A_228 = arith.constant true
        %broadcast_in_dim3A_229 = vector.broadcast %broadcast_in_dim3A_228 : i1 to vector<16xi1>
        %masked_cumsum3A_230 = tpu.scan <sum>, %convert_element_type3A_227 masked %broadcast_in_dim3A_229 : vector<16xi32>, vector<16xi1> -> vector<16xi32>
        %add3A_231 = vector.broadcast %add3A_204 : i32 to vector<16xi32>
        %add3A_232 = arith.addi %add3A_231, %masked_cumsum3A_230 : vector<16xi32>
        %sub3A_233 = arith.constant 1 : i32
        %sub3A_234 = vector.broadcast %sub3A_233 : i32 to vector<16xi32>
        %sub3A_235 = arith.subi %add3A_232, %sub3A_234 : vector<16xi32>
        tpu.vector_store_idx %arg7[%sub3A_235], %get3A_210 masked %eq3A_226 : memref<32784xf32, #tpu.memory_space<vmem>>[vector<16xi32>], vector<16xf32>, vector<16xi1>
        %convert_element_type3A_236 = arith.extui %eq3A_226 : vector<16xi1> to vector<16xi32>
        %reduce_sum3A_237 = arith.constant true
        %reduce_sum3A_238 = vector.broadcast %reduce_sum3A_237 : i1 to vector<16xi1>
        %reduce_sum3A_239 = tpu.scan <sum>, %convert_element_type3A_236 masked %reduce_sum3A_238 : vector<16xi32>, vector<16xi1> -> vector<16xi32>
        %reduce_sum3A_240 = vector.extract %reduce_sum3A_239[15] : i32 from vector<16xi32>
        %add3A_241 = arith.addi %add3A_204, %reduce_sum3A_240 : i32
        scf.yield %add3A_241, %add3A_224 : i32, f32
      }
      %scan3A_45 = arith.constant 2048 : i32
      %broadcast_in_dim3A_46 = arith.constant -1 : i32
      %broadcast_in_dim3A_47 = vector.broadcast %broadcast_in_dim3A_46 : i32 to vector<16xi32>
      %bitcast3A = vector.bitcast %broadcast_in_dim3A_47 : vector<16xi32> to vector<16xf32>
      %swap3A = arith.index_cast %scan3A_44#0 : i32 to index
      %swap3A_48 = tpu.vector_load %arg7[%swap3A] {strides = array<i32>} : memref<32784xf32, #tpu.memory_space<vmem>>, vector<16xf32>,
      tpu.vector_store %arg7[%swap3A], %bitcast3A {strides = array<i32>} : memref<32784xf32, #tpu.memory_space<vmem>>, vector<16xf32>,
      %add3A = arith.constant 16 : i32
      %add3A_49 = arith.addi %scan3A_44#0, %add3A : i32
      %sub3A = arith.constant 1 : i32
      %sub3A_50 = arith.subi %add3A_49, %sub3A : i32
      %shift_right_logical3A = arith.constant 4 : i32
      %shift_right_logical3A_51 = arith.shrui %sub3A_50, %shift_right_logical3A : i32
      %sub3A_52 = arith.subf %reduce_max3A_12, %scan3A_36#3 : f32
      %shift_left3A = arith.constant 20 : i32
      %shift_left3A_53 = arith.shli %scan3A_36#2, %shift_left3A : i32
      %add3A_54 = arith.constant 1048576 : i32
      %add3A_55 = arith.addi %shift_left3A_53, %add3A_54 : i32
      %sub3A_56 = arith.constant 1 : i32
      %sub3A_57 = arith.subi %add3A_55, %sub3A_56 : i32
      %scan3A_58 = arith.constant 0 : i32
      %scan3A_59 = arith.constant 20 : i32
      %scan3A_60 = arith.addi %scan3A_58, %scan3A_59 : i32
      %scan3A_61 = arith.constant 1 : i32
      %scan3A_62:2 = scf.for %scan3A_96 = %scan3A_58 to %scan3A_60 step %scan3A_61 iter_args(%scan3A_97 = %shift_left3A_53, %scan3A_98 = %sub3A_57) -> (i32, i32)  : i32 {
        %sub3A_99 = arith.subi %scan3A_98, %scan3A_97 : i32
        %add3A_100 = arith.constant 1 : i32
        %add3A_101 = arith.addi %sub3A_99, %add3A_100 : i32
        %shift_right_logical3A_102 = arith.constant 1 : i32
        %shift_right_logical3A_103 = arith.shrui %add3A_101, %shift_right_logical3A_102 : i32
        %add3A_104 = arith.addi %scan3A_97, %shift_right_logical3A_103 : i32
        %while3A_105 = arith.constant 0 : i32
        %while3A_106 = arith.constant 0.000000e+00 : f32
        %while3A_107 = arith.subi %shift_right_logical3A_51, %while3A_105 : i32
        %while3A_108 = arith.addi %while3A_105, %while3A_107 : i32
        %while3A_109 = arith.constant 1 : i32
        %while3A_110 = arith.divsi %while3A_107, %while3A_109 : i32
        %while3A_111 = arith.muli %while3A_110, %while3A_109 : i32
        %while3A_112 = arith.addi %while3A_105, %while3A_111 : i32
        %while3A_113 = arith.constant 1 : i32
        %while3A_114 = scf.for %while3A_121 = %while3A_105 to %while3A_112 step %while3A_113 iter_args(%while3A_122 = %while3A_106) -> (f32)  : i32 {
          %mul3A_123 = arith.constant 16 : i32
          %mul3A_124 = arith.muli %while3A_121, %mul3A_123 : i32
          %get3A_125 = arith.index_cast %mul3A_124 : i32 to index
          %get3A_126 = tpu.vector_load %arg7[%get3A_125] {strides = array<i32>} : memref<32784xf32, #tpu.memory_space<vmem>>, vector<16xf32>,
          %bitcast3A_127 = vector.bitcast %get3A_126 : vector<16xf32> to vector<16xi32>
          %ge3A_128 = vector.broadcast %add3A_104 : i32 to vector<16xi32>
          %ge3A_129 = arith.cmpi sge, %bitcast3A_127, %ge3A_128 : vector<16xi32>
          %jit3A_130 = arith.constant 1.000000e+00 : f32
          %jit3A_131 = arith.constant 0.000000e+00 : f32
          %broadcast_in_dim3A_132 = vector.broadcast %jit3A_130 : f32 to vector<16xf32>
          %broadcast_in_dim3A_133 = vector.broadcast %jit3A_131 : f32 to vector<16xf32>
          %select_n3A_134 = arith.select %ge3A_129, %broadcast_in_dim3A_132, %broadcast_in_dim3A_133 : vector<16xi1>, vector<16xf32>
          %reduce_sum3A = arith.constant true
          %reduce_sum3A_135 = vector.broadcast %reduce_sum3A : i1 to vector<16xi1>
          %reduce_sum3A_136 = tpu.scan <sum>, %select_n3A_134 masked %reduce_sum3A_135 : vector<16xf32>, vector<16xi1> -> vector<16xf32>
          %reduce_sum3A_137 = vector.extract %reduce_sum3A_136[15] : f32 from vector<16xf32>
          %add3A_138 = arith.addf %while3A_122, %reduce_sum3A_137 : f32
          scf.yield %add3A_138 : f32
        }
        %while3A_115 = arith.constant 1 : i32
        %while3A_116 = scf.for %while3A_121 = %while3A_112 to %while3A_108 step %while3A_115 iter_args(%while3A_122 = %while3A_114) -> (f32)  : i32 {
          %mul3A_123 = arith.constant 16 : i32
          %mul3A_124 = arith.muli %while3A_121, %mul3A_123 : i32
          %get3A_125 = arith.index_cast %mul3A_124 : i32 to index
          %get3A_126 = tpu.vector_load %arg7[%get3A_125] {strides = array<i32>} : memref<32784xf32, #tpu.memory_space<vmem>>, vector<16xf32>,
          %bitcast3A_127 = vector.bitcast %get3A_126 : vector<16xf32> to vector<16xi32>
          %ge3A_128 = vector.broadcast %add3A_104 : i32 to vector<16xi32>
          %ge3A_129 = arith.cmpi sge, %bitcast3A_127, %ge3A_128 : vector<16xi32>
          %jit3A_130 = arith.constant 1.000000e+00 : f32
          %jit3A_131 = arith.constant 0.000000e+00 : f32
          %broadcast_in_dim3A_132 = vector.broadcast %jit3A_130 : f32 to vector<16xf32>
          %broadcast_in_dim3A_133 = vector.broadcast %jit3A_131 : f32 to vector<16xf32>
          %select_n3A_134 = arith.select %ge3A_129, %broadcast_in_dim3A_132, %broadcast_in_dim3A_133 : vector<16xi1>, vector<16xf32>
          %reduce_sum3A = arith.constant true
          %reduce_sum3A_135 = vector.broadcast %reduce_sum3A : i1 to vector<16xi1>
          %reduce_sum3A_136 = tpu.scan <sum>, %select_n3A_134 masked %reduce_sum3A_135 : vector<16xf32>, vector<16xi1> -> vector<16xf32>
          %reduce_sum3A_137 = vector.extract %reduce_sum3A_136[15] : f32 from vector<16xf32>
          %add3A_138 = arith.addf %while3A_122, %reduce_sum3A_137 : f32
          scf.yield %add3A_138 : f32
        }
        %ge3A = arith.cmpf oge, %while3A_116, %sub3A_52 : f32
        %select_n3A_117 = arith.select %ge3A, %add3A_104, %scan3A_97 : i32
        %sub3A_118 = arith.constant 1 : i32
        %sub3A_119 = arith.subi %add3A_104, %sub3A_118 : i32
        %select_n3A_120 = arith.select %ge3A, %scan3A_98, %sub3A_119 : i32
        scf.yield %select_n3A_117, %select_n3A_120 : i32, i32
      }
      %scan3A_63 = arith.constant 20 : i32
      %broadcast_in_dim3A_64 = arith.constant 1 : i32
      %broadcast_in_dim3A_65 = vector.broadcast %broadcast_in_dim3A_64 : i32 to vector<16xi32>
      %mul3A_66 = vector.broadcast %scan3A_62#0 : i32 to vector<16xi32>
      %mul3A_67 = arith.muli %broadcast_in_dim3A_65, %mul3A_66 : vector<16xi32>
      %bitcast3A_68 = vector.bitcast %mul3A_67 : vector<16xi32> to vector<16xf32>
      %reduce_max3A_69 = arith.constant true
      %reduce_max3A_70 = vector.broadcast %reduce_max3A_69 : i1 to vector<16xi1>
      %reduce_max3A_71 = tpu.scan <max>, %bitcast3A_68 masked %reduce_max3A_70 : vector<16xf32>, vector<16xi1> -> vector<16xf32>
      %reduce_max3A_72 = vector.extract %reduce_max3A_71[15] : f32 from vector<16xf32>
      %while3A = arith.constant 0 : i32
      %while3A_73 = arith.constant 0.000000e+00 : f32
      %while3A_74 = arith.constant 0.000000e+00 : f32
      %while3A_75 = arith.subi %shift_right_logical3A_51, %while3A : i32
      %while3A_76 = arith.addi %while3A, %while3A_75 : i32
      %while3A_77 = arith.constant 1 : i32
      %while3A_78 = arith.divsi %while3A_75, %while3A_77 : i32
      %while3A_79 = arith.muli %while3A_78, %while3A_77 : i32
      %while3A_80 = arith.addi %while3A, %while3A_79 : i32
      %while3A_81 = arith.constant 1 : i32
      %while3A_82:2 = scf.for %while3A_96 = %while3A to %while3A_80 step %while3A_81 iter_args(%while3A_97 = %while3A_73, %while3A_98 = %while3A_74) -> (f32, f32)  : i32 {
        %mul3A_99 = arith.constant 16 : i32
        %mul3A_100 = arith.muli %while3A_96, %mul3A_99 : i32
        %get3A_101 = arith.index_cast %mul3A_100 : i32 to index
        %get3A_102 = tpu.vector_load %arg7[%get3A_101] {strides = array<i32>} : memref<32784xf32, #tpu.memory_space<vmem>>, vector<16xf32>,
        %bitcast3A_103 = vector.bitcast %get3A_102 : vector<16xf32> to vector<16xi32>
        %gt3A = vector.broadcast %scan3A_62#0 : i32 to vector<16xi32>
        %gt3A_104 = arith.cmpi sgt, %bitcast3A_103, %gt3A : vector<16xi32>
        %jit3A_105 = arith.constant 1.000000e+00 : f32
        %jit3A_106 = arith.constant 0.000000e+00 : f32
        %broadcast_in_dim3A_107 = vector.broadcast %jit3A_105 : f32 to vector<16xf32>
        %broadcast_in_dim3A_108 = vector.broadcast %jit3A_106 : f32 to vector<16xf32>
        %select_n3A_109 = arith.select %gt3A_104, %broadcast_in_dim3A_107, %broadcast_in_dim3A_108 : vector<16xi1>, vector<16xf32>
        %reduce_sum3A = arith.constant true
        %reduce_sum3A_110 = vector.broadcast %reduce_sum3A : i1 to vector<16xi1>
        %reduce_sum3A_111 = tpu.scan <sum>, %select_n3A_109 masked %reduce_sum3A_110 : vector<16xf32>, vector<16xi1> -> vector<16xf32>
        %reduce_sum3A_112 = vector.extract %reduce_sum3A_111[15] : f32 from vector<16xf32>
        %add3A_113 = arith.addf %while3A_97, %reduce_sum3A_112 : f32
        %jit3A_114 = arith.constant 0.000000e+00 : f32
        %broadcast_in_dim3A_115 = vector.broadcast %jit3A_114 : f32 to vector<16xf32>
        %select_n3A_116 = arith.select %gt3A_104, %get3A_102, %broadcast_in_dim3A_115 : vector<16xi1>, vector<16xf32>
        %reduce_sum3A_117 = arith.constant true
        %reduce_sum3A_118 = vector.broadcast %reduce_sum3A_117 : i1 to vector<16xi1>
        %reduce_sum3A_119 = tpu.scan <sum>, %select_n3A_116 masked %reduce_sum3A_118 : vector<16xf32>, vector<16xi1> -> vector<16xf32>
        %reduce_sum3A_120 = vector.extract %reduce_sum3A_119[15] : f32 from vector<16xf32>
        %add3A_121 = arith.addf %while3A_98, %reduce_sum3A_120 : f32
        scf.yield %add3A_113, %add3A_121 : f32, f32
      }
      %while3A_83 = arith.constant 1 : i32
      %while3A_84:2 = scf.for %while3A_96 = %while3A_80 to %while3A_76 step %while3A_83 iter_args(%while3A_97 = %while3A_82#0, %while3A_98 = %while3A_82#1) -> (f32, f32)  : i32 {
        %mul3A_99 = arith.constant 16 : i32
        %mul3A_100 = arith.muli %while3A_96, %mul3A_99 : i32
        %get3A_101 = arith.index_cast %mul3A_100 : i32 to index
        %get3A_102 = tpu.vector_load %arg7[%get3A_101] {strides = array<i32>} : memref<32784xf32, #tpu.memory_space<vmem>>, vector<16xf32>,
        %bitcast3A_103 = vector.bitcast %get3A_102 : vector<16xf32> to vector<16xi32>
        %gt3A = vector.broadcast %scan3A_62#0 : i32 to vector<16xi32>
        %gt3A_104 = arith.cmpi sgt, %bitcast3A_103, %gt3A : vector<16xi32>
        %jit3A_105 = arith.constant 1.000000e+00 : f32
        %jit3A_106 = arith.constant 0.000000e+00 : f32
        %broadcast_in_dim3A_107 = vector.broadcast %jit3A_105 : f32 to vector<16xf32>
        %broadcast_in_dim3A_108 = vector.broadcast %jit3A_106 : f32 to vector<16xf32>
        %select_n3A_109 = arith.select %gt3A_104, %broadcast_in_dim3A_107, %broadcast_in_dim3A_108 : vector<16xi1>, vector<16xf32>
        %reduce_sum3A = arith.constant true
        %reduce_sum3A_110 = vector.broadcast %reduce_sum3A : i1 to vector<16xi1>
        %reduce_sum3A_111 = tpu.scan <sum>, %select_n3A_109 masked %reduce_sum3A_110 : vector<16xf32>, vector<16xi1> -> vector<16xf32>
        %reduce_sum3A_112 = vector.extract %reduce_sum3A_111[15] : f32 from vector<16xf32>
        %add3A_113 = arith.addf %while3A_97, %reduce_sum3A_112 : f32
        %jit3A_114 = arith.constant 0.000000e+00 : f32
        %broadcast_in_dim3A_115 = vector.broadcast %jit3A_114 : f32 to vector<16xf32>
        %select_n3A_116 = arith.select %gt3A_104, %get3A_102, %broadcast_in_dim3A_115 : vector<16xi1>, vector<16xf32>
        %reduce_sum3A_117 = arith.constant true
        %reduce_sum3A_118 = vector.broadcast %reduce_sum3A_117 : i1 to vector<16xi1>
        %reduce_sum3A_119 = tpu.scan <sum>, %select_n3A_116 masked %reduce_sum3A_118 : vector<16xf32>, vector<16xi1> -> vector<16xf32>
        %reduce_sum3A_120 = vector.extract %reduce_sum3A_119[15] : f32 from vector<16xf32>
        %add3A_121 = arith.addf %while3A_98, %reduce_sum3A_120 : f32
        scf.yield %add3A_113, %add3A_121 : f32, f32
      }
      %add3A_85 = arith.addf %scan3A_44#1, %while3A_84#1 : f32
      %sub3A_86 = arith.subf %reduce_max3A_12, %scan3A_36#3 : f32
      %sub3A_87 = arith.subf %sub3A_86, %while3A_84#0 : f32
      %mul3A_88 = arith.mulf %sub3A_87, %reduce_max3A_72 : f32
      %add3A_89 = arith.addf %add3A_85, %mul3A_88 : f32
      %broadcast_in_dim3A_90 = arith.constant 0.000000e+00 : f32
      %broadcast_in_dim3A_91 = vector.broadcast %broadcast_in_dim3A_90 : f32 to vector<16xf32>
      %add3A_92 = vector.broadcast %add3A_89 : f32 to vector<16xf32>
      %add3A_93 = arith.addf %broadcast_in_dim3A_91, %add3A_92 : vector<16xf32>
      %swap3A_94 = arith.constant 0 : index
      %swap3A_95 = tpu.vector_load %arg8[%swap3A_94] {strides = array<i32>} : memref<16xf32, #tpu.memory_space<vmem>>, vector<16xf32>,
      tpu.vector_store %arg8[%swap3A_94], %add3A_93 {strides = array<i32>} : memref<16xf32, #tpu.memory_space<vmem>>, vector<16xf32>,
      "tpu.region"() ({
        %run_scoped3A_96 = tpu.sem_alloc : memref<!tpu.dma_semaphore, #tpu.memory_space<semaphore_mem>>
        %dma_start3A = arith.constant 0 : i32
        %dma_start3A_97 = tpu.memref_slice %arg4[%arg1, %dma_start3A] : memref<16x16xf32, #tpu.memory_space<hbm>> -> memref<1x16xf32, #tpu.memory_space<hbm>>
        %dma_start3A_98 = tpu.memref_squeeze %dma_start3A_97 : memref<1x16xf32, #tpu.memory_space<hbm>> -> memref<16xf32, #tpu.memory_space<hbm>>
        %dma_start3A_99 = arith.constant 0 : i32
        %dma_start3A_100 = tpu.memref_slice %arg4[%arg1, %dma_start3A_99] : memref<16x16xf32, #tpu.memory_space<hbm>> -> memref<1x16xf32, #tpu.memory_space<hbm>>
        %dma_start3A_101 = tpu.memref_squeeze %dma_start3A_100 : memref<1x16xf32, #tpu.memory_space<hbm>> -> memref<16xf32, #tpu.memory_space<hbm>>
        tpu.enqueue_dma source(%arg8 : memref<16xf32, #tpu.memory_space<vmem>>) target(%dma_start3A_101 : memref<16xf32, #tpu.memory_space<hbm>>) target_semaphore(%run_scoped3A_96 : memref<!tpu.dma_semaphore, #tpu.memory_space<semaphore_mem>>)
        %dma_wait3A = arith.constant 0 : i32
        %dma_wait3A_102 = tpu.memref_slice %arg4[%arg1, %dma_wait3A] : memref<16x16xf32, #tpu.memory_space<hbm>> -> memref<1x16xf32, #tpu.memory_space<hbm>>
        %dma_wait3A_103 = tpu.memref_squeeze %dma_wait3A_102 : memref<1x16xf32, #tpu.memory_space<hbm>> -> memref<16xf32, #tpu.memory_space<hbm>>
        %dma_wait3A_104 = arith.constant 0 : i32
        %dma_wait3A_105 = tpu.memref_slice %arg4[%arg1, %dma_wait3A_104] : memref<16x16xf32, #tpu.memory_space<hbm>> -> memref<1x16xf32, #tpu.memory_space<hbm>>
        %dma_wait3A_106 = tpu.memref_squeeze %dma_wait3A_105 : memref<1x16xf32, #tpu.memory_space<hbm>> -> memref<16xf32, #tpu.memory_space<hbm>>
        tpu.wait_dma2 semaphore(%run_scoped3A_96 : memref<!tpu.dma_semaphore, #tpu.memory_space<semaphore_mem>>) src(%arg8 : memref<16xf32, #tpu.memory_space<vmem>>) dst(%dma_wait3A_106 : memref<16xf32, #tpu.memory_space<hbm>>)
        tpu.yield
      }) : () -> ()
    } else {
    }
    return
  }
}

module attributes {stable_mosaic.version = 14 : i64} {
  func.func @_match_kernel(%arg0: i32, %arg1: memref<1x50x4xf32, #tpu.memory_space<vmem>>, %arg2: memref<1x4x50xf32, #tpu.memory_space<vmem>>, %arg3: memref<4x32768xf32, #tpu.memory_space<vmem>>, %arg4: memref<1x1x32768xi32, #tpu.memory_space<vmem>>, %arg5: memref<1x2x32768xf32, #tpu.memory_space<vmem>>, %arg6: memref<1x1x32768xf32, #tpu.memory_space<vmem>>, %arg7: memref<8x32768xf32, #tpu.memory_space<vmem>>, %arg8: memref<8x32768xi32, #tpu.memory_space<vmem>>) attributes {dimension_semantics = [#tpu.dimension_semantics<arbitrary>], iteration_bounds = array<i64: 16>, scalar_prefetch = 0 : i64, scratch_operands = 2 : i64, tpu.core_type = #tpu.core_type<tc>, window_params = [{transform_indices = @transform_0, window_bounds = array<i64: 1, 50, 4>}, {transform_indices = @transform_1, window_bounds = array<i64: 1, 4, 50>}, {pipeline_mode = #tpu.pipeline_mode<synchronous>, transform_indices = @transform_2, window_bounds = array<i64: 4, 32768>}, {transform_indices = @transform_3, window_bounds = array<i64: 1, 1, 32768>}, {transform_indices = @transform_4, window_bounds = array<i64: 1, 2, 32768>}, {transform_indices = @transform_5, window_bounds = array<i64: 1, 1, 32768>}]} {
    %get3A = arith.constant 0 : index
    %get3A_0 = arith.constant 0 : index
    %get3A_1 = arith.constant 0 : index
    %get3A_2 = vector.load %arg1[%get3A, %get3A_0, %get3A_1] : memref<1x50x4xf32, #tpu.memory_space<vmem>>, vector<1x50x4xf32>
    %get3A_3 = vector.shape_cast %get3A_2 : vector<1x50x4xf32> to vector<50x4xf32>
    %slice3A = vector.extract_strided_slice %get3A_3 {offsets = [0, 0], sizes = [50, 1], strides = [1, 1]} : vector<50x4xf32> to vector<50x1xf32>
    %slice3A_4 = vector.extract_strided_slice %get3A_3 {offsets = [0, 1], sizes = [50, 1], strides = [1, 1]} : vector<50x4xf32> to vector<50x1xf32>
    %slice3A_5 = vector.extract_strided_slice %get3A_3 {offsets = [0, 2], sizes = [50, 1], strides = [1, 1]} : vector<50x4xf32> to vector<50x1xf32>
    %slice3A_6 = vector.extract_strided_slice %get3A_3 {offsets = [0, 3], sizes = [50, 1], strides = [1, 1]} : vector<50x4xf32> to vector<50x1xf32>
    %sub3A = arith.subf %slice3A_5, %slice3A : vector<50x1xf32>
    %sub3A_7 = arith.subf %slice3A_6, %slice3A_4 : vector<50x1xf32>
    %mul3A = arith.mulf %sub3A, %sub3A_7 : vector<50x1xf32>
    %iota3A = tpu.iota {dimensions = array<i32: 0>} : vector<50x8192xi32>
    %iota3A_8 = tpu.iota {dimensions = array<i32: 1>} : vector<50x8192xi32>
    %broadcast_in_dim3A = arith.constant -1.000000e+00 : f32
    %broadcast_in_dim3A_9 = vector.broadcast %broadcast_in_dim3A : f32 to vector<50x1xf32>
    %broadcast_in_dim3A_10 = arith.constant 0 : i32
    %broadcast_in_dim3A_11 = vector.broadcast %broadcast_in_dim3A_10 : i32 to vector<50x1xi32>
    %get3A_12 = arith.constant 0 : index
    %get3A_13 = arith.constant 0 : index
    %get3A_14 = vector.load %arg3[%get3A_12, %get3A_13] : memref<4x32768xf32, #tpu.memory_space<vmem>>, vector<1x8192xf32>
    %get3A_15 = arith.constant 1 : index
    %get3A_16 = arith.constant 0 : index
    %get3A_17 = vector.load %arg3[%get3A_15, %get3A_16] : memref<4x32768xf32, #tpu.memory_space<vmem>>, vector<1x8192xf32>
    %get3A_18 = arith.constant 2 : index
    %get3A_19 = arith.constant 0 : index
    %get3A_20 = vector.load %arg3[%get3A_18, %get3A_19] : memref<4x32768xf32, #tpu.memory_space<vmem>>, vector<1x8192xf32>
    %get3A_21 = arith.constant 3 : index
    %get3A_22 = arith.constant 0 : index
    %get3A_23 = vector.load %arg3[%get3A_21, %get3A_22] : memref<4x32768xf32, #tpu.memory_space<vmem>>, vector<1x8192xf32>
    %div3A = arith.constant 2.000000e+00 : f32
    %div3A_24 = vector.broadcast %div3A : f32 to vector<1x8192xf32>
    %div3A_25 = arith.divf %get3A_20, %div3A_24 : vector<1x8192xf32>
    %sub3A_26 = arith.subf %get3A_14, %div3A_25 : vector<1x8192xf32>
    %div3A_27 = arith.constant 2.000000e+00 : f32
    %div3A_28 = vector.broadcast %div3A_27 : f32 to vector<1x8192xf32>
    %div3A_29 = arith.divf %get3A_23, %div3A_28 : vector<1x8192xf32>
    %sub3A_30 = arith.subf %get3A_17, %div3A_29 : vector<1x8192xf32>
    %div3A_31 = arith.constant 2.000000e+00 : f32
    %div3A_32 = vector.broadcast %div3A_31 : f32 to vector<1x8192xf32>
    %div3A_33 = arith.divf %get3A_20, %div3A_32 : vector<1x8192xf32>
    %add3A = arith.addf %get3A_14, %div3A_33 : vector<1x8192xf32>
    %div3A_34 = arith.constant 2.000000e+00 : f32
    %div3A_35 = vector.broadcast %div3A_34 : f32 to vector<1x8192xf32>
    %div3A_36 = arith.divf %get3A_23, %div3A_35 : vector<1x8192xf32>
    %add3A_37 = arith.addf %get3A_17, %div3A_36 : vector<1x8192xf32>
    %min3A = vector.broadcast %slice3A_5 : vector<50x1xf32> to vector<50x8192xf32>
    %min3A_38 = vector.broadcast %add3A : vector<1x8192xf32> to vector<50x8192xf32>
    %min3A_39 = arith.minimumf %min3A, %min3A_38 : vector<50x8192xf32>
    %max3A = vector.broadcast %slice3A : vector<50x1xf32> to vector<50x8192xf32>
    %max3A_40 = vector.broadcast %sub3A_26 : vector<1x8192xf32> to vector<50x8192xf32>
    %max3A_41 = arith.maximumf %max3A, %max3A_40 : vector<50x8192xf32>
    %sub3A_42 = arith.subf %min3A_39, %max3A_41 : vector<50x8192xf32>
    %max3A_43 = arith.constant 0.000000e+00 : f32
    %max3A_44 = vector.broadcast %max3A_43 : f32 to vector<50x8192xf32>
    %max3A_45 = arith.maximumf %sub3A_42, %max3A_44 : vector<50x8192xf32>
    %min3A_46 = vector.broadcast %slice3A_6 : vector<50x1xf32> to vector<50x8192xf32>
    %min3A_47 = vector.broadcast %add3A_37 : vector<1x8192xf32> to vector<50x8192xf32>
    %min3A_48 = arith.minimumf %min3A_46, %min3A_47 : vector<50x8192xf32>
    %max3A_49 = vector.broadcast %slice3A_4 : vector<50x1xf32> to vector<50x8192xf32>
    %max3A_50 = vector.broadcast %sub3A_30 : vector<1x8192xf32> to vector<50x8192xf32>
    %max3A_51 = arith.maximumf %max3A_49, %max3A_50 : vector<50x8192xf32>
    %sub3A_52 = arith.subf %min3A_48, %max3A_51 : vector<50x8192xf32>
    %max3A_53 = arith.constant 0.000000e+00 : f32
    %max3A_54 = vector.broadcast %max3A_53 : f32 to vector<50x8192xf32>
    %max3A_55 = arith.maximumf %sub3A_52, %max3A_54 : vector<50x8192xf32>
    %mul3A_56 = arith.mulf %max3A_45, %max3A_55 : vector<50x8192xf32>
    %sub3A_57 = arith.subf %add3A, %sub3A_26 : vector<1x8192xf32>
    %sub3A_58 = arith.subf %add3A_37, %sub3A_30 : vector<1x8192xf32>
    %mul3A_59 = arith.mulf %sub3A_57, %sub3A_58 : vector<1x8192xf32>
    %add3A_60 = vector.broadcast %mul3A : vector<50x1xf32> to vector<50x8192xf32>
    %add3A_61 = vector.broadcast %mul3A_59 : vector<1x8192xf32> to vector<50x8192xf32>
    %add3A_62 = arith.addf %add3A_60, %add3A_61 : vector<50x8192xf32>
    %sub3A_63 = arith.subf %add3A_62, %mul3A_56 : vector<50x8192xf32>
    %div3A_64 = arith.divf %mul3A_56, %sub3A_63 : vector<50x8192xf32>
    %reduce_max3A = arith.constant dense<0xFF800000> : vector<50xf32>
    %reduce_max3A_65 = vector.multi_reduction <maximumf>, %div3A_64, %reduce_max3A [1] : vector<50x8192xf32> to vector<50xf32>
    %broadcast_in_dim3A_66 = vector.shape_cast %reduce_max3A_65 : vector<50xf32> to vector<50x1xf32>
    %eq3A = vector.broadcast %broadcast_in_dim3A_66 : vector<50x1xf32> to vector<50x8192xf32>
    %eq3A_67 = arith.cmpf oeq, %div3A_64, %eq3A : vector<50x8192xf32>
    %jit3A = arith.constant 32768 : i32
    %broadcast_in_dim3A_68 = vector.broadcast %jit3A : i32 to vector<50x8192xi32>
    %select_n3A = arith.select %eq3A_67, %iota3A_8, %broadcast_in_dim3A_68 : vector<50x8192xi1>, vector<50x8192xi32>
    %reduce_min3A = arith.constant dense<2147483647> : vector<50xi32>
    %reduce_min3A_69 = vector.multi_reduction <minsi>, %select_n3A, %reduce_min3A [1] : vector<50x8192xi32> to vector<50xi32>
    %broadcast_in_dim3A_70 = vector.shape_cast %reduce_min3A_69 : vector<50xi32> to vector<50x1xi32>
    %add3A_71 = arith.constant 0 : i32
    %add3A_72 = vector.broadcast %add3A_71 : i32 to vector<50x1xi32>
    %add3A_73 = arith.addi %broadcast_in_dim3A_70, %add3A_72 : vector<50x1xi32>
    %gt3A = arith.cmpf ogt, %broadcast_in_dim3A_66, %broadcast_in_dim3A_9 : vector<50x1xf32>
    %select_n3A_74 = arith.select %gt3A, %add3A_73, %broadcast_in_dim3A_11 : vector<50x1xi1>, vector<50x1xi32>
    %select_n3A_75 = arith.select %gt3A, %broadcast_in_dim3A_66, %broadcast_in_dim3A_9 : vector<50x1xi1>, vector<50x1xf32>
    %reduce_max3A_76 = arith.constant dense<0xFF800000> : vector<8192xf32>
    %reduce_max3A_77 = vector.multi_reduction <maximumf>, %div3A_64, %reduce_max3A_76 [0] : vector<50x8192xf32> to vector<8192xf32>
    %broadcast_in_dim3A_78 = vector.shape_cast %reduce_max3A_77 : vector<8192xf32> to vector<1x8192xf32>
    %eq3A_79 = vector.broadcast %broadcast_in_dim3A_78 : vector<1x8192xf32> to vector<50x8192xf32>
    %eq3A_80 = arith.cmpf oeq, %div3A_64, %eq3A_79 : vector<50x8192xf32>
    %jit3A_81 = arith.constant 50 : i32
    %broadcast_in_dim3A_82 = vector.broadcast %jit3A_81 : i32 to vector<50x8192xi32>
    %select_n3A_83 = arith.select %eq3A_80, %iota3A, %broadcast_in_dim3A_82 : vector<50x8192xi1>, vector<50x8192xi32>
    %reduce_min3A_84 = arith.constant dense<2147483647> : vector<8192xi32>
    %reduce_min3A_85 = vector.multi_reduction <minsi>, %select_n3A_83, %reduce_min3A_84 [0] : vector<50x8192xi32> to vector<8192xi32>
    %broadcast_in_dim3A_86 = vector.shape_cast %reduce_min3A_85 : vector<8192xi32> to vector<1x8192xi32>
    %swap3A = arith.constant 0 : index
    %swap3A_87 = arith.constant 0 : index
    %swap3A_88 = vector.load %arg7[%swap3A, %swap3A_87] : memref<8x32768xf32, #tpu.memory_space<vmem>>, vector<1x8192xf32>
    tpu.vector_store %arg7[%swap3A, %swap3A_87], %broadcast_in_dim3A_78 {strides = array<i32>} : memref<8x32768xf32, #tpu.memory_space<vmem>>, vector<1x8192xf32>,
    %swap3A_89 = arith.constant 0 : index
    %swap3A_90 = arith.constant 0 : index
    %swap3A_91 = vector.load %arg8[%swap3A_89, %swap3A_90] : memref<8x32768xi32, #tpu.memory_space<vmem>>, vector<1x8192xi32>
    tpu.vector_store %arg8[%swap3A_89, %swap3A_90], %broadcast_in_dim3A_86 {strides = array<i32>} : memref<8x32768xi32, #tpu.memory_space<vmem>>, vector<1x8192xi32>,
    %get3A_92 = arith.constant 0 : index
    %get3A_93 = arith.constant 8192 : index
    %get3A_94 = vector.load %arg3[%get3A_92, %get3A_93] : memref<4x32768xf32, #tpu.memory_space<vmem>>, vector<1x8192xf32>
    %get3A_95 = arith.constant 1 : index
    %get3A_96 = arith.constant 8192 : index
    %get3A_97 = vector.load %arg3[%get3A_95, %get3A_96] : memref<4x32768xf32, #tpu.memory_space<vmem>>, vector<1x8192xf32>
    %get3A_98 = arith.constant 2 : index
    %get3A_99 = arith.constant 8192 : index
    %get3A_100 = vector.load %arg3[%get3A_98, %get3A_99] : memref<4x32768xf32, #tpu.memory_space<vmem>>, vector<1x8192xf32>
    %get3A_101 = arith.constant 3 : index
    %get3A_102 = arith.constant 8192 : index
    %get3A_103 = vector.load %arg3[%get3A_101, %get3A_102] : memref<4x32768xf32, #tpu.memory_space<vmem>>, vector<1x8192xf32>
    %div3A_104 = arith.constant 2.000000e+00 : f32
    %div3A_105 = vector.broadcast %div3A_104 : f32 to vector<1x8192xf32>
    %div3A_106 = arith.divf %get3A_100, %div3A_105 : vector<1x8192xf32>
    %sub3A_107 = arith.subf %get3A_94, %div3A_106 : vector<1x8192xf32>
    %div3A_108 = arith.constant 2.000000e+00 : f32
    %div3A_109 = vector.broadcast %div3A_108 : f32 to vector<1x8192xf32>
    %div3A_110 = arith.divf %get3A_103, %div3A_109 : vector<1x8192xf32>
    %sub3A_111 = arith.subf %get3A_97, %div3A_110 : vector<1x8192xf32>
    %div3A_112 = arith.constant 2.000000e+00 : f32
    %div3A_113 = vector.broadcast %div3A_112 : f32 to vector<1x8192xf32>
    %div3A_114 = arith.divf %get3A_100, %div3A_113 : vector<1x8192xf32>
    %add3A_115 = arith.addf %get3A_94, %div3A_114 : vector<1x8192xf32>
    %div3A_116 = arith.constant 2.000000e+00 : f32
    %div3A_117 = vector.broadcast %div3A_116 : f32 to vector<1x8192xf32>
    %div3A_118 = arith.divf %get3A_103, %div3A_117 : vector<1x8192xf32>
    %add3A_119 = arith.addf %get3A_97, %div3A_118 : vector<1x8192xf32>
    %min3A_120 = vector.broadcast %slice3A_5 : vector<50x1xf32> to vector<50x8192xf32>
    %min3A_121 = vector.broadcast %add3A_115 : vector<1x8192xf32> to vector<50x8192xf32>
    %min3A_122 = arith.minimumf %min3A_120, %min3A_121 : vector<50x8192xf32>
    %max3A_123 = vector.broadcast %slice3A : vector<50x1xf32> to vector<50x8192xf32>
    %max3A_124 = vector.broadcast %sub3A_107 : vector<1x8192xf32> to vector<50x8192xf32>
    %max3A_125 = arith.maximumf %max3A_123, %max3A_124 : vector<50x8192xf32>
    %sub3A_126 = arith.subf %min3A_122, %max3A_125 : vector<50x8192xf32>
    %max3A_127 = arith.constant 0.000000e+00 : f32
    %max3A_128 = vector.broadcast %max3A_127 : f32 to vector<50x8192xf32>
    %max3A_129 = arith.maximumf %sub3A_126, %max3A_128 : vector<50x8192xf32>
    %min3A_130 = vector.broadcast %slice3A_6 : vector<50x1xf32> to vector<50x8192xf32>
    %min3A_131 = vector.broadcast %add3A_119 : vector<1x8192xf32> to vector<50x8192xf32>
    %min3A_132 = arith.minimumf %min3A_130, %min3A_131 : vector<50x8192xf32>
    %max3A_133 = vector.broadcast %slice3A_4 : vector<50x1xf32> to vector<50x8192xf32>
    %max3A_134 = vector.broadcast %sub3A_111 : vector<1x8192xf32> to vector<50x8192xf32>
    %max3A_135 = arith.maximumf %max3A_133, %max3A_134 : vector<50x8192xf32>
    %sub3A_136 = arith.subf %min3A_132, %max3A_135 : vector<50x8192xf32>
    %max3A_137 = arith.constant 0.000000e+00 : f32
    %max3A_138 = vector.broadcast %max3A_137 : f32 to vector<50x8192xf32>
    %max3A_139 = arith.maximumf %sub3A_136, %max3A_138 : vector<50x8192xf32>
    %mul3A_140 = arith.mulf %max3A_129, %max3A_139 : vector<50x8192xf32>
    %sub3A_141 = arith.subf %add3A_115, %sub3A_107 : vector<1x8192xf32>
    %sub3A_142 = arith.subf %add3A_119, %sub3A_111 : vector<1x8192xf32>
    %mul3A_143 = arith.mulf %sub3A_141, %sub3A_142 : vector<1x8192xf32>
    %add3A_144 = vector.broadcast %mul3A : vector<50x1xf32> to vector<50x8192xf32>
    %add3A_145 = vector.broadcast %mul3A_143 : vector<1x8192xf32> to vector<50x8192xf32>
    %add3A_146 = arith.addf %add3A_144, %add3A_145 : vector<50x8192xf32>
    %sub3A_147 = arith.subf %add3A_146, %mul3A_140 : vector<50x8192xf32>
    %div3A_148 = arith.divf %mul3A_140, %sub3A_147 : vector<50x8192xf32>
    %reduce_max3A_149 = arith.constant dense<0xFF800000> : vector<50xf32>
    %reduce_max3A_150 = vector.multi_reduction <maximumf>, %div3A_148, %reduce_max3A_149 [1] : vector<50x8192xf32> to vector<50xf32>
    %broadcast_in_dim3A_151 = vector.shape_cast %reduce_max3A_150 : vector<50xf32> to vector<50x1xf32>
    %eq3A_152 = vector.broadcast %broadcast_in_dim3A_151 : vector<50x1xf32> to vector<50x8192xf32>
    %eq3A_153 = arith.cmpf oeq, %div3A_148, %eq3A_152 : vector<50x8192xf32>
    %jit3A_154 = arith.constant 32768 : i32
    %broadcast_in_dim3A_155 = vector.broadcast %jit3A_154 : i32 to vector<50x8192xi32>
    %select_n3A_156 = arith.select %eq3A_153, %iota3A_8, %broadcast_in_dim3A_155 : vector<50x8192xi1>, vector<50x8192xi32>
    %reduce_min3A_157 = arith.constant dense<2147483647> : vector<50xi32>
    %reduce_min3A_158 = vector.multi_reduction <minsi>, %select_n3A_156, %reduce_min3A_157 [1] : vector<50x8192xi32> to vector<50xi32>
    %broadcast_in_dim3A_159 = vector.shape_cast %reduce_min3A_158 : vector<50xi32> to vector<50x1xi32>
    %add3A_160 = arith.constant 8192 : i32
    %add3A_161 = vector.broadcast %add3A_160 : i32 to vector<50x1xi32>
    %add3A_162 = arith.addi %broadcast_in_dim3A_159, %add3A_161 : vector<50x1xi32>
    %gt3A_163 = arith.cmpf ogt, %broadcast_in_dim3A_151, %select_n3A_75 : vector<50x1xf32>
    %select_n3A_164 = arith.select %gt3A_163, %add3A_162, %select_n3A_74 : vector<50x1xi1>, vector<50x1xi32>
    %select_n3A_165 = arith.select %gt3A_163, %broadcast_in_dim3A_151, %select_n3A_75 : vector<50x1xi1>, vector<50x1xf32>
    %reduce_max3A_166 = arith.constant dense<0xFF800000> : vector<8192xf32>
    %reduce_max3A_167 = vector.multi_reduction <maximumf>, %div3A_148, %reduce_max3A_166 [0] : vector<50x8192xf32> to vector<8192xf32>
    %broadcast_in_dim3A_168 = vector.shape_cast %reduce_max3A_167 : vector<8192xf32> to vector<1x8192xf32>
    %eq3A_169 = vector.broadcast %broadcast_in_dim3A_168 : vector<1x8192xf32> to vector<50x8192xf32>
    %eq3A_170 = arith.cmpf oeq, %div3A_148, %eq3A_169 : vector<50x8192xf32>
    %jit3A_171 = arith.constant 50 : i32
    %broadcast_in_dim3A_172 = vector.broadcast %jit3A_171 : i32 to vector<50x8192xi32>
    %select_n3A_173 = arith.select %eq3A_170, %iota3A, %broadcast_in_dim3A_172 : vector<50x8192xi1>, vector<50x8192xi32>
    %reduce_min3A_174 = arith.constant dense<2147483647> : vector<8192xi32>
    %reduce_min3A_175 = vector.multi_reduction <minsi>, %select_n3A_173, %reduce_min3A_174 [0] : vector<50x8192xi32> to vector<8192xi32>
    %broadcast_in_dim3A_176 = vector.shape_cast %reduce_min3A_175 : vector<8192xi32> to vector<1x8192xi32>
    %swap3A_177 = arith.constant 0 : index
    %swap3A_178 = arith.constant 8192 : index
    %swap3A_179 = vector.load %arg7[%swap3A_177, %swap3A_178] : memref<8x32768xf32, #tpu.memory_space<vmem>>, vector<1x8192xf32>
    tpu.vector_store %arg7[%swap3A_177, %swap3A_178], %broadcast_in_dim3A_168 {strides = array<i32>} : memref<8x32768xf32, #tpu.memory_space<vmem>>, vector<1x8192xf32>,
    %swap3A_180 = arith.constant 0 : index
    %swap3A_181 = arith.constant 8192 : index
    %swap3A_182 = vector.load %arg8[%swap3A_180, %swap3A_181] : memref<8x32768xi32, #tpu.memory_space<vmem>>, vector<1x8192xi32>
    tpu.vector_store %arg8[%swap3A_180, %swap3A_181], %broadcast_in_dim3A_176 {strides = array<i32>} : memref<8x32768xi32, #tpu.memory_space<vmem>>, vector<1x8192xi32>,
    %get3A_183 = arith.constant 0 : index
    %get3A_184 = arith.constant 16384 : index
    %get3A_185 = vector.load %arg3[%get3A_183, %get3A_184] : memref<4x32768xf32, #tpu.memory_space<vmem>>, vector<1x8192xf32>
    %get3A_186 = arith.constant 1 : index
    %get3A_187 = arith.constant 16384 : index
    %get3A_188 = vector.load %arg3[%get3A_186, %get3A_187] : memref<4x32768xf32, #tpu.memory_space<vmem>>, vector<1x8192xf32>
    %get3A_189 = arith.constant 2 : index
    %get3A_190 = arith.constant 16384 : index
    %get3A_191 = vector.load %arg3[%get3A_189, %get3A_190] : memref<4x32768xf32, #tpu.memory_space<vmem>>, vector<1x8192xf32>
    %get3A_192 = arith.constant 3 : index
    %get3A_193 = arith.constant 16384 : index
    %get3A_194 = vector.load %arg3[%get3A_192, %get3A_193] : memref<4x32768xf32, #tpu.memory_space<vmem>>, vector<1x8192xf32>
    %div3A_195 = arith.constant 2.000000e+00 : f32
    %div3A_196 = vector.broadcast %div3A_195 : f32 to vector<1x8192xf32>
    %div3A_197 = arith.divf %get3A_191, %div3A_196 : vector<1x8192xf32>
    %sub3A_198 = arith.subf %get3A_185, %div3A_197 : vector<1x8192xf32>
    %div3A_199 = arith.constant 2.000000e+00 : f32
    %div3A_200 = vector.broadcast %div3A_199 : f32 to vector<1x8192xf32>
    %div3A_201 = arith.divf %get3A_194, %div3A_200 : vector<1x8192xf32>
    %sub3A_202 = arith.subf %get3A_188, %div3A_201 : vector<1x8192xf32>
    %div3A_203 = arith.constant 2.000000e+00 : f32
    %div3A_204 = vector.broadcast %div3A_203 : f32 to vector<1x8192xf32>
    %div3A_205 = arith.divf %get3A_191, %div3A_204 : vector<1x8192xf32>
    %add3A_206 = arith.addf %get3A_185, %div3A_205 : vector<1x8192xf32>
    %div3A_207 = arith.constant 2.000000e+00 : f32
    %div3A_208 = vector.broadcast %div3A_207 : f32 to vector<1x8192xf32>
    %div3A_209 = arith.divf %get3A_194, %div3A_208 : vector<1x8192xf32>
    %add3A_210 = arith.addf %get3A_188, %div3A_209 : vector<1x8192xf32>
    %min3A_211 = vector.broadcast %slice3A_5 : vector<50x1xf32> to vector<50x8192xf32>
    %min3A_212 = vector.broadcast %add3A_206 : vector<1x8192xf32> to vector<50x8192xf32>
    %min3A_213 = arith.minimumf %min3A_211, %min3A_212 : vector<50x8192xf32>
    %max3A_214 = vector.broadcast %slice3A : vector<50x1xf32> to vector<50x8192xf32>
    %max3A_215 = vector.broadcast %sub3A_198 : vector<1x8192xf32> to vector<50x8192xf32>
    %max3A_216 = arith.maximumf %max3A_214, %max3A_215 : vector<50x8192xf32>
    %sub3A_217 = arith.subf %min3A_213, %max3A_216 : vector<50x8192xf32>
    %max3A_218 = arith.constant 0.000000e+00 : f32
    %max3A_219 = vector.broadcast %max3A_218 : f32 to vector<50x8192xf32>
    %max3A_220 = arith.maximumf %sub3A_217, %max3A_219 : vector<50x8192xf32>
    %min3A_221 = vector.broadcast %slice3A_6 : vector<50x1xf32> to vector<50x8192xf32>
    %min3A_222 = vector.broadcast %add3A_210 : vector<1x8192xf32> to vector<50x8192xf32>
    %min3A_223 = arith.minimumf %min3A_221, %min3A_222 : vector<50x8192xf32>
    %max3A_224 = vector.broadcast %slice3A_4 : vector<50x1xf32> to vector<50x8192xf32>
    %max3A_225 = vector.broadcast %sub3A_202 : vector<1x8192xf32> to vector<50x8192xf32>
    %max3A_226 = arith.maximumf %max3A_224, %max3A_225 : vector<50x8192xf32>
    %sub3A_227 = arith.subf %min3A_223, %max3A_226 : vector<50x8192xf32>
    %max3A_228 = arith.constant 0.000000e+00 : f32
    %max3A_229 = vector.broadcast %max3A_228 : f32 to vector<50x8192xf32>
    %max3A_230 = arith.maximumf %sub3A_227, %max3A_229 : vector<50x8192xf32>
    %mul3A_231 = arith.mulf %max3A_220, %max3A_230 : vector<50x8192xf32>
    %sub3A_232 = arith.subf %add3A_206, %sub3A_198 : vector<1x8192xf32>
    %sub3A_233 = arith.subf %add3A_210, %sub3A_202 : vector<1x8192xf32>
    %mul3A_234 = arith.mulf %sub3A_232, %sub3A_233 : vector<1x8192xf32>
    %add3A_235 = vector.broadcast %mul3A : vector<50x1xf32> to vector<50x8192xf32>
    %add3A_236 = vector.broadcast %mul3A_234 : vector<1x8192xf32> to vector<50x8192xf32>
    %add3A_237 = arith.addf %add3A_235, %add3A_236 : vector<50x8192xf32>
    %sub3A_238 = arith.subf %add3A_237, %mul3A_231 : vector<50x8192xf32>
    %div3A_239 = arith.divf %mul3A_231, %sub3A_238 : vector<50x8192xf32>
    %reduce_max3A_240 = arith.constant dense<0xFF800000> : vector<50xf32>
    %reduce_max3A_241 = vector.multi_reduction <maximumf>, %div3A_239, %reduce_max3A_240 [1] : vector<50x8192xf32> to vector<50xf32>
    %broadcast_in_dim3A_242 = vector.shape_cast %reduce_max3A_241 : vector<50xf32> to vector<50x1xf32>
    %eq3A_243 = vector.broadcast %broadcast_in_dim3A_242 : vector<50x1xf32> to vector<50x8192xf32>
    %eq3A_244 = arith.cmpf oeq, %div3A_239, %eq3A_243 : vector<50x8192xf32>
    %jit3A_245 = arith.constant 32768 : i32
    %broadcast_in_dim3A_246 = vector.broadcast %jit3A_245 : i32 to vector<50x8192xi32>
    %select_n3A_247 = arith.select %eq3A_244, %iota3A_8, %broadcast_in_dim3A_246 : vector<50x8192xi1>, vector<50x8192xi32>
    %reduce_min3A_248 = arith.constant dense<2147483647> : vector<50xi32>
    %reduce_min3A_249 = vector.multi_reduction <minsi>, %select_n3A_247, %reduce_min3A_248 [1] : vector<50x8192xi32> to vector<50xi32>
    %broadcast_in_dim3A_250 = vector.shape_cast %reduce_min3A_249 : vector<50xi32> to vector<50x1xi32>
    %add3A_251 = arith.constant 16384 : i32
    %add3A_252 = vector.broadcast %add3A_251 : i32 to vector<50x1xi32>
    %add3A_253 = arith.addi %broadcast_in_dim3A_250, %add3A_252 : vector<50x1xi32>
    %gt3A_254 = arith.cmpf ogt, %broadcast_in_dim3A_242, %select_n3A_165 : vector<50x1xf32>
    %select_n3A_255 = arith.select %gt3A_254, %add3A_253, %select_n3A_164 : vector<50x1xi1>, vector<50x1xi32>
    %select_n3A_256 = arith.select %gt3A_254, %broadcast_in_dim3A_242, %select_n3A_165 : vector<50x1xi1>, vector<50x1xf32>
    %reduce_max3A_257 = arith.constant dense<0xFF800000> : vector<8192xf32>
    %reduce_max3A_258 = vector.multi_reduction <maximumf>, %div3A_239, %reduce_max3A_257 [0] : vector<50x8192xf32> to vector<8192xf32>
    %broadcast_in_dim3A_259 = vector.shape_cast %reduce_max3A_258 : vector<8192xf32> to vector<1x8192xf32>
    %eq3A_260 = vector.broadcast %broadcast_in_dim3A_259 : vector<1x8192xf32> to vector<50x8192xf32>
    %eq3A_261 = arith.cmpf oeq, %div3A_239, %eq3A_260 : vector<50x8192xf32>
    %jit3A_262 = arith.constant 50 : i32
    %broadcast_in_dim3A_263 = vector.broadcast %jit3A_262 : i32 to vector<50x8192xi32>
    %select_n3A_264 = arith.select %eq3A_261, %iota3A, %broadcast_in_dim3A_263 : vector<50x8192xi1>, vector<50x8192xi32>
    %reduce_min3A_265 = arith.constant dense<2147483647> : vector<8192xi32>
    %reduce_min3A_266 = vector.multi_reduction <minsi>, %select_n3A_264, %reduce_min3A_265 [0] : vector<50x8192xi32> to vector<8192xi32>
    %broadcast_in_dim3A_267 = vector.shape_cast %reduce_min3A_266 : vector<8192xi32> to vector<1x8192xi32>
    %swap3A_268 = arith.constant 0 : index
    %swap3A_269 = arith.constant 16384 : index
    %swap3A_270 = vector.load %arg7[%swap3A_268, %swap3A_269] : memref<8x32768xf32, #tpu.memory_space<vmem>>, vector<1x8192xf32>
    tpu.vector_store %arg7[%swap3A_268, %swap3A_269], %broadcast_in_dim3A_259 {strides = array<i32>} : memref<8x32768xf32, #tpu.memory_space<vmem>>, vector<1x8192xf32>,
    %swap3A_271 = arith.constant 0 : index
    %swap3A_272 = arith.constant 16384 : index
    %swap3A_273 = vector.load %arg8[%swap3A_271, %swap3A_272] : memref<8x32768xi32, #tpu.memory_space<vmem>>, vector<1x8192xi32>
    tpu.vector_store %arg8[%swap3A_271, %swap3A_272], %broadcast_in_dim3A_267 {strides = array<i32>} : memref<8x32768xi32, #tpu.memory_space<vmem>>, vector<1x8192xi32>,
    %get3A_274 = arith.constant 0 : index
    %get3A_275 = arith.constant 24576 : index
    %get3A_276 = vector.load %arg3[%get3A_274, %get3A_275] : memref<4x32768xf32, #tpu.memory_space<vmem>>, vector<1x8192xf32>
    %get3A_277 = arith.constant 1 : index
    %get3A_278 = arith.constant 24576 : index
    %get3A_279 = vector.load %arg3[%get3A_277, %get3A_278] : memref<4x32768xf32, #tpu.memory_space<vmem>>, vector<1x8192xf32>
    %get3A_280 = arith.constant 2 : index
    %get3A_281 = arith.constant 24576 : index
    %get3A_282 = vector.load %arg3[%get3A_280, %get3A_281] : memref<4x32768xf32, #tpu.memory_space<vmem>>, vector<1x8192xf32>
    %get3A_283 = arith.constant 3 : index
    %get3A_284 = arith.constant 24576 : index
    %get3A_285 = vector.load %arg3[%get3A_283, %get3A_284] : memref<4x32768xf32, #tpu.memory_space<vmem>>, vector<1x8192xf32>
    %div3A_286 = arith.constant 2.000000e+00 : f32
    %div3A_287 = vector.broadcast %div3A_286 : f32 to vector<1x8192xf32>
    %div3A_288 = arith.divf %get3A_282, %div3A_287 : vector<1x8192xf32>
    %sub3A_289 = arith.subf %get3A_276, %div3A_288 : vector<1x8192xf32>
    %div3A_290 = arith.constant 2.000000e+00 : f32
    %div3A_291 = vector.broadcast %div3A_290 : f32 to vector<1x8192xf32>
    %div3A_292 = arith.divf %get3A_285, %div3A_291 : vector<1x8192xf32>
    %sub3A_293 = arith.subf %get3A_279, %div3A_292 : vector<1x8192xf32>
    %div3A_294 = arith.constant 2.000000e+00 : f32
    %div3A_295 = vector.broadcast %div3A_294 : f32 to vector<1x8192xf32>
    %div3A_296 = arith.divf %get3A_282, %div3A_295 : vector<1x8192xf32>
    %add3A_297 = arith.addf %get3A_276, %div3A_296 : vector<1x8192xf32>
    %div3A_298 = arith.constant 2.000000e+00 : f32
    %div3A_299 = vector.broadcast %div3A_298 : f32 to vector<1x8192xf32>
    %div3A_300 = arith.divf %get3A_285, %div3A_299 : vector<1x8192xf32>
    %add3A_301 = arith.addf %get3A_279, %div3A_300 : vector<1x8192xf32>
    %min3A_302 = vector.broadcast %slice3A_5 : vector<50x1xf32> to vector<50x8192xf32>
    %min3A_303 = vector.broadcast %add3A_297 : vector<1x8192xf32> to vector<50x8192xf32>
    %min3A_304 = arith.minimumf %min3A_302, %min3A_303 : vector<50x8192xf32>
    %max3A_305 = vector.broadcast %slice3A : vector<50x1xf32> to vector<50x8192xf32>
    %max3A_306 = vector.broadcast %sub3A_289 : vector<1x8192xf32> to vector<50x8192xf32>
    %max3A_307 = arith.maximumf %max3A_305, %max3A_306 : vector<50x8192xf32>
    %sub3A_308 = arith.subf %min3A_304, %max3A_307 : vector<50x8192xf32>
    %max3A_309 = arith.constant 0.000000e+00 : f32
    %max3A_310 = vector.broadcast %max3A_309 : f32 to vector<50x8192xf32>
    %max3A_311 = arith.maximumf %sub3A_308, %max3A_310 : vector<50x8192xf32>
    %min3A_312 = vector.broadcast %slice3A_6 : vector<50x1xf32> to vector<50x8192xf32>
    %min3A_313 = vector.broadcast %add3A_301 : vector<1x8192xf32> to vector<50x8192xf32>
    %min3A_314 = arith.minimumf %min3A_312, %min3A_313 : vector<50x8192xf32>
    %max3A_315 = vector.broadcast %slice3A_4 : vector<50x1xf32> to vector<50x8192xf32>
    %max3A_316 = vector.broadcast %sub3A_293 : vector<1x8192xf32> to vector<50x8192xf32>
    %max3A_317 = arith.maximumf %max3A_315, %max3A_316 : vector<50x8192xf32>
    %sub3A_318 = arith.subf %min3A_314, %max3A_317 : vector<50x8192xf32>
    %max3A_319 = arith.constant 0.000000e+00 : f32
    %max3A_320 = vector.broadcast %max3A_319 : f32 to vector<50x8192xf32>
    %max3A_321 = arith.maximumf %sub3A_318, %max3A_320 : vector<50x8192xf32>
    %mul3A_322 = arith.mulf %max3A_311, %max3A_321 : vector<50x8192xf32>
    %sub3A_323 = arith.subf %add3A_297, %sub3A_289 : vector<1x8192xf32>
    %sub3A_324 = arith.subf %add3A_301, %sub3A_293 : vector<1x8192xf32>
    %mul3A_325 = arith.mulf %sub3A_323, %sub3A_324 : vector<1x8192xf32>
    %add3A_326 = vector.broadcast %mul3A : vector<50x1xf32> to vector<50x8192xf32>
    %add3A_327 = vector.broadcast %mul3A_325 : vector<1x8192xf32> to vector<50x8192xf32>
    %add3A_328 = arith.addf %add3A_326, %add3A_327 : vector<50x8192xf32>
    %sub3A_329 = arith.subf %add3A_328, %mul3A_322 : vector<50x8192xf32>
    %div3A_330 = arith.divf %mul3A_322, %sub3A_329 : vector<50x8192xf32>
    %reduce_max3A_331 = arith.constant dense<0xFF800000> : vector<50xf32>
    %reduce_max3A_332 = vector.multi_reduction <maximumf>, %div3A_330, %reduce_max3A_331 [1] : vector<50x8192xf32> to vector<50xf32>
    %broadcast_in_dim3A_333 = vector.shape_cast %reduce_max3A_332 : vector<50xf32> to vector<50x1xf32>
    %eq3A_334 = vector.broadcast %broadcast_in_dim3A_333 : vector<50x1xf32> to vector<50x8192xf32>
    %eq3A_335 = arith.cmpf oeq, %div3A_330, %eq3A_334 : vector<50x8192xf32>
    %jit3A_336 = arith.constant 32768 : i32
    %broadcast_in_dim3A_337 = vector.broadcast %jit3A_336 : i32 to vector<50x8192xi32>
    %select_n3A_338 = arith.select %eq3A_335, %iota3A_8, %broadcast_in_dim3A_337 : vector<50x8192xi1>, vector<50x8192xi32>
    %reduce_min3A_339 = arith.constant dense<2147483647> : vector<50xi32>
    %reduce_min3A_340 = vector.multi_reduction <minsi>, %select_n3A_338, %reduce_min3A_339 [1] : vector<50x8192xi32> to vector<50xi32>
    %broadcast_in_dim3A_341 = vector.shape_cast %reduce_min3A_340 : vector<50xi32> to vector<50x1xi32>
    %add3A_342 = arith.constant 24576 : i32
    %add3A_343 = vector.broadcast %add3A_342 : i32 to vector<50x1xi32>
    %add3A_344 = arith.addi %broadcast_in_dim3A_341, %add3A_343 : vector<50x1xi32>
    %gt3A_345 = arith.cmpf ogt, %broadcast_in_dim3A_333, %select_n3A_256 : vector<50x1xf32>
    %select_n3A_346 = arith.select %gt3A_345, %add3A_344, %select_n3A_255 : vector<50x1xi1>, vector<50x1xi32>
    %reduce_max3A_347 = arith.constant dense<0xFF800000> : vector<8192xf32>
    %reduce_max3A_348 = vector.multi_reduction <maximumf>, %div3A_330, %reduce_max3A_347 [0] : vector<50x8192xf32> to vector<8192xf32>
    %broadcast_in_dim3A_349 = vector.shape_cast %reduce_max3A_348 : vector<8192xf32> to vector<1x8192xf32>
    %eq3A_350 = vector.broadcast %broadcast_in_dim3A_349 : vector<1x8192xf32> to vector<50x8192xf32>
    %eq3A_351 = arith.cmpf oeq, %div3A_330, %eq3A_350 : vector<50x8192xf32>
    %jit3A_352 = arith.constant 50 : i32
    %broadcast_in_dim3A_353 = vector.broadcast %jit3A_352 : i32 to vector<50x8192xi32>
    %select_n3A_354 = arith.select %eq3A_351, %iota3A, %broadcast_in_dim3A_353 : vector<50x8192xi1>, vector<50x8192xi32>
    %reduce_min3A_355 = arith.constant dense<2147483647> : vector<8192xi32>
    %reduce_min3A_356 = vector.multi_reduction <minsi>, %select_n3A_354, %reduce_min3A_355 [0] : vector<50x8192xi32> to vector<8192xi32>
    %broadcast_in_dim3A_357 = vector.shape_cast %reduce_min3A_356 : vector<8192xi32> to vector<1x8192xi32>
    %swap3A_358 = arith.constant 0 : index
    %swap3A_359 = arith.constant 24576 : index
    %swap3A_360 = vector.load %arg7[%swap3A_358, %swap3A_359] : memref<8x32768xf32, #tpu.memory_space<vmem>>, vector<1x8192xf32>
    tpu.vector_store %arg7[%swap3A_358, %swap3A_359], %broadcast_in_dim3A_349 {strides = array<i32>} : memref<8x32768xf32, #tpu.memory_space<vmem>>, vector<1x8192xf32>,
    %swap3A_361 = arith.constant 0 : index
    %swap3A_362 = arith.constant 24576 : index
    %swap3A_363 = vector.load %arg8[%swap3A_361, %swap3A_362] : memref<8x32768xi32, #tpu.memory_space<vmem>>, vector<1x8192xi32>
    tpu.vector_store %arg8[%swap3A_361, %swap3A_362], %broadcast_in_dim3A_357 {strides = array<i32>} : memref<8x32768xi32, #tpu.memory_space<vmem>>, vector<1x8192xi32>,
    %get3A_364 = arith.constant 0 : index
    %get3A_365 = arith.constant 0 : index
    %get3A_366 = arith.constant 0 : index
    %get3A_367 = vector.load %arg2[%get3A_364, %get3A_365, %get3A_366] : memref<1x4x50xf32, #tpu.memory_space<vmem>>, vector<1x4x50xf32>
    %get3A_368 = vector.shape_cast %get3A_367 : vector<1x4x50xf32> to vector<4x50xf32>
    %get3A_369 = arith.constant 0 : index
    %get3A_370 = arith.constant 0 : index
    %get3A_371 = vector.load %arg7[%get3A_369, %get3A_370] : memref<8x32768xf32, #tpu.memory_space<vmem>>, vector<1x8192xf32>
    %get3A_372 = arith.constant 0 : index
    %get3A_373 = arith.constant 0 : index
    %get3A_374 = vector.load %arg8[%get3A_372, %get3A_373] : memref<8x32768xi32, #tpu.memory_space<vmem>>, vector<1x8192xi32>
    %add3A_375 = arith.constant 0 : i32
    %add3A_376 = vector.broadcast %add3A_375 : i32 to vector<50x8192xi32>
    %add3A_377 = arith.addi %iota3A_8, %add3A_376 : vector<50x8192xi32>
    %eq3A_378 = vector.broadcast %select_n3A_346 : vector<50x1xi32> to vector<50x8192xi32>
    %eq3A_379 = arith.cmpi eq, %add3A_377, %eq3A_378 : vector<50x8192xi32>
    %jit3A_380 = arith.constant -1 : i32
    %broadcast_in_dim3A_381 = vector.broadcast %jit3A_380 : i32 to vector<50x8192xi32>
    %select_n3A_382 = arith.select %eq3A_379, %iota3A, %broadcast_in_dim3A_381 : vector<50x8192xi1>, vector<50x8192xi32>
    %reduce_max3A_383 = arith.constant dense<-2147483648> : vector<8192xi32>
    %reduce_max3A_384 = vector.multi_reduction <maxsi>, %select_n3A_382, %reduce_max3A_383 [0] : vector<50x8192xi32> to vector<8192xi32>
    %broadcast_in_dim3A_385 = vector.shape_cast %reduce_max3A_384 : vector<8192xi32> to vector<1x8192xi32>
    %ge3A = arith.constant 0 : i32
    %ge3A_386 = vector.broadcast %ge3A : i32 to vector<1x8192xi32>
    %ge3A_387 = arith.cmpi sge, %broadcast_in_dim3A_385, %ge3A_386 : vector<1x8192xi32>
    %select_n3A_388 = arith.select %ge3A_387, %broadcast_in_dim3A_385, %get3A_374 : vector<1x8192xi1>, vector<1x8192xi32>
    %jit3A_389 = arith.constant 2.000000e+00 : f32
    %broadcast_in_dim3A_390 = vector.broadcast %jit3A_389 : f32 to vector<1x8192xf32>
    %select_n3A_391 = arith.select %ge3A_387, %broadcast_in_dim3A_390, %get3A_371 : vector<1x8192xi1>, vector<1x8192xf32>
    %eq3A_392 = vector.broadcast %select_n3A_388 : vector<1x8192xi32> to vector<50x8192xi32>
    %eq3A_393 = arith.cmpi eq, %iota3A, %eq3A_392 : vector<50x8192xi32>
    %convert_element_type3A = arith.extui %eq3A_393 : vector<50x8192xi1> to vector<50x8192xi32>
    %convert_element_type3A_394 = arith.sitofp %convert_element_type3A : vector<50x8192xi32> to vector<50x8192xf32>
    %dot_general3A = arith.constant dense<0.000000e+00> : vector<4x8192xf32>
    %dot_general3A_395 = tpu.matmul %get3A_368, %convert_element_type3A_394, %dot_general3A {dimension_numbers = #tpu.dot_dimension_numbers<[1], [0], [0], [1], [0, 0, 1, 1], [], []>, precision = #tpu.contract_precision<fp32>, transpose_lhs_hint = false} : vector<4x50xf32>, vector<50x8192xf32>, vector<4x8192xf32> -> vector<4x8192xf32>
    %lt3A = arith.constant 5.000000e-01 : f32
    %lt3A_396 = vector.broadcast %lt3A : f32 to vector<1x8192xf32>
    %lt3A_397 = arith.cmpf olt, %select_n3A_391, %lt3A_396 : vector<1x8192xf32>
    %slice3A_398 = vector.extract_strided_slice %dot_general3A_395 {offsets = [0, 0], sizes = [1, 8192], strides = [1, 1]} : vector<4x8192xf32> to vector<1x8192xf32>
    %jit3A_399 = arith.constant 0.000000e+00 : f32
    %broadcast_in_dim3A_400 = vector.broadcast %jit3A_399 : f32 to vector<1x8192xf32>
    %select_n3A_401 = arith.select %lt3A_397, %broadcast_in_dim3A_400, %slice3A_398 : vector<1x8192xi1>, vector<1x8192xf32>
    %get3A_402 = arith.constant 0 : index
    %get3A_403 = arith.constant 0 : index
    %get3A_404 = vector.load %arg3[%get3A_402, %get3A_403] : memref<4x32768xf32, #tpu.memory_space<vmem>>, vector<1x8192xf32>
    %get3A_405 = arith.constant 1 : index
    %get3A_406 = arith.constant 0 : index
    %get3A_407 = vector.load %arg3[%get3A_405, %get3A_406] : memref<4x32768xf32, #tpu.memory_space<vmem>>, vector<1x8192xf32>
    %get3A_408 = arith.constant 2 : index
    %get3A_409 = arith.constant 0 : index
    %get3A_410 = vector.load %arg3[%get3A_408, %get3A_409] : memref<4x32768xf32, #tpu.memory_space<vmem>>, vector<1x8192xf32>
    %get3A_411 = arith.constant 3 : index
    %get3A_412 = arith.constant 0 : index
    %get3A_413 = vector.load %arg3[%get3A_411, %get3A_412] : memref<4x32768xf32, #tpu.memory_space<vmem>>, vector<1x8192xf32>
    %convert_element_type3A_414 = arith.fptosi %select_n3A_401 : vector<1x8192xf32> to vector<1x8192xi32>
    %swap3A_415 = arith.constant 0 : index
    %swap3A_416 = arith.constant 0 : index
    %swap3A_417 = arith.constant 0 : index
    %swap3A_418 = vector.load %arg4[%swap3A_415, %swap3A_416, %swap3A_417] : memref<1x1x32768xi32, #tpu.memory_space<vmem>>, vector<1x1x8192xi32>
    %swap3A_419 = vector.shape_cast %swap3A_418 : vector<1x1x8192xi32> to vector<1x8192xi32>
    %swap3A_420 = vector.shape_cast %convert_element_type3A_414 : vector<1x8192xi32> to vector<1x1x8192xi32>
    tpu.vector_store %arg4[%swap3A_415, %swap3A_416, %swap3A_417], %swap3A_420 {strides = array<i32>} : memref<1x1x32768xi32, #tpu.memory_space<vmem>>, vector<1x1x8192xi32>,
    %slice3A_421 = vector.extract_strided_slice %dot_general3A_395 {offsets = [1, 0], sizes = [1, 8192], strides = [1, 1]} : vector<4x8192xf32> to vector<1x8192xf32>
    %sub3A_422 = arith.subf %slice3A_421, %get3A_404 : vector<1x8192xf32>
    %mul3A_423 = arith.constant 1.000000e-01 : f32
    %mul3A_424 = vector.broadcast %mul3A_423 : f32 to vector<1x8192xf32>
    %mul3A_425 = arith.mulf %mul3A_424, %get3A_410 : vector<1x8192xf32>
    %div3A_426 = arith.divf %sub3A_422, %mul3A_425 : vector<1x8192xf32>
    %swap3A_427 = arith.constant 0 : index
    %swap3A_428 = arith.constant 0 : index
    %swap3A_429 = arith.constant 0 : index
    %swap3A_430 = vector.load %arg5[%swap3A_427, %swap3A_428, %swap3A_429] : memref<1x2x32768xf32, #tpu.memory_space<vmem>>, vector<1x1x8192xf32>
    %swap3A_431 = vector.shape_cast %swap3A_430 : vector<1x1x8192xf32> to vector<1x8192xf32>
    %swap3A_432 = vector.shape_cast %div3A_426 : vector<1x8192xf32> to vector<1x1x8192xf32>
    tpu.vector_store %arg5[%swap3A_427, %swap3A_428, %swap3A_429], %swap3A_432 {strides = array<i32>} : memref<1x2x32768xf32, #tpu.memory_space<vmem>>, vector<1x1x8192xf32>,
    %slice3A_433 = vector.extract_strided_slice %dot_general3A_395 {offsets = [2, 0], sizes = [1, 8192], strides = [1, 1]} : vector<4x8192xf32> to vector<1x8192xf32>
    %sub3A_434 = arith.subf %slice3A_433, %get3A_407 : vector<1x8192xf32>
    %mul3A_435 = arith.constant 1.000000e-01 : f32
    %mul3A_436 = vector.broadcast %mul3A_435 : f32 to vector<1x8192xf32>
    %mul3A_437 = arith.mulf %mul3A_436, %get3A_413 : vector<1x8192xf32>
    %div3A_438 = arith.divf %sub3A_434, %mul3A_437 : vector<1x8192xf32>
    %swap3A_439 = arith.constant 0 : index
    %swap3A_440 = arith.constant 1 : index
    %swap3A_441 = arith.constant 0 : index
    %swap3A_442 = vector.load %arg5[%swap3A_439, %swap3A_440, %swap3A_441] : memref<1x2x32768xf32, #tpu.memory_space<vmem>>, vector<1x1x8192xf32>
    %swap3A_443 = vector.shape_cast %swap3A_442 : vector<1x1x8192xf32> to vector<1x8192xf32>
    %swap3A_444 = vector.shape_cast %div3A_438 : vector<1x8192xf32> to vector<1x1x8192xf32>
    tpu.vector_store %arg5[%swap3A_439, %swap3A_440, %swap3A_441], %swap3A_444 {strides = array<i32>} : memref<1x2x32768xf32, #tpu.memory_space<vmem>>, vector<1x1x8192xf32>,
    %slice3A_445 = vector.extract_strided_slice %dot_general3A_395 {offsets = [3, 0], sizes = [1, 8192], strides = [1, 1]} : vector<4x8192xf32> to vector<1x8192xf32>
    %swap3A_446 = arith.constant 0 : index
    %swap3A_447 = arith.constant 0 : index
    %swap3A_448 = arith.constant 0 : index
    %swap3A_449 = vector.load %arg6[%swap3A_446, %swap3A_447, %swap3A_448] : memref<1x1x32768xf32, #tpu.memory_space<vmem>>, vector<1x1x8192xf32>
    %swap3A_450 = vector.shape_cast %swap3A_449 : vector<1x1x8192xf32> to vector<1x8192xf32>
    %swap3A_451 = vector.shape_cast %slice3A_445 : vector<1x8192xf32> to vector<1x1x8192xf32>
    tpu.vector_store %arg6[%swap3A_446, %swap3A_447, %swap3A_448], %swap3A_451 {strides = array<i32>} : memref<1x1x32768xf32, #tpu.memory_space<vmem>>, vector<1x1x8192xf32>,
    %get3A_452 = arith.constant 0 : index
    %get3A_453 = arith.constant 8192 : index
    %get3A_454 = vector.load %arg7[%get3A_452, %get3A_453] : memref<8x32768xf32, #tpu.memory_space<vmem>>, vector<1x8192xf32>
    %get3A_455 = arith.constant 0 : index
    %get3A_456 = arith.constant 8192 : index
    %get3A_457 = vector.load %arg8[%get3A_455, %get3A_456] : memref<8x32768xi32, #tpu.memory_space<vmem>>, vector<1x8192xi32>
    %add3A_458 = arith.constant 8192 : i32
    %add3A_459 = vector.broadcast %add3A_458 : i32 to vector<50x8192xi32>
    %add3A_460 = arith.addi %iota3A_8, %add3A_459 : vector<50x8192xi32>
    %eq3A_461 = vector.broadcast %select_n3A_346 : vector<50x1xi32> to vector<50x8192xi32>
    %eq3A_462 = arith.cmpi eq, %add3A_460, %eq3A_461 : vector<50x8192xi32>
    %jit3A_463 = arith.constant -1 : i32
    %broadcast_in_dim3A_464 = vector.broadcast %jit3A_463 : i32 to vector<50x8192xi32>
    %select_n3A_465 = arith.select %eq3A_462, %iota3A, %broadcast_in_dim3A_464 : vector<50x8192xi1>, vector<50x8192xi32>
    %reduce_max3A_466 = arith.constant dense<-2147483648> : vector<8192xi32>
    %reduce_max3A_467 = vector.multi_reduction <maxsi>, %select_n3A_465, %reduce_max3A_466 [0] : vector<50x8192xi32> to vector<8192xi32>
    %broadcast_in_dim3A_468 = vector.shape_cast %reduce_max3A_467 : vector<8192xi32> to vector<1x8192xi32>
    %ge3A_469 = arith.constant 0 : i32
    %ge3A_470 = vector.broadcast %ge3A_469 : i32 to vector<1x8192xi32>
    %ge3A_471 = arith.cmpi sge, %broadcast_in_dim3A_468, %ge3A_470 : vector<1x8192xi32>
    %select_n3A_472 = arith.select %ge3A_471, %broadcast_in_dim3A_468, %get3A_457 : vector<1x8192xi1>, vector<1x8192xi32>
    %jit3A_473 = arith.constant 2.000000e+00 : f32
    %broadcast_in_dim3A_474 = vector.broadcast %jit3A_473 : f32 to vector<1x8192xf32>
    %select_n3A_475 = arith.select %ge3A_471, %broadcast_in_dim3A_474, %get3A_454 : vector<1x8192xi1>, vector<1x8192xf32>
    %eq3A_476 = vector.broadcast %select_n3A_472 : vector<1x8192xi32> to vector<50x8192xi32>
    %eq3A_477 = arith.cmpi eq, %iota3A, %eq3A_476 : vector<50x8192xi32>
    %convert_element_type3A_478 = arith.extui %eq3A_477 : vector<50x8192xi1> to vector<50x8192xi32>
    %convert_element_type3A_479 = arith.sitofp %convert_element_type3A_478 : vector<50x8192xi32> to vector<50x8192xf32>
    %dot_general3A_480 = arith.constant dense<0.000000e+00> : vector<4x8192xf32>
    %dot_general3A_481 = tpu.matmul %get3A_368, %convert_element_type3A_479, %dot_general3A_480 {dimension_numbers = #tpu.dot_dimension_numbers<[1], [0], [0], [1], [0, 0, 1, 1], [], []>, precision = #tpu.contract_precision<fp32>, transpose_lhs_hint = false} : vector<4x50xf32>, vector<50x8192xf32>, vector<4x8192xf32> -> vector<4x8192xf32>
    %lt3A_482 = arith.constant 5.000000e-01 : f32
    %lt3A_483 = vector.broadcast %lt3A_482 : f32 to vector<1x8192xf32>
    %lt3A_484 = arith.cmpf olt, %select_n3A_475, %lt3A_483 : vector<1x8192xf32>
    %slice3A_485 = vector.extract_strided_slice %dot_general3A_481 {offsets = [0, 0], sizes = [1, 8192], strides = [1, 1]} : vector<4x8192xf32> to vector<1x8192xf32>
    %jit3A_486 = arith.constant 0.000000e+00 : f32
    %broadcast_in_dim3A_487 = vector.broadcast %jit3A_486 : f32 to vector<1x8192xf32>
    %select_n3A_488 = arith.select %lt3A_484, %broadcast_in_dim3A_487, %slice3A_485 : vector<1x8192xi1>, vector<1x8192xf32>
    %get3A_489 = arith.constant 0 : index
    %get3A_490 = arith.constant 8192 : index
    %get3A_491 = vector.load %arg3[%get3A_489, %get3A_490] : memref<4x32768xf32, #tpu.memory_space<vmem>>, vector<1x8192xf32>
    %get3A_492 = arith.constant 1 : index
    %get3A_493 = arith.constant 8192 : index
    %get3A_494 = vector.load %arg3[%get3A_492, %get3A_493] : memref<4x32768xf32, #tpu.memory_space<vmem>>, vector<1x8192xf32>
    %get3A_495 = arith.constant 2 : index
    %get3A_496 = arith.constant 8192 : index
    %get3A_497 = vector.load %arg3[%get3A_495, %get3A_496] : memref<4x32768xf32, #tpu.memory_space<vmem>>, vector<1x8192xf32>
    %get3A_498 = arith.constant 3 : index
    %get3A_499 = arith.constant 8192 : index
    %get3A_500 = vector.load %arg3[%get3A_498, %get3A_499] : memref<4x32768xf32, #tpu.memory_space<vmem>>, vector<1x8192xf32>
    %convert_element_type3A_501 = arith.fptosi %select_n3A_488 : vector<1x8192xf32> to vector<1x8192xi32>
    %swap3A_502 = arith.constant 0 : index
    %swap3A_503 = arith.constant 0 : index
    %swap3A_504 = arith.constant 8192 : index
    %swap3A_505 = vector.load %arg4[%swap3A_502, %swap3A_503, %swap3A_504] : memref<1x1x32768xi32, #tpu.memory_space<vmem>>, vector<1x1x8192xi32>
    %swap3A_506 = vector.shape_cast %swap3A_505 : vector<1x1x8192xi32> to vector<1x8192xi32>
    %swap3A_507 = vector.shape_cast %convert_element_type3A_501 : vector<1x8192xi32> to vector<1x1x8192xi32>
    tpu.vector_store %arg4[%swap3A_502, %swap3A_503, %swap3A_504], %swap3A_507 {strides = array<i32>} : memref<1x1x32768xi32, #tpu.memory_space<vmem>>, vector<1x1x8192xi32>,
    %slice3A_508 = vector.extract_strided_slice %dot_general3A_481 {offsets = [1, 0], sizes = [1, 8192], strides = [1, 1]} : vector<4x8192xf32> to vector<1x8192xf32>
    %sub3A_509 = arith.subf %slice3A_508, %get3A_491 : vector<1x8192xf32>
    %mul3A_510 = arith.constant 1.000000e-01 : f32
    %mul3A_511 = vector.broadcast %mul3A_510 : f32 to vector<1x8192xf32>
    %mul3A_512 = arith.mulf %mul3A_511, %get3A_497 : vector<1x8192xf32>
    %div3A_513 = arith.divf %sub3A_509, %mul3A_512 : vector<1x8192xf32>
    %swap3A_514 = arith.constant 0 : index
    %swap3A_515 = arith.constant 0 : index
    %swap3A_516 = arith.constant 8192 : index
    %swap3A_517 = vector.load %arg5[%swap3A_514, %swap3A_515, %swap3A_516] : memref<1x2x32768xf32, #tpu.memory_space<vmem>>, vector<1x1x8192xf32>
    %swap3A_518 = vector.shape_cast %swap3A_517 : vector<1x1x8192xf32> to vector<1x8192xf32>
    %swap3A_519 = vector.shape_cast %div3A_513 : vector<1x8192xf32> to vector<1x1x8192xf32>
    tpu.vector_store %arg5[%swap3A_514, %swap3A_515, %swap3A_516], %swap3A_519 {strides = array<i32>} : memref<1x2x32768xf32, #tpu.memory_space<vmem>>, vector<1x1x8192xf32>,
    %slice3A_520 = vector.extract_strided_slice %dot_general3A_481 {offsets = [2, 0], sizes = [1, 8192], strides = [1, 1]} : vector<4x8192xf32> to vector<1x8192xf32>
    %sub3A_521 = arith.subf %slice3A_520, %get3A_494 : vector<1x8192xf32>
    %mul3A_522 = arith.constant 1.000000e-01 : f32
    %mul3A_523 = vector.broadcast %mul3A_522 : f32 to vector<1x8192xf32>
    %mul3A_524 = arith.mulf %mul3A_523, %get3A_500 : vector<1x8192xf32>
    %div3A_525 = arith.divf %sub3A_521, %mul3A_524 : vector<1x8192xf32>
    %swap3A_526 = arith.constant 0 : index
    %swap3A_527 = arith.constant 1 : index
    %swap3A_528 = arith.constant 8192 : index
    %swap3A_529 = vector.load %arg5[%swap3A_526, %swap3A_527, %swap3A_528] : memref<1x2x32768xf32, #tpu.memory_space<vmem>>, vector<1x1x8192xf32>
    %swap3A_530 = vector.shape_cast %swap3A_529 : vector<1x1x8192xf32> to vector<1x8192xf32>
    %swap3A_531 = vector.shape_cast %div3A_525 : vector<1x8192xf32> to vector<1x1x8192xf32>
    tpu.vector_store %arg5[%swap3A_526, %swap3A_527, %swap3A_528], %swap3A_531 {strides = array<i32>} : memref<1x2x32768xf32, #tpu.memory_space<vmem>>, vector<1x1x8192xf32>,
    %slice3A_532 = vector.extract_strided_slice %dot_general3A_481 {offsets = [3, 0], sizes = [1, 8192], strides = [1, 1]} : vector<4x8192xf32> to vector<1x8192xf32>
    %swap3A_533 = arith.constant 0 : index
    %swap3A_534 = arith.constant 0 : index
    %swap3A_535 = arith.constant 8192 : index
    %swap3A_536 = vector.load %arg6[%swap3A_533, %swap3A_534, %swap3A_535] : memref<1x1x32768xf32, #tpu.memory_space<vmem>>, vector<1x1x8192xf32>
    %swap3A_537 = vector.shape_cast %swap3A_536 : vector<1x1x8192xf32> to vector<1x8192xf32>
    %swap3A_538 = vector.shape_cast %slice3A_532 : vector<1x8192xf32> to vector<1x1x8192xf32>
    tpu.vector_store %arg6[%swap3A_533, %swap3A_534, %swap3A_535], %swap3A_538 {strides = array<i32>} : memref<1x1x32768xf32, #tpu.memory_space<vmem>>, vector<1x1x8192xf32>,
    %get3A_539 = arith.constant 0 : index
    %get3A_540 = arith.constant 16384 : index
    %get3A_541 = vector.load %arg7[%get3A_539, %get3A_540] : memref<8x32768xf32, #tpu.memory_space<vmem>>, vector<1x8192xf32>
    %get3A_542 = arith.constant 0 : index
    %get3A_543 = arith.constant 16384 : index
    %get3A_544 = vector.load %arg8[%get3A_542, %get3A_543] : memref<8x32768xi32, #tpu.memory_space<vmem>>, vector<1x8192xi32>
    %add3A_545 = arith.constant 16384 : i32
    %add3A_546 = vector.broadcast %add3A_545 : i32 to vector<50x8192xi32>
    %add3A_547 = arith.addi %iota3A_8, %add3A_546 : vector<50x8192xi32>
    %eq3A_548 = vector.broadcast %select_n3A_346 : vector<50x1xi32> to vector<50x8192xi32>
    %eq3A_549 = arith.cmpi eq, %add3A_547, %eq3A_548 : vector<50x8192xi32>
    %jit3A_550 = arith.constant -1 : i32
    %broadcast_in_dim3A_551 = vector.broadcast %jit3A_550 : i32 to vector<50x8192xi32>
    %select_n3A_552 = arith.select %eq3A_549, %iota3A, %broadcast_in_dim3A_551 : vector<50x8192xi1>, vector<50x8192xi32>
    %reduce_max3A_553 = arith.constant dense<-2147483648> : vector<8192xi32>
    %reduce_max3A_554 = vector.multi_reduction <maxsi>, %select_n3A_552, %reduce_max3A_553 [0] : vector<50x8192xi32> to vector<8192xi32>
    %broadcast_in_dim3A_555 = vector.shape_cast %reduce_max3A_554 : vector<8192xi32> to vector<1x8192xi32>
    %ge3A_556 = arith.constant 0 : i32
    %ge3A_557 = vector.broadcast %ge3A_556 : i32 to vector<1x8192xi32>
    %ge3A_558 = arith.cmpi sge, %broadcast_in_dim3A_555, %ge3A_557 : vector<1x8192xi32>
    %select_n3A_559 = arith.select %ge3A_558, %broadcast_in_dim3A_555, %get3A_544 : vector<1x8192xi1>, vector<1x8192xi32>
    %jit3A_560 = arith.constant 2.000000e+00 : f32
    %broadcast_in_dim3A_561 = vector.broadcast %jit3A_560 : f32 to vector<1x8192xf32>
    %select_n3A_562 = arith.select %ge3A_558, %broadcast_in_dim3A_561, %get3A_541 : vector<1x8192xi1>, vector<1x8192xf32>
    %eq3A_563 = vector.broadcast %select_n3A_559 : vector<1x8192xi32> to vector<50x8192xi32>
    %eq3A_564 = arith.cmpi eq, %iota3A, %eq3A_563 : vector<50x8192xi32>
    %convert_element_type3A_565 = arith.extui %eq3A_564 : vector<50x8192xi1> to vector<50x8192xi32>
    %convert_element_type3A_566 = arith.sitofp %convert_element_type3A_565 : vector<50x8192xi32> to vector<50x8192xf32>
    %dot_general3A_567 = arith.constant dense<0.000000e+00> : vector<4x8192xf32>
    %dot_general3A_568 = tpu.matmul %get3A_368, %convert_element_type3A_566, %dot_general3A_567 {dimension_numbers = #tpu.dot_dimension_numbers<[1], [0], [0], [1], [0, 0, 1, 1], [], []>, precision = #tpu.contract_precision<fp32>, transpose_lhs_hint = false} : vector<4x50xf32>, vector<50x8192xf32>, vector<4x8192xf32> -> vector<4x8192xf32>
    %lt3A_569 = arith.constant 5.000000e-01 : f32
    %lt3A_570 = vector.broadcast %lt3A_569 : f32 to vector<1x8192xf32>
    %lt3A_571 = arith.cmpf olt, %select_n3A_562, %lt3A_570 : vector<1x8192xf32>
    %slice3A_572 = vector.extract_strided_slice %dot_general3A_568 {offsets = [0, 0], sizes = [1, 8192], strides = [1, 1]} : vector<4x8192xf32> to vector<1x8192xf32>
    %jit3A_573 = arith.constant 0.000000e+00 : f32
    %broadcast_in_dim3A_574 = vector.broadcast %jit3A_573 : f32 to vector<1x8192xf32>
    %select_n3A_575 = arith.select %lt3A_571, %broadcast_in_dim3A_574, %slice3A_572 : vector<1x8192xi1>, vector<1x8192xf32>
    %get3A_576 = arith.constant 0 : index
    %get3A_577 = arith.constant 16384 : index
    %get3A_578 = vector.load %arg3[%get3A_576, %get3A_577] : memref<4x32768xf32, #tpu.memory_space<vmem>>, vector<1x8192xf32>
    %get3A_579 = arith.constant 1 : index
    %get3A_580 = arith.constant 16384 : index
    %get3A_581 = vector.load %arg3[%get3A_579, %get3A_580] : memref<4x32768xf32, #tpu.memory_space<vmem>>, vector<1x8192xf32>
    %get3A_582 = arith.constant 2 : index
    %get3A_583 = arith.constant 16384 : index
    %get3A_584 = vector.load %arg3[%get3A_582, %get3A_583] : memref<4x32768xf32, #tpu.memory_space<vmem>>, vector<1x8192xf32>
    %get3A_585 = arith.constant 3 : index
    %get3A_586 = arith.constant 16384 : index
    %get3A_587 = vector.load %arg3[%get3A_585, %get3A_586] : memref<4x32768xf32, #tpu.memory_space<vmem>>, vector<1x8192xf32>
    %convert_element_type3A_588 = arith.fptosi %select_n3A_575 : vector<1x8192xf32> to vector<1x8192xi32>
    %swap3A_589 = arith.constant 0 : index
    %swap3A_590 = arith.constant 0 : index
    %swap3A_591 = arith.constant 16384 : index
    %swap3A_592 = vector.load %arg4[%swap3A_589, %swap3A_590, %swap3A_591] : memref<1x1x32768xi32, #tpu.memory_space<vmem>>, vector<1x1x8192xi32>
    %swap3A_593 = vector.shape_cast %swap3A_592 : vector<1x1x8192xi32> to vector<1x8192xi32>
    %swap3A_594 = vector.shape_cast %convert_element_type3A_588 : vector<1x8192xi32> to vector<1x1x8192xi32>
    tpu.vector_store %arg4[%swap3A_589, %swap3A_590, %swap3A_591], %swap3A_594 {strides = array<i32>} : memref<1x1x32768xi32, #tpu.memory_space<vmem>>, vector<1x1x8192xi32>,
    %slice3A_595 = vector.extract_strided_slice %dot_general3A_568 {offsets = [1, 0], sizes = [1, 8192], strides = [1, 1]} : vector<4x8192xf32> to vector<1x8192xf32>
    %sub3A_596 = arith.subf %slice3A_595, %get3A_578 : vector<1x8192xf32>
    %mul3A_597 = arith.constant 1.000000e-01 : f32
    %mul3A_598 = vector.broadcast %mul3A_597 : f32 to vector<1x8192xf32>
    %mul3A_599 = arith.mulf %mul3A_598, %get3A_584 : vector<1x8192xf32>
    %div3A_600 = arith.divf %sub3A_596, %mul3A_599 : vector<1x8192xf32>
    %swap3A_601 = arith.constant 0 : index
    %swap3A_602 = arith.constant 0 : index
    %swap3A_603 = arith.constant 16384 : index
    %swap3A_604 = vector.load %arg5[%swap3A_601, %swap3A_602, %swap3A_603] : memref<1x2x32768xf32, #tpu.memory_space<vmem>>, vector<1x1x8192xf32>
    %swap3A_605 = vector.shape_cast %swap3A_604 : vector<1x1x8192xf32> to vector<1x8192xf32>
    %swap3A_606 = vector.shape_cast %div3A_600 : vector<1x8192xf32> to vector<1x1x8192xf32>
    tpu.vector_store %arg5[%swap3A_601, %swap3A_602, %swap3A_603], %swap3A_606 {strides = array<i32>} : memref<1x2x32768xf32, #tpu.memory_space<vmem>>, vector<1x1x8192xf32>,
    %slice3A_607 = vector.extract_strided_slice %dot_general3A_568 {offsets = [2, 0], sizes = [1, 8192], strides = [1, 1]} : vector<4x8192xf32> to vector<1x8192xf32>
    %sub3A_608 = arith.subf %slice3A_607, %get3A_581 : vector<1x8192xf32>
    %mul3A_609 = arith.constant 1.000000e-01 : f32
    %mul3A_610 = vector.broadcast %mul3A_609 : f32 to vector<1x8192xf32>
    %mul3A_611 = arith.mulf %mul3A_610, %get3A_587 : vector<1x8192xf32>
    %div3A_612 = arith.divf %sub3A_608, %mul3A_611 : vector<1x8192xf32>
    %swap3A_613 = arith.constant 0 : index
    %swap3A_614 = arith.constant 1 : index
    %swap3A_615 = arith.constant 16384 : index
    %swap3A_616 = vector.load %arg5[%swap3A_613, %swap3A_614, %swap3A_615] : memref<1x2x32768xf32, #tpu.memory_space<vmem>>, vector<1x1x8192xf32>
    %swap3A_617 = vector.shape_cast %swap3A_616 : vector<1x1x8192xf32> to vector<1x8192xf32>
    %swap3A_618 = vector.shape_cast %div3A_612 : vector<1x8192xf32> to vector<1x1x8192xf32>
    tpu.vector_store %arg5[%swap3A_613, %swap3A_614, %swap3A_615], %swap3A_618 {strides = array<i32>} : memref<1x2x32768xf32, #tpu.memory_space<vmem>>, vector<1x1x8192xf32>,
    %slice3A_619 = vector.extract_strided_slice %dot_general3A_568 {offsets = [3, 0], sizes = [1, 8192], strides = [1, 1]} : vector<4x8192xf32> to vector<1x8192xf32>
    %swap3A_620 = arith.constant 0 : index
    %swap3A_621 = arith.constant 0 : index
    %swap3A_622 = arith.constant 16384 : index
    %swap3A_623 = vector.load %arg6[%swap3A_620, %swap3A_621, %swap3A_622] : memref<1x1x32768xf32, #tpu.memory_space<vmem>>, vector<1x1x8192xf32>
    %swap3A_624 = vector.shape_cast %swap3A_623 : vector<1x1x8192xf32> to vector<1x8192xf32>
    %swap3A_625 = vector.shape_cast %slice3A_619 : vector<1x8192xf32> to vector<1x1x8192xf32>
    tpu.vector_store %arg6[%swap3A_620, %swap3A_621, %swap3A_622], %swap3A_625 {strides = array<i32>} : memref<1x1x32768xf32, #tpu.memory_space<vmem>>, vector<1x1x8192xf32>,
    %get3A_626 = arith.constant 0 : index
    %get3A_627 = arith.constant 24576 : index
    %get3A_628 = vector.load %arg7[%get3A_626, %get3A_627] : memref<8x32768xf32, #tpu.memory_space<vmem>>, vector<1x8192xf32>
    %get3A_629 = arith.constant 0 : index
    %get3A_630 = arith.constant 24576 : index
    %get3A_631 = vector.load %arg8[%get3A_629, %get3A_630] : memref<8x32768xi32, #tpu.memory_space<vmem>>, vector<1x8192xi32>
    %add3A_632 = arith.constant 24576 : i32
    %add3A_633 = vector.broadcast %add3A_632 : i32 to vector<50x8192xi32>
    %add3A_634 = arith.addi %iota3A_8, %add3A_633 : vector<50x8192xi32>
    %eq3A_635 = vector.broadcast %select_n3A_346 : vector<50x1xi32> to vector<50x8192xi32>
    %eq3A_636 = arith.cmpi eq, %add3A_634, %eq3A_635 : vector<50x8192xi32>
    %jit3A_637 = arith.constant -1 : i32
    %broadcast_in_dim3A_638 = vector.broadcast %jit3A_637 : i32 to vector<50x8192xi32>
    %select_n3A_639 = arith.select %eq3A_636, %iota3A, %broadcast_in_dim3A_638 : vector<50x8192xi1>, vector<50x8192xi32>
    %reduce_max3A_640 = arith.constant dense<-2147483648> : vector<8192xi32>
    %reduce_max3A_641 = vector.multi_reduction <maxsi>, %select_n3A_639, %reduce_max3A_640 [0] : vector<50x8192xi32> to vector<8192xi32>
    %broadcast_in_dim3A_642 = vector.shape_cast %reduce_max3A_641 : vector<8192xi32> to vector<1x8192xi32>
    %ge3A_643 = arith.constant 0 : i32
    %ge3A_644 = vector.broadcast %ge3A_643 : i32 to vector<1x8192xi32>
    %ge3A_645 = arith.cmpi sge, %broadcast_in_dim3A_642, %ge3A_644 : vector<1x8192xi32>
    %select_n3A_646 = arith.select %ge3A_645, %broadcast_in_dim3A_642, %get3A_631 : vector<1x8192xi1>, vector<1x8192xi32>
    %jit3A_647 = arith.constant 2.000000e+00 : f32
    %broadcast_in_dim3A_648 = vector.broadcast %jit3A_647 : f32 to vector<1x8192xf32>
    %select_n3A_649 = arith.select %ge3A_645, %broadcast_in_dim3A_648, %get3A_628 : vector<1x8192xi1>, vector<1x8192xf32>
    %eq3A_650 = vector.broadcast %select_n3A_646 : vector<1x8192xi32> to vector<50x8192xi32>
    %eq3A_651 = arith.cmpi eq, %iota3A, %eq3A_650 : vector<50x8192xi32>
    %convert_element_type3A_652 = arith.extui %eq3A_651 : vector<50x8192xi1> to vector<50x8192xi32>
    %convert_element_type3A_653 = arith.sitofp %convert_element_type3A_652 : vector<50x8192xi32> to vector<50x8192xf32>
    %dot_general3A_654 = arith.constant dense<0.000000e+00> : vector<4x8192xf32>
    %dot_general3A_655 = tpu.matmul %get3A_368, %convert_element_type3A_653, %dot_general3A_654 {dimension_numbers = #tpu.dot_dimension_numbers<[1], [0], [0], [1], [0, 0, 1, 1], [], []>, precision = #tpu.contract_precision<fp32>, transpose_lhs_hint = false} : vector<4x50xf32>, vector<50x8192xf32>, vector<4x8192xf32> -> vector<4x8192xf32>
    %lt3A_656 = arith.constant 5.000000e-01 : f32
    %lt3A_657 = vector.broadcast %lt3A_656 : f32 to vector<1x8192xf32>
    %lt3A_658 = arith.cmpf olt, %select_n3A_649, %lt3A_657 : vector<1x8192xf32>
    %slice3A_659 = vector.extract_strided_slice %dot_general3A_655 {offsets = [0, 0], sizes = [1, 8192], strides = [1, 1]} : vector<4x8192xf32> to vector<1x8192xf32>
    %jit3A_660 = arith.constant 0.000000e+00 : f32
    %broadcast_in_dim3A_661 = vector.broadcast %jit3A_660 : f32 to vector<1x8192xf32>
    %select_n3A_662 = arith.select %lt3A_658, %broadcast_in_dim3A_661, %slice3A_659 : vector<1x8192xi1>, vector<1x8192xf32>
    %get3A_663 = arith.constant 0 : index
    %get3A_664 = arith.constant 24576 : index
    %get3A_665 = vector.load %arg3[%get3A_663, %get3A_664] : memref<4x32768xf32, #tpu.memory_space<vmem>>, vector<1x8192xf32>
    %get3A_666 = arith.constant 1 : index
    %get3A_667 = arith.constant 24576 : index
    %get3A_668 = vector.load %arg3[%get3A_666, %get3A_667] : memref<4x32768xf32, #tpu.memory_space<vmem>>, vector<1x8192xf32>
    %get3A_669 = arith.constant 2 : index
    %get3A_670 = arith.constant 24576 : index
    %get3A_671 = vector.load %arg3[%get3A_669, %get3A_670] : memref<4x32768xf32, #tpu.memory_space<vmem>>, vector<1x8192xf32>
    %get3A_672 = arith.constant 3 : index
    %get3A_673 = arith.constant 24576 : index
    %get3A_674 = vector.load %arg3[%get3A_672, %get3A_673] : memref<4x32768xf32, #tpu.memory_space<vmem>>, vector<1x8192xf32>
    %convert_element_type3A_675 = arith.fptosi %select_n3A_662 : vector<1x8192xf32> to vector<1x8192xi32>
    %swap3A_676 = arith.constant 0 : index
    %swap3A_677 = arith.constant 0 : index
    %swap3A_678 = arith.constant 24576 : index
    %swap3A_679 = vector.load %arg4[%swap3A_676, %swap3A_677, %swap3A_678] : memref<1x1x32768xi32, #tpu.memory_space<vmem>>, vector<1x1x8192xi32>
    %swap3A_680 = vector.shape_cast %swap3A_679 : vector<1x1x8192xi32> to vector<1x8192xi32>
    %swap3A_681 = vector.shape_cast %convert_element_type3A_675 : vector<1x8192xi32> to vector<1x1x8192xi32>
    tpu.vector_store %arg4[%swap3A_676, %swap3A_677, %swap3A_678], %swap3A_681 {strides = array<i32>} : memref<1x1x32768xi32, #tpu.memory_space<vmem>>, vector<1x1x8192xi32>,
    %slice3A_682 = vector.extract_strided_slice %dot_general3A_655 {offsets = [1, 0], sizes = [1, 8192], strides = [1, 1]} : vector<4x8192xf32> to vector<1x8192xf32>
    %sub3A_683 = arith.subf %slice3A_682, %get3A_665 : vector<1x8192xf32>
    %mul3A_684 = arith.constant 1.000000e-01 : f32
    %mul3A_685 = vector.broadcast %mul3A_684 : f32 to vector<1x8192xf32>
    %mul3A_686 = arith.mulf %mul3A_685, %get3A_671 : vector<1x8192xf32>
    %div3A_687 = arith.divf %sub3A_683, %mul3A_686 : vector<1x8192xf32>
    %swap3A_688 = arith.constant 0 : index
    %swap3A_689 = arith.constant 0 : index
    %swap3A_690 = arith.constant 24576 : index
    %swap3A_691 = vector.load %arg5[%swap3A_688, %swap3A_689, %swap3A_690] : memref<1x2x32768xf32, #tpu.memory_space<vmem>>, vector<1x1x8192xf32>
    %swap3A_692 = vector.shape_cast %swap3A_691 : vector<1x1x8192xf32> to vector<1x8192xf32>
    %swap3A_693 = vector.shape_cast %div3A_687 : vector<1x8192xf32> to vector<1x1x8192xf32>
    tpu.vector_store %arg5[%swap3A_688, %swap3A_689, %swap3A_690], %swap3A_693 {strides = array<i32>} : memref<1x2x32768xf32, #tpu.memory_space<vmem>>, vector<1x1x8192xf32>,
    %slice3A_694 = vector.extract_strided_slice %dot_general3A_655 {offsets = [2, 0], sizes = [1, 8192], strides = [1, 1]} : vector<4x8192xf32> to vector<1x8192xf32>
    %sub3A_695 = arith.subf %slice3A_694, %get3A_668 : vector<1x8192xf32>
    %mul3A_696 = arith.constant 1.000000e-01 : f32
    %mul3A_697 = vector.broadcast %mul3A_696 : f32 to vector<1x8192xf32>
    %mul3A_698 = arith.mulf %mul3A_697, %get3A_674 : vector<1x8192xf32>
    %div3A_699 = arith.divf %sub3A_695, %mul3A_698 : vector<1x8192xf32>
    %swap3A_700 = arith.constant 0 : index
    %swap3A_701 = arith.constant 1 : index
    %swap3A_702 = arith.constant 24576 : index
    %swap3A_703 = vector.load %arg5[%swap3A_700, %swap3A_701, %swap3A_702] : memref<1x2x32768xf32, #tpu.memory_space<vmem>>, vector<1x1x8192xf32>
    %swap3A_704 = vector.shape_cast %swap3A_703 : vector<1x1x8192xf32> to vector<1x8192xf32>
    %swap3A_705 = vector.shape_cast %div3A_699 : vector<1x8192xf32> to vector<1x1x8192xf32>
    tpu.vector_store %arg5[%swap3A_700, %swap3A_701, %swap3A_702], %swap3A_705 {strides = array<i32>} : memref<1x2x32768xf32, #tpu.memory_space<vmem>>, vector<1x1x8192xf32>,
    %slice3A_706 = vector.extract_strided_slice %dot_general3A_655 {offsets = [3, 0], sizes = [1, 8192], strides = [1, 1]} : vector<4x8192xf32> to vector<1x8192xf32>
    %swap3A_707 = arith.constant 0 : index
    %swap3A_708 = arith.constant 0 : index
    %swap3A_709 = arith.constant 24576 : index
    %swap3A_710 = vector.load %arg6[%swap3A_707, %swap3A_708, %swap3A_709] : memref<1x1x32768xf32, #tpu.memory_space<vmem>>, vector<1x1x8192xf32>
    %swap3A_711 = vector.shape_cast %swap3A_710 : vector<1x1x8192xf32> to vector<1x8192xf32>
    %swap3A_712 = vector.shape_cast %slice3A_706 : vector<1x8192xf32> to vector<1x1x8192xf32>
    tpu.vector_store %arg6[%swap3A_707, %swap3A_708, %swap3A_709], %swap3A_712 {strides = array<i32>} : memref<1x1x32768xf32, #tpu.memory_space<vmem>>, vector<1x1x8192xf32>,
    return
  }
  func.func @transform_0(%arg0: i32) -> (i32, i32, i32) {
    %c0_i32 = arith.constant 0 : i32
    %c0_i32_0 = arith.constant 0 : i32
    %c0_i32_1 = arith.constant 0 : i32
    return %arg0, %c0_i32, %c0_i32_0 : i32, i32, i32
  }
  func.func @transform_1(%arg0: i32) -> (i32, i32, i32) {
    %c0_i32 = arith.constant 0 : i32
    %c0_i32_0 = arith.constant 0 : i32
    %c0_i32_1 = arith.constant 0 : i32
    return %arg0, %c0_i32, %c0_i32_0 : i32, i32, i32
  }
  func.func @transform_2(%arg0: i32) -> (i32, i32) {
    %c0_i32 = arith.constant 0 : i32
    %c0_i32_0 = arith.constant 0 : i32
    %c0_i32_1 = arith.constant 0 : i32
    return %c0_i32, %c0_i32_0 : i32, i32
  }
  func.func @transform_3(%arg0: i32) -> (i32, i32, i32) {
    %c0_i32 = arith.constant 0 : i32
    %c0_i32_0 = arith.constant 0 : i32
    %c0_i32_1 = arith.constant 0 : i32
    return %arg0, %c0_i32, %c0_i32_0 : i32, i32, i32
  }
  func.func @transform_4(%arg0: i32) -> (i32, i32, i32) {
    %c0_i32 = arith.constant 0 : i32
    %c0_i32_0 = arith.constant 0 : i32
    %c0_i32_1 = arith.constant 0 : i32
    return %arg0, %c0_i32, %c0_i32_0 : i32, i32, i32
  }
  func.func @transform_5(%arg0: i32) -> (i32, i32, i32) {
    %c0_i32 = arith.constant 0 : i32
    %c0_i32_0 = arith.constant 0 : i32
    %c0_i32_1 = arith.constant 0 : i32
    return %arg0, %c0_i32, %c0_i32_0 : i32, i32, i32
  }
}

module attributes {stable_mosaic.version = 14 : i64} {
  func.func @_stream_kernel(%arg0: i32, %arg1: i32, %arg2: memref<1x64x128x81xf32, #tpu.memory_space<vmem>>, %arg3: memref<1x64x128xf32, #tpu.memory_space<vmem>>, %arg4: memref<1x64x128xf32, #tpu.memory_space<vmem>>, %arg5: memref<1x64x128xf32, #tpu.memory_space<vmem>>, %arg6: memref<1x64x128xi32, #tpu.memory_space<vmem>>, %arg7: memref<1x64x128xf32, #tpu.memory_space<vmem>>, %arg8: memref<1x64x128xf32, #tpu.memory_space<vmem>>, %arg9: memref<1x64x128xf32, #tpu.memory_space<vmem>>, %arg10: memref<1x64x128xf32, #tpu.memory_space<vmem>>, %arg11: memref<16x128xf32, #tpu.memory_space<vmem>>) attributes {dimension_semantics = [#tpu.dimension_semantics<arbitrary>, #tpu.dimension_semantics<arbitrary>], iteration_bounds = array<i64: 16, 4>, scalar_prefetch = 0 : i64, scratch_operands = 0 : i64, tpu.core_type = #tpu.core_type<tc>, window_params = [{transform_indices = @transform_0, window_bounds = array<i64: 1, 64, 128, 81>}, {transform_indices = @transform_1, window_bounds = array<i64: 1, 64, 128>}, {transform_indices = @transform_2, window_bounds = array<i64: 1, 64, 128>}, {transform_indices = @transform_3, window_bounds = array<i64: 1, 64, 128>}, {transform_indices = @transform_4, window_bounds = array<i64: 1, 64, 128>}, {transform_indices = @transform_5, window_bounds = array<i64: 1, 64, 128>}, {transform_indices = @transform_6, window_bounds = array<i64: 1, 64, 128>}, {transform_indices = @transform_7, window_bounds = array<i64: 1, 64, 128>}, {transform_indices = @transform_8, window_bounds = array<i64: 1, 64, 128>}, {pipeline_mode = #tpu.pipeline_mode<synchronous>, transform_indices = @transform_9, window_bounds = array<i64: 16, 128>}]} {
    %eq3A = arith.constant 0 : i32
    %eq3A_0 = arith.cmpi eq, %arg0, %eq3A : i32
    %eq3A_1 = arith.constant 0 : i32
    %eq3A_2 = arith.cmpi eq, %arg1, %eq3A_1 : i32
    %and3A = arith.andi %eq3A_0, %eq3A_2 : i1
    %convert_element_type3A = arith.extui %and3A : i1 to i32
    %cond3A = arith.constant 0 : i32
    %cond3A_3 = arith.cmpi ne, %convert_element_type3A, %cond3A : i32
    scf.if %cond3A_3 {
      %broadcast_in_dim3A_166 = arith.constant 0.000000e+00 : f32
      %broadcast_in_dim3A_167 = vector.broadcast %broadcast_in_dim3A_166 : f32 to vector<16x128xf32>
      %swap3A_168 = arith.constant 0 : index
      %swap3A_169 = arith.constant 0 : index
      %swap3A_170 = vector.load %arg11[%swap3A_168, %swap3A_169] : memref<16x128xf32, #tpu.memory_space<vmem>>, vector<16x128xf32>
      tpu.vector_store %arg11[%swap3A_168, %swap3A_169], %broadcast_in_dim3A_167 {strides = array<i32>} : memref<16x128xf32, #tpu.memory_space<vmem>>, vector<16x128xf32>,
    } else {
    }
    %get3A = arith.constant 0 : index
    %get3A_4 = arith.constant 0 : index
    %get3A_5 = arith.constant 0 : index
    %get3A_6 = arith.constant 0 : index
    %get3A_7 = vector.load %arg2[%get3A, %get3A_4, %get3A_5, %get3A_6] : memref<1x64x128x81xf32, #tpu.memory_space<vmem>>, vector<1x64x128x81xf32>
    %get3A_8 = vector.shape_cast %get3A_7 : vector<1x64x128x81xf32> to vector<64x128x81xf32>
    %reduce_max3A = arith.constant dense<0xFF800000> : vector<64x128xf32>
    %reduce_max3A_9 = vector.multi_reduction <maximumf>, %get3A_8, %reduce_max3A [2] : vector<64x128x81xf32> to vector<64x128xf32>
    %broadcast_in_dim3A = vector.shape_cast %reduce_max3A_9 : vector<64x128xf32> to vector<64x128x1xf32>
    %sub3A = vector.broadcast %broadcast_in_dim3A : vector<64x128x1xf32> to vector<64x128x81xf32>
    %sub3A_10 = arith.subf %get3A_8, %sub3A : vector<64x128x81xf32>
    %exp3A = math.exp %sub3A_10 : vector<64x128x81xf32>
    %reduce_sum3A = arith.constant dense<0.000000e+00> : vector<64x128xf32>
    %reduce_sum3A_11 = vector.multi_reduction <add>, %exp3A, %reduce_sum3A [2] : vector<64x128x81xf32> to vector<64x128xf32>
    %log3A = math.log %reduce_sum3A_11 : vector<64x128xf32>
    %add3A = arith.addf %reduce_max3A_9, %log3A : vector<64x128xf32>
    %get3A_12 = arith.constant 0 : index
    %get3A_13 = arith.constant 0 : index
    %get3A_14 = arith.constant 0 : index
    %get3A_15 = vector.load %arg6[%get3A_12, %get3A_13, %get3A_14] : memref<1x64x128xi32, #tpu.memory_space<vmem>>, vector<1x64x128xi32>
    %get3A_16 = vector.shape_cast %get3A_15 : vector<1x64x128xi32> to vector<64x128xi32>
    %iota3A = tpu.iota {dimensions = array<i32: 2>} : vector<64x128x81xi32>
    %broadcast_in_dim3A_17 = vector.shape_cast %get3A_16 : vector<64x128xi32> to vector<64x128x1xi32>
    %eq3A_18 = vector.broadcast %broadcast_in_dim3A_17 : vector<64x128x1xi32> to vector<64x128x81xi32>
    %eq3A_19 = arith.cmpi eq, %iota3A, %eq3A_18 : vector<64x128x81xi32>
    %jit3A = arith.constant 0.000000e+00 : f32
    %broadcast_in_dim3A_20 = vector.broadcast %jit3A : f32 to vector<64x128x81xf32>
    %select_n3A = arith.select %eq3A_19, %get3A_8, %broadcast_in_dim3A_20 : vector<64x128x81xi1>, vector<64x128x81xf32>
    %reduce_sum3A_21 = arith.constant dense<0.000000e+00> : vector<64x128xf32>
    %reduce_sum3A_22 = vector.multi_reduction <add>, %select_n3A, %reduce_sum3A_21 [2] : vector<64x128x81xf32> to vector<64x128xf32>
    %sub3A_23 = arith.subf %add3A, %reduce_sum3A_22 : vector<64x128xf32>
    %gt3A = arith.constant 0 : i32
    %gt3A_24 = vector.broadcast %gt3A : i32 to vector<64x128xi32>
    %gt3A_25 = arith.cmpi sgt, %get3A_16, %gt3A_24 : vector<64x128xi32>
    %convert_element_type3A_26 = arith.extui %gt3A_25 : vector<64x128xi1> to vector<64x128xi32>
    %convert_element_type3A_27 = arith.sitofp %convert_element_type3A_26 : vector<64x128xi32> to vector<64x128xf32>
    %max3A = arith.constant 0.000000e+00 : f32
    %max3A_28 = vector.broadcast %max3A : f32 to vector<64x128xf32>
    %max3A_29 = arith.maximumf %sub3A_23, %max3A_28 : vector<64x128xf32>
    %jit3A_30 = arith.constant 0.000000e+00 : f32
    %broadcast_in_dim3A_31 = vector.broadcast %jit3A_30 : f32 to vector<64x128xf32>
    %select_n3A_32 = arith.select %gt3A_25, %broadcast_in_dim3A_31, %max3A_29 : vector<64x128xi1>, vector<64x128xf32>
    %swap3A = arith.constant 0 : index
    %swap3A_33 = arith.constant 0 : index
    %swap3A_34 = arith.constant 0 : index
    %swap3A_35 = vector.load %arg10[%swap3A, %swap3A_33, %swap3A_34] : memref<1x64x128xf32, #tpu.memory_space<vmem>>, vector<1x64x128xf32>
    %swap3A_36 = vector.shape_cast %swap3A_35 : vector<1x64x128xf32> to vector<64x128xf32>
    %swap3A_37 = vector.shape_cast %select_n3A_32 : vector<64x128xf32> to vector<1x64x128xf32>
    tpu.vector_store %arg10[%swap3A, %swap3A_33, %swap3A_34], %swap3A_37 {strides = array<i32>} : memref<1x64x128xf32, #tpu.memory_space<vmem>>, vector<1x64x128xf32>,
    %get3A_38 = arith.constant 0 : index
    %get3A_39 = arith.constant 0 : index
    %get3A_40 = arith.constant 0 : index
    %get3A_41 = vector.load %arg3[%get3A_38, %get3A_39, %get3A_40] : memref<1x64x128xf32, #tpu.memory_space<vmem>>, vector<1x64x128xf32>
    %get3A_42 = vector.shape_cast %get3A_41 : vector<1x64x128xf32> to vector<64x128xf32>
    %get3A_43 = arith.constant 0 : index
    %get3A_44 = arith.constant 0 : index
    %get3A_45 = arith.constant 0 : index
    %get3A_46 = vector.load %arg7[%get3A_43, %get3A_44, %get3A_45] : memref<1x64x128xf32, #tpu.memory_space<vmem>>, vector<1x64x128xf32>
    %get3A_47 = vector.shape_cast %get3A_46 : vector<1x64x128xf32> to vector<64x128xf32>
    %sub3A_48 = arith.subf %get3A_42, %get3A_47 : vector<64x128xf32>
    %get3A_49 = arith.constant 0 : index
    %get3A_50 = arith.constant 0 : index
    %get3A_51 = arith.constant 0 : index
    %get3A_52 = vector.load %arg4[%get3A_49, %get3A_50, %get3A_51] : memref<1x64x128xf32, #tpu.memory_space<vmem>>, vector<1x64x128xf32>
    %get3A_53 = vector.shape_cast %get3A_52 : vector<1x64x128xf32> to vector<64x128xf32>
    %get3A_54 = arith.constant 0 : index
    %get3A_55 = arith.constant 0 : index
    %get3A_56 = arith.constant 0 : index
    %get3A_57 = vector.load %arg8[%get3A_54, %get3A_55, %get3A_56] : memref<1x64x128xf32, #tpu.memory_space<vmem>>, vector<1x64x128xf32>
    %get3A_58 = vector.shape_cast %get3A_57 : vector<1x64x128xf32> to vector<64x128xf32>
    %sub3A_59 = arith.subf %get3A_53, %get3A_58 : vector<64x128xf32>
    %abs3A = math.absf %sub3A_48 : vector<64x128xf32>
    %abs3A_60 = math.absf %sub3A_59 : vector<64x128xf32>
    %lt3A = arith.constant 1.000000e+00 : f32
    %lt3A_61 = vector.broadcast %lt3A : f32 to vector<64x128xf32>
    %lt3A_62 = arith.cmpf olt, %abs3A, %lt3A_61 : vector<64x128xf32>
    %mul3A = arith.constant 5.000000e-01 : f32
    %mul3A_63 = vector.broadcast %mul3A : f32 to vector<64x128xf32>
    %mul3A_64 = arith.mulf %mul3A_63, %sub3A_48 : vector<64x128xf32>
    %mul3A_65 = arith.mulf %mul3A_64, %sub3A_48 : vector<64x128xf32>
    %sub3A_66 = arith.constant 5.000000e-01 : f32
    %sub3A_67 = vector.broadcast %sub3A_66 : f32 to vector<64x128xf32>
    %sub3A_68 = arith.subf %abs3A, %sub3A_67 : vector<64x128xf32>
    %select_n3A_69 = arith.select %lt3A_62, %mul3A_65, %sub3A_68 : vector<64x128xi1>, vector<64x128xf32>
    %lt3A_70 = arith.constant 1.000000e+00 : f32
    %lt3A_71 = vector.broadcast %lt3A_70 : f32 to vector<64x128xf32>
    %lt3A_72 = arith.cmpf olt, %abs3A_60, %lt3A_71 : vector<64x128xf32>
    %mul3A_73 = arith.constant 5.000000e-01 : f32
    %mul3A_74 = vector.broadcast %mul3A_73 : f32 to vector<64x128xf32>
    %mul3A_75 = arith.mulf %mul3A_74, %sub3A_59 : vector<64x128xf32>
    %mul3A_76 = arith.mulf %mul3A_75, %sub3A_59 : vector<64x128xf32>
    %sub3A_77 = arith.constant 5.000000e-01 : f32
    %sub3A_78 = vector.broadcast %sub3A_77 : f32 to vector<64x128xf32>
    %sub3A_79 = arith.subf %abs3A_60, %sub3A_78 : vector<64x128xf32>
    %select_n3A_80 = arith.select %lt3A_72, %mul3A_76, %sub3A_79 : vector<64x128xi1>, vector<64x128xf32>
    %add3A_81 = arith.addf %select_n3A_69, %select_n3A_80 : vector<64x128xf32>
    %mul3A_82 = arith.mulf %add3A_81, %convert_element_type3A_27 : vector<64x128xf32>
    %reduce_sum3A_83 = vector.shape_cast %mul3A_82 : vector<64x128xf32> to vector<1x64x128xf32>
    %reduce_sum3A_84 = arith.constant dense<0.000000e+00> : vector<1xf32>
    %reduce_sum3A_85 = vector.multi_reduction <add>, %reduce_sum3A_83, %reduce_sum3A_84 [1, 2] : vector<1x64x128xf32> to vector<1xf32>
    %reduce_sum3A_86 = vector.shape_cast %reduce_sum3A_85 : vector<1xf32> to vector<1x1x1xf32>
    %reduce_sum3A_87 = vector.extract %reduce_sum3A_86[0, 0, 0] : f32 from vector<1x1x1xf32>
    %get3A_88 = arith.constant 0 : index
    %get3A_89 = arith.constant 0 : index
    %get3A_90 = arith.constant 0 : index
    %get3A_91 = vector.load %arg5[%get3A_88, %get3A_89, %get3A_90] : memref<1x64x128xf32, #tpu.memory_space<vmem>>, vector<1x64x128xf32>
    %get3A_92 = vector.shape_cast %get3A_91 : vector<1x64x128xf32> to vector<64x128xf32>
    %get3A_93 = arith.constant 0 : index
    %get3A_94 = arith.constant 0 : index
    %get3A_95 = arith.constant 0 : index
    %get3A_96 = vector.load %arg9[%get3A_93, %get3A_94, %get3A_95] : memref<1x64x128xf32, #tpu.memory_space<vmem>>, vector<1x64x128xf32>
    %get3A_97 = vector.shape_cast %get3A_96 : vector<1x64x128xf32> to vector<64x128xf32>
    %sub3A_98 = arith.subf %get3A_92, %get3A_97 : vector<64x128xf32>
    %abs3A_99 = math.absf %sub3A_98 : vector<64x128xf32>
    %mul3A_100 = arith.mulf %abs3A_99, %convert_element_type3A_27 : vector<64x128xf32>
    %reduce_sum3A_101 = vector.shape_cast %mul3A_100 : vector<64x128xf32> to vector<1x64x128xf32>
    %reduce_sum3A_102 = arith.constant dense<0.000000e+00> : vector<1xf32>
    %reduce_sum3A_103 = vector.multi_reduction <add>, %reduce_sum3A_101, %reduce_sum3A_102 [1, 2] : vector<1x64x128xf32> to vector<1xf32>
    %reduce_sum3A_104 = vector.shape_cast %reduce_sum3A_103 : vector<1xf32> to vector<1x1x1xf32>
    %reduce_sum3A_105 = vector.extract %reduce_sum3A_104[0, 0, 0] : f32 from vector<1x1x1xf32>
    %mul3A_106 = arith.mulf %sub3A_23, %convert_element_type3A_27 : vector<64x128xf32>
    %reduce_sum3A_107 = vector.shape_cast %mul3A_106 : vector<64x128xf32> to vector<1x64x128xf32>
    %reduce_sum3A_108 = arith.constant dense<0.000000e+00> : vector<1xf32>
    %reduce_sum3A_109 = vector.multi_reduction <add>, %reduce_sum3A_107, %reduce_sum3A_108 [1, 2] : vector<1x64x128xf32> to vector<1xf32>
    %reduce_sum3A_110 = vector.shape_cast %reduce_sum3A_109 : vector<1xf32> to vector<1x1x1xf32>
    %reduce_sum3A_111 = vector.extract %reduce_sum3A_110[0, 0, 0] : f32 from vector<1x1x1xf32>
    %reduce_sum3A_112 = vector.shape_cast %convert_element_type3A_27 : vector<64x128xf32> to vector<1x64x128xf32>
    %reduce_sum3A_113 = arith.constant dense<0.000000e+00> : vector<1xf32>
    %reduce_sum3A_114 = vector.multi_reduction <add>, %reduce_sum3A_112, %reduce_sum3A_113 [1, 2] : vector<1x64x128xf32> to vector<1xf32>
    %reduce_sum3A_115 = vector.shape_cast %reduce_sum3A_114 : vector<1xf32> to vector<1x1x1xf32>
    %reduce_sum3A_116 = vector.extract %reduce_sum3A_115[0, 0, 0] : f32 from vector<1x1x1xf32>
    %iota3A_117 = tpu.iota {dimensions = array<i32: 1>} : vector<1x128xi32>
    %eq3A_118 = arith.constant 0 : i32
    %eq3A_119 = vector.broadcast %eq3A_118 : i32 to vector<1x128xi32>
    %eq3A_120 = arith.cmpi eq, %iota3A_117, %eq3A_119 : vector<1x128xi32>
    %jit3A_121 = arith.constant 0.000000e+00 : f32
    %broadcast_in_dim3A_122 = vector.broadcast %reduce_sum3A_87 : f32 to vector<1x128xf32>
    %broadcast_in_dim3A_123 = vector.broadcast %jit3A_121 : f32 to vector<1x128xf32>
    %select_n3A_124 = arith.select %eq3A_120, %broadcast_in_dim3A_122, %broadcast_in_dim3A_123 : vector<1x128xi1>, vector<1x128xf32>
    %eq3A_125 = arith.constant 1 : i32
    %eq3A_126 = vector.broadcast %eq3A_125 : i32 to vector<1x128xi32>
    %eq3A_127 = arith.cmpi eq, %iota3A_117, %eq3A_126 : vector<1x128xi32>
    %jit3A_128 = arith.constant 0.000000e+00 : f32
    %broadcast_in_dim3A_129 = vector.broadcast %reduce_sum3A_105 : f32 to vector<1x128xf32>
    %broadcast_in_dim3A_130 = vector.broadcast %jit3A_128 : f32 to vector<1x128xf32>
    %select_n3A_131 = arith.select %eq3A_127, %broadcast_in_dim3A_129, %broadcast_in_dim3A_130 : vector<1x128xi1>, vector<1x128xf32>
    %add3A_132 = arith.addf %select_n3A_124, %select_n3A_131 : vector<1x128xf32>
    %eq3A_133 = arith.constant 2 : i32
    %eq3A_134 = vector.broadcast %eq3A_133 : i32 to vector<1x128xi32>
    %eq3A_135 = arith.cmpi eq, %iota3A_117, %eq3A_134 : vector<1x128xi32>
    %jit3A_136 = arith.constant 0.000000e+00 : f32
    %broadcast_in_dim3A_137 = vector.broadcast %reduce_sum3A_111 : f32 to vector<1x128xf32>
    %broadcast_in_dim3A_138 = vector.broadcast %jit3A_136 : f32 to vector<1x128xf32>
    %select_n3A_139 = arith.select %eq3A_135, %broadcast_in_dim3A_137, %broadcast_in_dim3A_138 : vector<1x128xi1>, vector<1x128xf32>
    %add3A_140 = arith.addf %add3A_132, %select_n3A_139 : vector<1x128xf32>
    %eq3A_141 = arith.constant 3 : i32
    %eq3A_142 = vector.broadcast %eq3A_141 : i32 to vector<1x128xi32>
    %eq3A_143 = arith.cmpi eq, %iota3A_117, %eq3A_142 : vector<1x128xi32>
    %jit3A_144 = arith.constant 0.000000e+00 : f32
    %broadcast_in_dim3A_145 = vector.broadcast %reduce_sum3A_116 : f32 to vector<1x128xf32>
    %broadcast_in_dim3A_146 = vector.broadcast %jit3A_144 : f32 to vector<1x128xf32>
    %select_n3A_147 = arith.select %eq3A_143, %broadcast_in_dim3A_145, %broadcast_in_dim3A_146 : vector<1x128xi1>, vector<1x128xf32>
    %add3A_148 = arith.addf %add3A_140, %select_n3A_147 : vector<1x128xf32>
    %iota3A_149 = tpu.iota {dimensions = array<i32: 0>} : vector<16x128xi32>
    %get3A_150 = arith.constant 0 : index
    %get3A_151 = arith.constant 0 : index
    %get3A_152 = vector.load %arg11[%get3A_150, %get3A_151] : memref<16x128xf32, #tpu.memory_space<vmem>>, vector<16x128xf32>
    %eq3A_153 = vector.broadcast %arg0 : i32 to vector<16x128xi32>
    %eq3A_154 = arith.cmpi eq, %iota3A_149, %eq3A_153 : vector<16x128xi32>
    %jit3A_155 = arith.constant 1.000000e+00 : f32
    %jit3A_156 = arith.constant 0.000000e+00 : f32
    %broadcast_in_dim3A_157 = vector.broadcast %jit3A_155 : f32 to vector<16x128xf32>
    %broadcast_in_dim3A_158 = vector.broadcast %jit3A_156 : f32 to vector<16x128xf32>
    %select_n3A_159 = arith.select %eq3A_154, %broadcast_in_dim3A_157, %broadcast_in_dim3A_158 : vector<16x128xi1>, vector<16x128xf32>
    %mul3A_160 = vector.broadcast %add3A_148 : vector<1x128xf32> to vector<16x128xf32>
    %mul3A_161 = arith.mulf %select_n3A_159, %mul3A_160 : vector<16x128xf32>
    %add3A_162 = arith.addf %get3A_152, %mul3A_161 : vector<16x128xf32>
    %swap3A_163 = arith.constant 0 : index
    %swap3A_164 = arith.constant 0 : index
    %swap3A_165 = vector.load %arg11[%swap3A_163, %swap3A_164] : memref<16x128xf32, #tpu.memory_space<vmem>>, vector<16x128xf32>
    tpu.vector_store %arg11[%swap3A_163, %swap3A_164], %add3A_162 {strides = array<i32>} : memref<16x128xf32, #tpu.memory_space<vmem>>, vector<16x128xf32>,
    return
  }
  func.func @transform_0(%arg0: i32, %arg1: i32) -> (i32, i32, i32, i32) {
    %c0_i32 = arith.constant 0 : i32
    %c0_i32_0 = arith.constant 0 : i32
    %c0_i32_1 = arith.constant 0 : i32
    return %arg0, %arg1, %c0_i32, %c0_i32_0 : i32, i32, i32, i32
  }
  func.func @transform_1(%arg0: i32, %arg1: i32) -> (i32, i32, i32) {
    %c0_i32 = arith.constant 0 : i32
    %c0_i32_0 = arith.constant 0 : i32
    return %arg0, %arg1, %c0_i32 : i32, i32, i32
  }
  func.func @transform_2(%arg0: i32, %arg1: i32) -> (i32, i32, i32) {
    %c0_i32 = arith.constant 0 : i32
    %c0_i32_0 = arith.constant 0 : i32
    return %arg0, %arg1, %c0_i32 : i32, i32, i32
  }
  func.func @transform_3(%arg0: i32, %arg1: i32) -> (i32, i32, i32) {
    %c0_i32 = arith.constant 0 : i32
    %c0_i32_0 = arith.constant 0 : i32
    return %arg0, %arg1, %c0_i32 : i32, i32, i32
  }
  func.func @transform_4(%arg0: i32, %arg1: i32) -> (i32, i32, i32) {
    %c0_i32 = arith.constant 0 : i32
    %c0_i32_0 = arith.constant 0 : i32
    return %arg0, %arg1, %c0_i32 : i32, i32, i32
  }
  func.func @transform_5(%arg0: i32, %arg1: i32) -> (i32, i32, i32) {
    %c0_i32 = arith.constant 0 : i32
    %c0_i32_0 = arith.constant 0 : i32
    return %arg0, %arg1, %c0_i32 : i32, i32, i32
  }
  func.func @transform_6(%arg0: i32, %arg1: i32) -> (i32, i32, i32) {
    %c0_i32 = arith.constant 0 : i32
    %c0_i32_0 = arith.constant 0 : i32
    return %arg0, %arg1, %c0_i32 : i32, i32, i32
  }
  func.func @transform_7(%arg0: i32, %arg1: i32) -> (i32, i32, i32) {
    %c0_i32 = arith.constant 0 : i32
    %c0_i32_0 = arith.constant 0 : i32
    return %arg0, %arg1, %c0_i32 : i32, i32, i32
  }
  func.func @transform_8(%arg0: i32, %arg1: i32) -> (i32, i32, i32) {
    %c0_i32 = arith.constant 0 : i32
    %c0_i32_0 = arith.constant 0 : i32
    return %arg0, %arg1, %c0_i32 : i32, i32, i32
  }
  func.func @transform_9(%arg0: i32, %arg1: i32) -> (i32, i32) {
    %c0_i32 = arith.constant 0 : i32
    %c0_i32_0 = arith.constant 0 : i32
    %c0_i32_1 = arith.constant 0 : i32
    return %c0_i32, %c0_i32_0 : i32, i32
  }
}

module attributes {stable_mosaic.version = 14 : i64} {
  func.func @_combine_kernel(%arg0: memref<16x128xf32, #tpu.memory_space<vmem>>, %arg1: memref<16x16xf32, #tpu.memory_space<vmem>>, %arg2: memref<8x128xf32, #tpu.memory_space<vmem>>) attributes {dimension_semantics = [], scalar_prefetch = 0 : i64, scratch_operands = 0 : i64, tpu.core_type = #tpu.core_type<tc>} {
    %get3A = arith.constant 0 : index
    %get3A_0 = arith.constant 0 : index
    %get3A_1 = vector.load %arg0[%get3A, %get3A_0] : memref<16x128xf32, #tpu.memory_space<vmem>>, vector<16x128xf32>
    %get3A_2 = arith.constant 0 : index
    %get3A_3 = arith.constant 0 : index
    %get3A_4 = vector.load %arg1[%get3A_2, %get3A_3] : memref<16x16xf32, #tpu.memory_space<vmem>>, vector<16x16xf32>
    %slice3A = vector.extract_strided_slice %get3A_4 {offsets = [0, 0], sizes = [16, 1], strides = [1, 1]} : vector<16x16xf32> to vector<16x1xf32>
    %slice3A_5 = vector.extract_strided_slice %get3A_1 {offsets = [0, 3], sizes = [16, 1], strides = [1, 1]} : vector<16x128xf32> to vector<16x1xf32>
    %reduce_sum3A = vector.shape_cast %slice3A_5 : vector<16x1xf32> to vector<1x16x1xf32>
    %reduce_sum3A_6 = arith.constant dense<0.000000e+00> : vector<1xf32>
    %reduce_sum3A_7 = vector.multi_reduction <add>, %reduce_sum3A, %reduce_sum3A_6 [1, 2] : vector<1x16x1xf32> to vector<1xf32>
    %reduce_sum3A_8 = vector.shape_cast %reduce_sum3A_7 : vector<1xf32> to vector<1x1x1xf32>
    %reduce_sum3A_9 = vector.extract %reduce_sum3A_8[0, 0, 0] : f32 from vector<1x1x1xf32>
    %slice3A_10 = vector.extract_strided_slice %get3A_1 {offsets = [0, 0], sizes = [16, 1], strides = [1, 1]} : vector<16x128xf32> to vector<16x1xf32>
    %reduce_sum3A_11 = vector.shape_cast %slice3A_10 : vector<16x1xf32> to vector<1x16x1xf32>
    %reduce_sum3A_12 = arith.constant dense<0.000000e+00> : vector<1xf32>
    %reduce_sum3A_13 = vector.multi_reduction <add>, %reduce_sum3A_11, %reduce_sum3A_12 [1, 2] : vector<1x16x1xf32> to vector<1xf32>
    %reduce_sum3A_14 = vector.shape_cast %reduce_sum3A_13 : vector<1xf32> to vector<1x1x1xf32>
    %reduce_sum3A_15 = vector.extract %reduce_sum3A_14[0, 0, 0] : f32 from vector<1x1x1xf32>
    %div3A = arith.divf %reduce_sum3A_15, %reduce_sum3A_9 : f32
    %slice3A_16 = vector.extract_strided_slice %get3A_1 {offsets = [0, 1], sizes = [16, 1], strides = [1, 1]} : vector<16x128xf32> to vector<16x1xf32>
    %reduce_sum3A_17 = vector.shape_cast %slice3A_16 : vector<16x1xf32> to vector<1x16x1xf32>
    %reduce_sum3A_18 = arith.constant dense<0.000000e+00> : vector<1xf32>
    %reduce_sum3A_19 = vector.multi_reduction <add>, %reduce_sum3A_17, %reduce_sum3A_18 [1, 2] : vector<1x16x1xf32> to vector<1xf32>
    %reduce_sum3A_20 = vector.shape_cast %reduce_sum3A_19 : vector<1xf32> to vector<1x1x1xf32>
    %reduce_sum3A_21 = vector.extract %reduce_sum3A_20[0, 0, 0] : f32 from vector<1x1x1xf32>
    %div3A_22 = arith.divf %reduce_sum3A_21, %reduce_sum3A_9 : f32
    %slice3A_23 = vector.extract_strided_slice %get3A_1 {offsets = [0, 2], sizes = [16, 1], strides = [1, 1]} : vector<16x128xf32> to vector<16x1xf32>
    %add3A = arith.addf %slice3A_23, %slice3A : vector<16x1xf32>
    %reduce_sum3A_24 = vector.shape_cast %add3A : vector<16x1xf32> to vector<1x16x1xf32>
    %reduce_sum3A_25 = arith.constant dense<0.000000e+00> : vector<1xf32>
    %reduce_sum3A_26 = vector.multi_reduction <add>, %reduce_sum3A_24, %reduce_sum3A_25 [1, 2] : vector<1x16x1xf32> to vector<1xf32>
    %reduce_sum3A_27 = vector.shape_cast %reduce_sum3A_26 : vector<1xf32> to vector<1x1x1xf32>
    %reduce_sum3A_28 = vector.extract %reduce_sum3A_27[0, 0, 0] : f32 from vector<1x1x1xf32>
    %div3A_29 = arith.divf %reduce_sum3A_28, %reduce_sum3A_9 : f32
    %iota3A = tpu.iota {dimensions = array<i32: 0>} : vector<8x128xi32>
    %iota3A_30 = tpu.iota {dimensions = array<i32: 1>} : vector<8x128xi32>
    %eq3A = arith.constant 0 : i32
    %eq3A_31 = vector.broadcast %eq3A : i32 to vector<8x128xi32>
    %eq3A_32 = arith.cmpi eq, %iota3A, %eq3A_31 : vector<8x128xi32>
    %eq3A_33 = arith.constant 0 : i32
    %eq3A_34 = vector.broadcast %eq3A_33 : i32 to vector<8x128xi32>
    %eq3A_35 = arith.cmpi eq, %iota3A_30, %eq3A_34 : vector<8x128xi32>
    %and3A = arith.andi %eq3A_32, %eq3A_35 : vector<8x128xi1>
    %jit3A = arith.constant 0.000000e+00 : f32
    %broadcast_in_dim3A = vector.broadcast %div3A : f32 to vector<8x128xf32>
    %broadcast_in_dim3A_36 = vector.broadcast %jit3A : f32 to vector<8x128xf32>
    %select_n3A = arith.select %and3A, %broadcast_in_dim3A, %broadcast_in_dim3A_36 : vector<8x128xi1>, vector<8x128xf32>
    %eq3A_37 = arith.constant 1 : i32
    %eq3A_38 = vector.broadcast %eq3A_37 : i32 to vector<8x128xi32>
    %eq3A_39 = arith.cmpi eq, %iota3A_30, %eq3A_38 : vector<8x128xi32>
    %and3A_40 = arith.andi %eq3A_32, %eq3A_39 : vector<8x128xi1>
    %jit3A_41 = arith.constant 0.000000e+00 : f32
    %broadcast_in_dim3A_42 = vector.broadcast %div3A_29 : f32 to vector<8x128xf32>
    %broadcast_in_dim3A_43 = vector.broadcast %jit3A_41 : f32 to vector<8x128xf32>
    %select_n3A_44 = arith.select %and3A_40, %broadcast_in_dim3A_42, %broadcast_in_dim3A_43 : vector<8x128xi1>, vector<8x128xf32>
    %add3A_45 = arith.addf %select_n3A, %select_n3A_44 : vector<8x128xf32>
    %eq3A_46 = arith.constant 2 : i32
    %eq3A_47 = vector.broadcast %eq3A_46 : i32 to vector<8x128xi32>
    %eq3A_48 = arith.cmpi eq, %iota3A_30, %eq3A_47 : vector<8x128xi32>
    %and3A_49 = arith.andi %eq3A_32, %eq3A_48 : vector<8x128xi1>
    %jit3A_50 = arith.constant 0.000000e+00 : f32
    %broadcast_in_dim3A_51 = vector.broadcast %div3A_22 : f32 to vector<8x128xf32>
    %broadcast_in_dim3A_52 = vector.broadcast %jit3A_50 : f32 to vector<8x128xf32>
    %select_n3A_53 = arith.select %and3A_49, %broadcast_in_dim3A_51, %broadcast_in_dim3A_52 : vector<8x128xi1>, vector<8x128xf32>
    %add3A_54 = arith.addf %add3A_45, %select_n3A_53 : vector<8x128xf32>
    %swap3A = arith.constant 0 : index
    %swap3A_55 = arith.constant 0 : index
    %swap3A_56 = vector.load %arg2[%swap3A, %swap3A_55] : memref<8x128xf32, #tpu.memory_space<vmem>>, vector<8x128xf32>
    tpu.vector_store %arg2[%swap3A, %swap3A_55], %add3A_54 {strides = array<i32>} : memref<8x128xf32, #tpu.memory_space<vmem>>, vector<8x128xf32>,
    return
  }
}

</mosaic_0001>

<sc_bundles>
// kernel: kernel.6.cloned.1.call-start
scs
__scs_entry_jumppad:
0x0: {  	(pc) =	sbr.rel $0x88, $3  }
0x1: {  	(tag) =	ssettag $0x0;
	lr =	simm.s32 $0x1  }
0x2: {  	[smem:$0x3F9A] =	sst lr;
	_ =	strace $0xD0000000  }
0x3: {  	_ = 	snop  }
0x4: {  	_ = 	snop  }
0x5: {  	_ = 	snop  }
0x6: {  	_ = 	snop  }
0x7: {  	_ = 	snop  }
__scs_overlays_trampoline_lowered:
0x8: {  	[smem:$0x3FA9] =	sst s0  }
0x9: {  	[smem:$0x3FAA] =	sst s1  }
0xa: {  	[smem:$0x3FAB] =	sst s2  }
0xb: {  	[smem:$0x3FAC] =	sst s3  }
0xc: {  	[smem:$0x3FAD] =	sst s4  }
0xd: {  	[smem:$0x3FAE] =	sst s5  }
0xe: {  	[smem:$0x3FAF] =	sst s6  }
0xf: {  	[smem:$0x3FB0] =	sst s7  }
0x10: {  	[smem:$0x3FB1] =	sst s8  }
0x11: {  	[smem:$0x3FB2] =	sst s9;
	s0 =	simm.s32 @!p0 $0x0  }
0x12: {  	s1 =	sld [smem:$0x3F98];
	s0 =	simm.s32 @p0 $0x1  }
0x13: {  	[smem:$0x3FB3] =	sst s0;
	s0 =	simm.s32 @!p1 $0x0  }
0x14: {  	s2 =	sld [smem:$0x3F97];
	s0 =	simm.s32 @p1 $0x1  }
0x15: {  	[smem:$0x3FB4] =	sst s0;
	s0 =	simm.s32 @!p2 $0x0  }
0x16: {  	s3 =	sld [smem:$0x3FDB];
	s0 =	simm.s32 @p2 $0x1  }
0x17: {  	s4 =	simm.s32 $0x1BF5;
	[smem:$0x3FB6] =	sst s0  }
0x18: {  	s0 =	sld [smem:$0x3F99];
	_ =	swait.ge [sflag:s4], $0x0  }
0x19: {  	s7 =	sld [smem:$0x3F9A]  }
0x1a: {  	s8 =	sadd.s32 $0xFFFFE003, lr  }
0x1b: {  	s9 =	sadd.s32 $0xFFFFFEF7, lr;
	s5 =	simm.s32 $0xFFFFFFFF;
	p2 =	slt.u32 s8, $0xFFFFF086  }
0x1c: {  	p1 =	slt.u32 s9, $0xF7A;
	s5 =	simm.s32 @!p2 $0x0  }
0x1d: {  	s5 =	simm.s32 @p1 $0x1;
	p0 =	seq.s32 s7, s2  }
0x1e: {  	s7 =	smul.u32 @!p0 $0xF7A, s2;
	p2 =	seq.s32 @!p0 s5, $0x0  }
0x1f: {  	s9 =	smul.u32 $0xF7A, s1;
	s8 =	simm.s32 @!p0 $0x1BF5;
	p2 =	por !p2, p0  }
0x20: {  	[sflag:s8] =	ssyncset.s32 @!p0 $0xFFFFF086;
	s6 =	sadd.s32 @!p0 s3, s7;
	s7 =	simm.s32 @!p0 $0x108  }
0x21: {  	s3 =	sadd.s32 s3, s9;
	s6 =	sadd.s32 @!p0 $0x88, s6;
	s7 =	simm.s32 @p2 $0x1082  }
0x22: {  	[simem:s7], [sflag:s8] =	dma.local @!p0 [hbm:s6], $0xF7A  }
0x23: {  	s9 =	sor.u32 $0xD0000000, s2;
	s6 =	simm.s32 $0x108;
	_ =	swait.ge @!p0 [sflag:s8], $0x0  }
0x24: {  	s3 =	sadd.s32 $0x88, s3;
	s6 =	simm.s32 @!p1 $0x1082;
	[sflag:s4] =	ssyncset.s32 $0xFFFFF086  }
0x25: {  	[simem:s6], [sflag:s4] =	dma.local [hbm:s3], $0xF7A  }
0x26: {  	[smem:$0x3F9A] =	sst s1;
	(tag) =	ssettag s2;
	_ =	strace s9  }
0x27: {  	s1 =	sld [smem:$0x3FAA]  }
0x28: {  	s2 =	sld [smem:$0x3FAB]  }
0x29: {  	s4 =	sld [smem:$0x3FAD]  }
0x2a: {  	p0 =	seq.s32 s5, $0x0;
	s5 =	sld [smem:$0x3FAE]  }
0x2b: {  	s6 =	sld [smem:$0x3FAF]  }
0x2c: {  	s7 =	sld [smem:$0x3FB0]  }
0x2d: {  	s3 =	simm.s32 $0x108;
	s8 =	sld [smem:$0x3FB1]  }
0x2e: {  	s3 =	simm.s32 @!p0 $0x1082;
	s9 =	sld [smem:$0x3FB2]  }
0x2f: {  	lr =	sadd.s32 s0, s3;
	s0 =	sld [smem:$0x3FA9]  }
0x30: {  	s3 =	sld [smem:$0x3FAC]  }
0x31: {  	[smem:$0x3FB5] =	sst s10  }
0x32: {  	s10 =	sld [smem:$0x3FB3];
	_ =	sdelay $0x3  }
0x33: {  	p0 =	seq.s32 s10, $0x1;
	s10 =	sld [smem:$0x3FB5];
	_ =	sdelay $0x3  }
0x34: {  	[smem:$0x3FB5] =	sst s10  }
0x35: {  	s10 =	sld [smem:$0x3FB4];
	_ =	sdelay $0x3  }
0x36: {  	p1 =	seq.s32 s10, $0x1;
	s10 =	sld [smem:$0x3FB5];
	_ =	sdelay $0x3  }
0x37: {  	[smem:$0x3FB5] =	sst s10  }
0x38: {  	s10 =	sld [smem:$0x3FB6]  }
0x39: {  	_ = 	snop;
	(pc) =	sbr.ind lr, $3  }
0x3a: {  	_ = 	snop  }
0x3b: {  	_ = 	snop  }
0x3c: {  	p2 =	seq.s32 s10, $0x1;
	s10 =	sld [smem:$0x3FB5]  }
0x3d: {  	_ =	shalt  }
0x3e: {  	_ =	shalt  }
0x3f: {  	_ =	shalt  }
0x40: {  	_ =	shalt  }
0x41: {  	_ =	shalt  }
0x42: {  	_ =	shalt  }
0x43: {  	_ =	shalt  }
0x44: {  	_ =	shalt  }
0x45: {  	_ =	shalt  }
0x46: {  	_ =	shalt  }
0x47: {  	_ =	shalt  }
0x48: {  	_ =	shalt  }
0x49: {  	_ =	shalt  }
0x4a: {  	_ =	shalt  }
0x4b: {  	_ =	shalt  }
0x4c: {  	_ =	shalt  }
0x4d: {  	_ =	shalt  }
0x4e: {  	_ =	shalt  }
0x4f: {  	_ =	shalt  }
0x50: {  	_ =	shalt  }
0x51: {  	_ =	shalt  }
0x52: {  	_ =	shalt  }
0x53: {  	_ =	shalt  }
0x54: {  	_ =	shalt  }
0x55: {  	_ =	shalt  }
0x56: {  	_ =	shalt  }
0x57: {  	_ =	shalt  }
0x58: {  	_ =	shalt  }
0x59: {  	_ =	shalt  }
0x5a: {  	_ =	shalt  }
0x5b: {  	_ =	shalt  }
0x5c: {  	_ =	shalt  }
0x5d: {  	_ =	shalt  }
0x5e: {  	_ =	shalt  }
0x5f: {  	_ =	shalt  }
0x60: {  	_ =	shalt  }
0x61: {  	_ =	shalt  }
0x62: {  	_ =	shalt  }
0x63: {  	_ =	shalt  }
0x64: {  	_ =	shalt  }
0x65: {  	_ =	shalt  }
0x66: {  	_ =	shalt  }
0x67: {  	_ =	shalt  }
0x68: {  	_ =	shalt  }
0x69: {  	_ =	shalt  }
0x6a: {  	_ =	shalt  }
0x6b: {  	_ =	shalt  }
0x6c: {  	_ =	shalt  }
0x6d: {  	_ =	shalt  }
0x6e: {  	_ =	shalt  }
0x6f: {  	_ =	shalt  }
0x70: {  	_ =	shalt  }
0x71: {  	_ =	shalt  }
0x72: {  	_ =	shalt  }
0x73: {  	_ =	shalt  }
0x74: {  	_ =	shalt  }
0x75: {  	_ =	shalt  }
0x76: {  	_ =	shalt  }
0x77: {  	_ =	shalt  }
0x78: {  	_ =	shalt  }
0x79: {  	_ =	shalt  }
0x7a: {  	_ =	shalt  }
0x7b: {  	_ =	shalt  }
0x7c: {  	_ =	shalt  }
0x7d: {  	_ =	shalt  }
0x7e: {  	_ =	shalt  }
0x7f: {  	_ =	shalt  }
0x80: {  	_ =	shalt  }
0x81: {  	_ =	shalt  }
0x82: {  	_ =	shalt  }
0x83: {  	_ =	shalt  }
0x84: {  	_ =	shalt  }
0x85: {  	_ =	shalt  }
0x86: {  	_ =	shalt  }
0x87: {  	_ =	shalt  }
.Lfunc_end0:
.L_simem_size_0:
called_computation_lowered:
.L_overlay_start_0:
0x88: {  	s2 =	sld [smem:$0x3FD9]  }
0x89: {  	s3 =	sld [smem:$0x3FFE];
	_ =	sdelay $0x1  }
0x8a: {  	s1 =	srdreg.scid  }
0x8b: {  	s0 =	sand.u32 $0x1, s1  }
0x8c: {  	s16 =	sshll.u32 s0, $0xA;
	s2 =	sadd.s32 s3, s2  }
0x8d: {  	s2 =	sadd.s32 s2, s16  }
0x8e: {  	[smem:$0x3FC1] =	sst s2  }
0x8f: {  	_ = 	snop  }
0x90: {  	(tm) =	ssettm $0x1  }
0x91: {  	s17 =	sld [smem:$0x3FFB];
	_ =	sdelay $0x3  }
0x92: {  	_ =	strace s17  }
0x93: {  	s2 =	sld [smem:$0x3FFC];
	_ =	sdelay $0x3  }
0x94: {  	_ =	strace s2  }
0x95: {  	s2 =	sld [smem:$0x3FFD];
	_ =	sdelay $0x3  }
0x96: {  	_ =	strace s2  }
0x97: {  	_ =	strace $0x8FFFFFFF  }
0x98: {  	s18 =	sld [smem:$0x3FDB];
	_ =	sdelay $0x1  }
0x99: {  	s19 =	simm.s32 $_scs_section_size  }
0x9a: {  	s4 =	simm.s32 $_size__tile_overlayer_lowered;
	s5 =	simm.s32 $_tile_overlayer_lowered  }
0x9b: {  	s22 =	simm.s32 $0x1BFF;
	s21 =	sshll.u32 s5, $0x1;
	s2 =	sadd.s32 s19, s18  }
0x9c: {  	s6 =	simm.s32 $0x0;
	s20 =	sshll.u32 s4, $0x1;
	s4 =	sadd.s32 s21, s2  }
0x9d: {  	[timem:s6], [sflag:s22] =	dma.local [hbm:s4], s20  }
0x9e: {  	_ =	swait.ge [sflag:s22], s20  }
0x9f: {  	s3 =	ssub.s32 $0x0, s20;
	[sflag:s22] =	ssyncset.done $0x0  }
0xa0: {  	[sflag:s22] =	ssyncadd.s32 s3;
	_ =	sdelay $0x1  }
0xa1: {  	s23 =	simm.s32 $0x1B8B  }
0xa2: {  	_ =	swait.ge [sflag:s23], $0x1  }
0xa3: {  	[sflag:s23] =	ssyncset.done $0x0  }
0xa4: {  	s25 =	simm.s32 $0x1B8E;
	s24 =	sld [smem:$0x3FFE];
	[sflag:s23] =	ssyncadd.s32 $0xFFFFFFFF  }
0xa5: {  	s26 =	simm.s32 $execute0_lowered;
	[smem:$0x3FD2] =	sst s25  }
0xa6: {  	s4 =	sshll.u32 s26, $0x1;
	_ =	strace $0x80000046;
	[dreg:$0x1] =	wrdreg $0xFFFFFFFF  }
0xa7: {  	s28 =	simm.s32 $_size_execute0_lowered;
	s2 =	sadd.s32 s2, s4;
	[dreg:$0x0] =	wrdreg $0x0  }
0xa8: {  	s4 =	sshll.u32 s28, $0x1;
	[dreg:$0x2] =	wrdreg s2  }
0xa9: {  	[dreg:$0x3] =	wrdreg s4  }
0xaa: {  	[dreg:$0x4] =	wrdreg $0xC0  }
0xab: {  	_ =	task [dreg:s6], $0x5FFFF  }
0xac: {  	[dreg:$0x1] =	wrdreg $0xFFFFFFFF  }
0xad: {  	[dreg:$0x0] =	wrdreg $0x60  }
0xae: {  	[dreg:$0x2] =	wrdreg s24  }
0xaf: {  	[dreg:$0x3] =	wrdreg $0x9  }
0xb0: {  	_ =	task.clear_ibuf [dreg:s6], $0x4FFFF;
	_ =	strace $0x90000046  }
0xb1: {  	s29 =	simm.s32 $0x9;
	_ =	strace $0x80000048  }
0xb2: {  	_ =	swait.ge [sflag:s29], $0x1  }
0xb3: {  	[sflag:s29] =	ssyncadd.s32 $0xFFFFFFFF  }
0xb4: {  	_ =	strace $0x90000048  }
0xb5: {  	_ =	sfence  }
0xb6: {  	s30 =	sld [smem:$0x0];
	_ =	sdelay $0x2  }
0xb7: {  	s31 =	sshll.u32 s1, $0xD;
	s1 =	sshrl.u32 s1, $0x2  }
0xb8: {  	s3 =	sand.u32 $0x4000, s31;
	s1 =	sadd.s32 s1, s30  }
0xb9: {  	s0 =	sor.u32 s3, s0;
	s1 =	sshll.u32 s1, $0x11  }
0xba: {  	s0 =	sor.u32 s1, s0  }
0xbb: {  	s0 =	sadd.s32 $0x8F2B, s0  }
0xbc: {  	[sflag:s0] =	ssyncadd.remote.s32 $0x1  }
0xbd: {  	_ =	sfence.sel $0xFFFF  }
0xbe: {  	[dreg:$0x0] =	wrdreg $0xFFFFFFFF;
	(pc) =	sbr.abs _section_cstart, $3  }
0xbf: {  	[dreg:$0x1] =	wrdreg $0xFFFFFFFF  }
0xc0: {  	_ =	task.clear_ibuf [dreg:s6], $0x2FFFF;
	_ =	strace $0x9FFFFFFF  }
0xc1: {  	(tm) =	ssettm $0x7FFFFFFF  }
tec
execute0_lowered:
.L_overlay_start_1:
0x0: {  	(tag) =	ssettag $0x1  }
0x1: {  	s1 =	srdreg.scid  }
0x2: {  	s1 =	sand.u32 $0x1, s1  }
0x3: {  	p0 =	seq.s32 s1, $0x1  }
.Ltmp0:
0x4: {  	_ = 	snop;
	(pc) =	sbr.rel @p0 .LBB2_44-.Ltmp0, $4  }
0x5: {  	_ = 	snop  }
0x6: {  	s2 =	rddreg [dreg:$0x0];
	s3 =	simm.s32 $0x0  }
0x7: {  	[smem:$0x7FF] =	sst s3  }
0x8: {  	s0 =	rddreg [dreg:$0x1];
	_ =	strace $0x80000047;
	s1 =	stileid.u32  }
0x9: {  	s5 =	sshrl.u32 s1, $0x3;
	s4 =	sshll.u32 s1, $0x7  }
0xa: {  	s4 =	sand.u32 $0x380, s4;
	s6 =	sshll.u32 s5, $0x12  }
0xb: {  	s6 =	sor.u32 s4, s6  }
0xc: {  	s7 =	sadd.s32 $0x1800, s2;
	s20 =	simm.s32 $0x80;
	s6 =	sshrl.u32 s6, $0x3  }
0xd: {  	s8 =	simm.s32 $0x400;
	s21 =	simm.s32 $0x1;
	s6 =	sadd.s32 s7, s6  }
0xe: {  	[tilespmem:s3], [sflag:$0x1] =	stream.strided.gather [hbm4b:s6+s20], $0x8000, s8, s20, $0x38;
	[tilespmem:$0x18100] =	vst v63  }
0xf: {  	_ =	swait.ge [sflag:s21], $0x8000  }
0x10: {  	s22 =	sadd.s32 $0x11800, s2;
	[sflag:s21] =	ssyncset.done $0x0  }
0x11: {  	s23 =	simm.s32 $0x18080;
	s7 =	sadd.s32 $0x30, s22;
	[sflag:s21] =	ssyncadd.s32 $0xFFFF8000  }
0x12: {  	[tilespmem:s23], [sflag:$0x1] =	stream.linear.gather [hbm4b:s7+s3], $0x80, $0x38;
	[tilespmem:$0x18100] =	vst v63  }
0x13: {  	s24 =	sand.u32 $0x3C00, s3;
	_ =	swait.ge [sflag:s21], $0x80  }
0x14: {  	s25 =	sand.u32 $0x60, s3;
	s26 =	sor.u32 $0x8000, s24;
	[sflag:s21] =	ssyncset.done $0x0  }
0x15: {  	v1 =	vimm.s32 $0x0;
	s9 =	sor.u32 s25, s26;
	[sflag:s21] =	ssyncadd.s32 $0xFFFFFF80  }
0x16: {  	v0 =	vld [tilespmem:$0x18080];
	[tilespmem:s9+$0x280] =	vst v1  }
0x17: {  	[tilespmem:s9+$0x200] =	vst v1  }
0x18: {  	s10 =	sand.u32 $0x3, s3;
	[tilespmem:s9+$0x100] =	vst v1  }
0x19: {  	s10 =	sshll.u32 s10, $0x5;
	[tilespmem:s9+$0x80] =	vst v1  }
0x1a: {  	s10 =	sadd.s32 $0x0, s10;
	[tilespmem:s9+$0x180] =	vst v1  }
0x1b: {  	s28 =	sor.u32 $0x300, s10;
	[tilespmem:s9+$0x0] =	vst v1  }
0x1c: {  	s11 =	sor.u32 $0xC000, s24;
	s29 =	sor.u32 $0x380, s10;
	[tilespmem:s28+$0x8000] =	vst v1  }
0x1d: {  	s13 =	sor.u32 $0xC080, s24;
	s12 =	sor.u32 s25, s11;
	[tilespmem:s29+$0x8000] =	vst v1  }
0x1e: {  	s14 =	sor.u32 $0xC100, s24;
	s30 =	sor.u32 s25, s13;
	[tilespmem:s12+$0x0] =	vst v1  }
0x1f: {  	s31 =	sor.u32 $0xC180, s24;
	s15 =	sor.u32 s25, s14;
	[tilespmem:s30+$0x0] =	vst v1  }
0x20: {  	s16 =	sor.u32 $0xC200, s24;
	s18 =	sor.u32 s25, s31;
	[tilespmem:s15+$0x0] =	vst v1  }
0x21: {  	s17 =	sor.u32 $0xC280, s24;
	s19 =	sor.u32 s25, s16;
	[tilespmem:s18+$0x0] =	vst v1  }
0x22: {  	s20 =	sor.u32 s25, s17;
	s18 =	sor.u32 $0xC300, s24;
	[tilespmem:s19+$0x0] =	vst v1  }
0x23: {  	s7 =	sor.u32 $0xC380, s24;
	s21 =	sor.u32 s25, s18;
	[tilespmem:s20+$0x0] =	vst v1  }
0x24: {  	s6 =	sor.u32 $0x10, s25;
	s22 =	sor.u32 s25, s7;
	[tilespmem:s21+$0x0] =	vst v1  }
0x25: {  	s8 =	sor.u32 s6, s26;
	[tilespmem:s22+$0x0] =	vst v1  }
0x26: {  	[tilespmem:s8+$0x200] =	vst v1  }
0x27: {  	[tilespmem:s8+$0x280] =	vst v1  }
0x28: {  	[tilespmem:s8+$0x180] =	vst v1  }
0x29: {  	[tilespmem:s8+$0x80] =	vst v1  }
0x2a: {  	s23 =	sadd.s32 $0x10, s10;
	[tilespmem:s8+$0x0] =	vst v1  }
0x2b: {  	s10 =	sor.u32 $0x300, s23;
	[tilespmem:s8+$0x100] =	vst v1  }
0x2c: {  	s24 =	sor.u32 $0x380, s23;
	[tilespmem:s10+$0x8000] =	vst v1  }
0x2d: {  	s5 =	sshll.u32 s5, $0xA;
	s25 =	sor.u32 s6, s11;
	[tilespmem:s24+$0x8000] =	vst v1  }
0x2e: {  	s4 =	sor.u32 s4, s5;
	s26 =	sor.u32 s6, s13;
	[tilespmem:s25+$0x0] =	vst v1  }
0x2f: {  	s5 =	simm.s32 $0x100;
	s4 =	sshrl.u32 s4, $0x3;
	s29 =	sor.u32 s6, s14;
	[tilespmem:s26+$0x0] =	vst v1  }
0x30: {  	s7 =	sor.u32 s6, s7;
	s9 =	sor.u32 s6, s17;
	s30 =	sor.u32 s6, s31;
	[tilespmem:s29+$0x0] =	vst v1  }
0x31: {  	s28 =	sadd.s32 s4, s2;
	s4 =	simm.s32 $0x0;
	s31 =	sor.u32 s6, s16;
	[tilespmem:s30+$0x0] =	vst v1  }
0x32: {  	v2 =	vmov s1;
	s2 =	sadd.s32 $0x11A00, s28;
	s8 =	sor.u32 s6, s18;
	s6 =	simm.s32 $0x20;
	[tilespmem:s31+$0x0] =	vst v1  }
.LBB2_2:
0x33: {  	s11 =	sand.u32 $0x3C00, s5;
	s4 =	sadd.s32 $0x2, s4;
	[tilespmem:s9+$0x0] =	vst v1;
	s3 =	sadd.s32 $0x1, s3  }
0x34: {  	s9 =	sand.u32 $0x60, s6;
	s10 =	sor.u32 $0x8000, s11;
	s12 =	sor.u32 $0xC000, s11;
	[tilespmem:s8+$0x0] =	vst v1  }
0x35: {  	s14 =	sor.u32 $0xC080, s11;
	s8 =	sor.u32 s9, s10;
	s13 =	sor.u32 s9, s12;
	[tilespmem:s7+$0x0] =	vst v1  }
0x36: {  	s15 =	sor.u32 $0xC100, s11;
	s16 =	sor.u32 $0xC180, s11;
	s7 =	sor.u32 s9, s14;
	[tilespmem:s8+$0x280] =	vst v1  }
0x37: {  	s19 =	sor.u32 $0xC200, s11;
	s17 =	sor.u32 s9, s15;
	s18 =	sor.u32 s9, s16;
	[tilespmem:s8+$0x200] =	vst v1  }
0x38: {  	s20 =	sand.u32 $0x3, s3;
	s22 =	sor.u32 $0xC280, s11;
	s21 =	sor.u32 s9, s19;
	[tilespmem:s8+$0x100] =	vst v1  }
0x39: {  	s24 =	sor.u32 $0xC300, s11;
	s20 =	sshll.u32 s20, $0x5;
	s23 =	sor.u32 s9, s22;
	[tilespmem:s8+$0x80] =	vst v1  }
0x3a: {  	s11 =	sor.u32 $0xC380, s11;
	s25 =	sor.u32 s9, s24;
	s20 =	sadd.s32 s20, s5;
	[tilespmem:s8+$0x180] =	vst v1  }
0x3b: {  	s26 =	sor.u32 s9, s11;
	s28 =	sadd.s32 $0x10, s20;
	[tilespmem:s8+$0x0] =	vst v1;
	s8 =	sor.u32 $0x300, s20  }
0x3c: {  	p0 =	slt.u32 s4, $0x7E;
	[tilespmem:s8+$0x8000] =	vst v1;
	s8 =	sor.u32 $0x380, s20;
	s20 =	sor.u32 $0x10, s9  }
0x3d: {  	[tilespmem:s8+$0x8000] =	vst v1;
	s12 =	sor.u32 s20, s12;
	s14 =	sor.u32 s20, s14;
	s15 =	sor.u32 s20, s15  }
0x3e: {  	s9 =	sor.u32 s20, s22;
	[tilespmem:s13+$0x0] =	vst v1;
	s13 =	sor.u32 s20, s16;
	s16 =	sor.u32 s20, s19  }
0x3f: {  	s8 =	sor.u32 s20, s24;
	[tilespmem:s7+$0x0] =	vst v1;
	s7 =	sor.u32 s20, s11  }
0x40: {  	[tilespmem:s17+$0x0] =	vst v1  }
0x41: {  	[tilespmem:s18+$0x0] =	vst v1  }
0x42: {  	[tilespmem:s21+$0x0] =	vst v1  }
0x43: {  	[tilespmem:s23+$0x0] =	vst v1  }
0x44: {  	[tilespmem:s25+$0x0] =	vst v1  }
0x45: {  	s10 =	sor.u32 s20, s10;
	[tilespmem:s26+$0x0] =	vst v1  }
0x46: {  	[tilespmem:s10+$0x200] =	vst v1  }
0x47: {  	[tilespmem:s10+$0x280] =	vst v1  }
0x48: {  	[tilespmem:s10+$0x180] =	vst v1  }
0x49: {  	[tilespmem:s10+$0x80] =	vst v1  }
0x4a: {  	s11 =	sor.u32 $0x300, s28;
	[tilespmem:s10+$0x0] =	vst v1  }
0x4b: {  	[tilespmem:s10+$0x100] =	vst v1;
	s10 =	sor.u32 $0x380, s28  }
0x4c: {  	[tilespmem:s11+$0x8000] =	vst v1  }
0x4d: {  	[tilespmem:s10+$0x8000] =	vst v1  }
.Ltmp1:
0x4e: {  	[tilespmem:s12+$0x0] =	vst v1;
	(pc) =	sbr.rel @p0 .LBB2_2-.Ltmp1, $4  }
0x4f: {  	[tilespmem:s14+$0x0] =	vst v1  }
0x50: {  	[tilespmem:s15+$0x0] =	vst v1  }
0x51: {  	[tilespmem:s13+$0x0] =	vst v1  }
0x52: {  	s6 =	sadd.s32 $0x20, s6;
	s5 =	sadd.s32 $0x100, s5;
	[tilespmem:s16+$0x0] =	vst v1  }
0x53: {  	v3 =	vimm.s32 $0x4380;
	vm0 =	vcmask $0x300  }
0x54: {  	vm14 =	vcmask $0x704;
	v3 =	vsel vm0, $0x0, v3  }
0x55: {  	vm15 =	vcmask $0xB08;
	v3 =	vsel vm14, $0x80, v3  }
0x56: {  	vm4 =	vcmask $0xF0C;
	v3 =	vsel vm15, $0x100, v3  }
0x57: {  	vm5 =	vcmask $0x1310;
	v3 =	vsel vm4, $0x180, v3  }
0x58: {  	vm6 =	vcmask $0x1714;
	v3 =	vsel vm5, $0x200, v3  }
0x59: {  	vm7 =	vcmask $0x1B18;
	v3 =	vsel vm6, $0x280, v3  }
0x5a: {  	vm8 =	vcmask $0x1F1C;
	v3 =	vsel vm7, $0x300, v3  }
0x5b: {  	vm9 =	vcmask $0x2320;
	v3 =	vsel vm8, $0x380, v3  }
0x5c: {  	vm10 =	vcmask $0x2724;
	v3 =	vsel vm9, $0x4000, v3  }
0x5d: {  	vm11 =	vcmask $0x2B28;
	v3 =	vsel vm10, $0x4080, v3  }
0x5e: {  	vm12 =	vcmask $0x2F2C;
	v3 =	vsel vm11, $0x4100, v3  }
0x5f: {  	vm13 =	vcmask $0x3330;
	v3 =	vsel vm12, $0x4180, v3  }
0x60: {  	[tilespmem:s9+$0x0] =	vst v1;
	vm14 =	vcmask $0x3734;
	v3 =	vsel vm13, $0x4200, v3  }
0x61: {  	[tilespmem:s8+$0x0] =	vst v1;
	vm15 =	vcmask $0x3B38;
	v3 =	vsel vm14, $0x4280, v3  }
0x62: {  	s3 =	simm.s32 $0xFFFFFFFC;
	s4 =	simm.s32 $0x20;
	s5 =	simm.s32 $0x8000;
	[tilespmem:s7+$0x0] =	vst v1;
	v1 =	vsel vm15, $0x4300, v3;
	v3 =	vimm.s32 $0x1  }
.LBB2_4:
0x63: {  	v4 =	vld [tilespmem:s4+$0xFFFFFFE0];
	_ =	sdelay $0x4  }
0x64: {  	v5 =	vshrl.u32 v4, $0x14;
	v4 =	vshrl.u32 v4, $0x11  }
0x65: {  	v5 =	vand.u32 $0x7F, v5;
	v4 =	vand.u32 $0x7C00, v4  }
0x66: {  	v4 =	vor.u32 v5, v4  }
0x67: {  	v4 =	vadd.s32 v1, v4;
	_ =	sdelay $0x4  }
0x68: {  	[tilespmem:v4+s5+$0x0] =	vst.idx.add.s32.msk $0xffff, v3  }
0x69: {  	v4 =	vld [tilespmem:s4+$0xFFFFFFF0];
	_ =	sdelay $0x4  }
0x6a: {  	v5 =	vshrl.u32 v4, $0x14;
	v4 =	vshrl.u32 v4, $0x11  }
0x6b: {  	v5 =	vand.u32 $0x7F, v5;
	v4 =	vand.u32 $0x7C00, v4  }
0x6c: {  	v4 =	vor.u32 v5, v4  }
0x6d: {  	v4 =	vadd.s32 v1, v4;
	_ =	sdelay $0x4  }
0x6e: {  	[tilespmem:v4+s5+$0x0] =	vst.idx.add.s32.msk $0xffff, v3  }
0x6f: {  	v4 =	vld [tilespmem:s4+$0x0];
	_ =	sdelay $0x4  }
0x70: {  	v5 =	vshrl.u32 v4, $0x14;
	v4 =	vshrl.u32 v4, $0x11  }
0x71: {  	v5 =	vand.u32 $0x7F, v5;
	v4 =	vand.u32 $0x7C00, v4  }
0x72: {  	v4 =	vor.u32 v5, v4  }
0x73: {  	v4 =	vadd.s32 v1, v4;
	_ =	sdelay $0x4  }
0x74: {  	[tilespmem:v4+s5+$0x0] =	vst.idx.add.s32.msk $0xffff, v3  }
0x75: {  	v4 =	vld [tilespmem:s4+$0x10];
	_ =	sdelay $0x4  }
0x76: {  	v5 =	vshrl.u32 v4, $0x14;
	v4 =	vshrl.u32 v4, $0x11  }
0x77: {  	v5 =	vand.u32 $0x7F, v5;
	v4 =	vand.u32 $0x7C00, v4  }
0x78: {  	s3 =	sadd.s32 $0x4, s3;
	v4 =	vor.u32 v5, v4  }
0x79: {  	p0 =	slt.u32 s3, $0x7FC;
	v4 =	vadd.s32 v1, v4  }
.Ltmp2:
0x7a: {  	_ = 	snop;
	(pc) =	sbr.rel @p0 .LBB2_4-.Ltmp2, $2  }
0x7b: {  	_ =	sdelay $0x2  }
0x7c: {  	s4 =	sadd.s32 $0x40, s4;
	[tilespmem:v4+s5+$0x0] =	vst.idx.add.s32.msk $0xffff, v3  }
0x7d: {  	s6 =	simm.s32 $0x7F0;
	s8 =	simm.s32 $0x3F80  }
0x7e: {  	s9 =	sand.u32 $0x70, s6;
	s8 =	sand.u32 $0x3C00, s8  }
0x7f: {  	s8 =	sor.u32 s9, s8  }
0x80: {  	v3 =	vld [tilespmem:s8+$0x8000]  }
0x81: {  	v4 =	vld [tilespmem:s8+$0x8080]  }
0x82: {  	v5 =	vld [tilespmem:s8+$0x8100]  }
0x83: {  	s7 =	simm.s32 $0x7F0;
	v6 =	vld [tilespmem:s8+$0x8180]  }
0x84: {  	s7 =	sand.u32 $0x70, s7;
	v7 =	vld [tilespmem:s8+$0x8200]  }
0x85: {  	s7 =	sadd.s32 $0x3F80, s7;
	v8 =	vld [tilespmem:s8+$0x8280]  }
0x86: {  	s7 =	sor.u32 $0x380, s7;
	v3 =	vadd.s32 v3, v4;
	v4 =	vld [tilespmem:s8+$0x8300]  }
0x87: {  	v3 =	vadd.s32 v5, v3;
	v5 =	vld [tilespmem:s7+$0x8000]  }
0x88: {  	s21 =	simm.s32 $0x3F00;
	s7 =	simm.s32 $0x7E0;
	v3 =	vadd.s32 v6, v3;
	v6 =	vld [tilespmem:s8+$0xC000]  }
0x89: {  	s9 =	sand.u32 $0x3C00, s21;
	s10 =	sand.u32 $0x70, s7;
	v3 =	vadd.s32 v7, v3;
	v7 =	vld [tilespmem:s8+$0xC080]  }
0x8a: {  	s9 =	sor.u32 s10, s9;
	v3 =	vadd.s32 v8, v3;
	v8 =	vld [tilespmem:s8+$0xC100]  }
0x8b: {  	v9 =	vld [tilespmem:s9+$0x8000]  }
0x8c: {  	v3 =	vadd.s32 v4, v3;
	v4 =	vld [tilespmem:s8+$0xC180]  }
0x8d: {  	v3 =	vadd.s32 v5, v3;
	v5 =	vld [tilespmem:s8+$0xC200]  }
0x8e: {  	v3 =	vadd.s32 v6, v3;
	v6 =	vld [tilespmem:s8+$0xC280]  }
0x8f: {  	v3 =	vadd.s32 v7, v3;
	v7 =	vld [tilespmem:s8+$0xC300]  }
0x90: {  	v3 =	vadd.s32 v8, v3;
	v8 =	vld [tilespmem:s8+$0xC380]  }
0x91: {  	v3 =	vadd.s32 v4, v3;
	v4 =	vld [tilespmem:s9+$0x8080]  }
0x92: {  	v3 =	vadd.s32 v5, v3;
	v5 =	vld [tilespmem:s9+$0x8100]  }
0x93: {  	s22 =	simm.s32 $0x7E0;
	v3 =	vadd.s32 v6, v3;
	v6 =	vld [tilespmem:s9+$0x8180]  }
0x94: {  	s8 =	sand.u32 $0x70, s22;
	v3 =	vadd.s32 v7, v3;
	v7 =	vld [tilespmem:s9+$0x8200]  }
0x95: {  	s8 =	sadd.s32 $0x3F00, s8;
	v3 =	vadd.s32 v8, v3;
	v8 =	vld [tilespmem:s9+$0x8280]  }
0x96: {  	s8 =	sor.u32 $0x380, s8;
	v4 =	vadd.s32 v9, v4;
	v9 =	vld [tilespmem:s9+$0x8300]  }
0x97: {  	v3 =	vcvt.s32.f32 v3;
	v4 =	vadd.s32 v5, v4;
	v5 =	vld [tilespmem:s8+$0x8000]  }
0x98: {  	v1 =	vmul.f32 $3.000000000e+00, v0;
	v0 =	vlaneseq.u32;
	s23 =	simm.s32 $0x3E80;
	s8 =	simm.s32 $0x7D0;
	v4 =	vadd.s32 v6, v4;
	v6 =	vld [tilespmem:s9+$0xC000]  }
0x99: {  	vm0 =	veq.s32 v2, v0;
	v2 =	vmul.u32 $0xFFFFFFFF, v0;
	s10 =	sand.u32 $0x3C00, s23;
	(xrf2) =	vadd.scan.msk.f32 $0xffff, v3;
	s11 =	sand.u32 $0x70, s8;
	v4 =	vadd.s32 v7, v4;
	v7 =	vld [tilespmem:s9+$0xC080]  }
0x9a: {  	v1 =	vmin.f32 v1, $3.276700000e+04;
	s10 =	sor.u32 s11, s10;
	v4 =	vadd.s32 v8, v4;
	v8 =	vld [tilespmem:s9+$0xC100]  }
0x9b: {  	v1 =	vnsel vm0, $0xBF800000, v1;
	v2 =	vadd.s32 $0xF, v2;
	v10 =	vld [tilespmem:s10+$0x8000]  }
0x9c: {  	(xrf0) =	vmax.scan.msk.f32 $0xffff, v1;
	v3 =	vperm.xlane v3, v2;
	v11 =	vld [tilespmem:s10+$0x8100]  }
0x9d: {  	v4 =	vadd.s32 v9, v4;
	v9 =	vld [tilespmem:s9+$0xC180]  }
0x9e: {  	(xrf2) =	vadd.scan.msk.f32 $0xffff, v3;
	v4 =	vadd.s32 v5, v4;
	v5 =	vld [tilespmem:s9+$0xC200]  }
0x9f: {  	v4 =	vadd.s32 v6, v4;
	v6 =	vld [tilespmem:s9+$0xC280]  }
0xa0: {  	v4 =	vadd.s32 v7, v4;
	v7 =	vld [tilespmem:s9+$0xC300]  }
0xa1: {  	v4 =	vadd.s32 v8, v4;
	v8 =	vld [tilespmem:s9+$0xC380]  }
0xa2: {  	v1, _, _ =	vpop (xrf0);
	v14 =	vld [tilespmem:s10+$0xC000];
	v4 =	vadd.s32 v9, v4  }
0xa3: {  	s24 =	simm.s32 $0x7D0;
	(v2sf) =	vpush v1, $0xF;
	v50 =	vld [tilespmem:s10+$0xC380];
	v4 =	vadd.s32 v5, v4;
	v5, _, _ =	vpop (xrf2)  }
0xa4: {  	s9 =	sand.u32 $0x70, s24;
	v9 =	vld [tilespmem:s10+$0x8080];
	v4 =	vadd.s32 v6, v4;
	(v2sf) =	vpush v5, $0xF  }
0xa5: {  	s9 =	sadd.s32 $0x3E80, s9;
	v6 =	vld [tilespmem:s10+$0x8200];
	v4 =	vadd.s32 v7, v4  }
0xa6: {  	s9 =	sor.u32 $0x380, s9;
	v5 =	vld [tilespmem:s10+$0x8180];
	v4 =	vadd.s32 v8, v4  }
0xa7: {  	v13 =	vld [tilespmem:s9+$0x8000];
	v4 =	vcvt.s32.f32 v4  }
0xa8: {  	s5 =	simm.f32 $0.0e+00;
	s25 =	simm.s32 $0x3E00;
	s9 =	simm.s32 $0x7C0;
	v7 =	vld [tilespmem:s10+$0x8280];
	v12, _, _ =	vpop (xrf2)  }
0xa9: {  	v1 =	vbroadcast v1, $0xF;
	s11 =	sand.u32 $0x3C00, s25;
	s12 =	sand.u32 $0x70, s9;
	v8 =	vld [tilespmem:s10+$0x8300];
	v15 =	vadd.f32 s5, v12;
	v9 =	vadd.s32 v10, v9;
	(xrf2) =	vadd.scan.msk.f32 $0xffff, v4  }
0xaa: {  	s12 =	sor.u32 s12, s11;
	v10 =	vld [tilespmem:s10+$0xC080];
	v9 =	vadd.s32 v11, v9  }
0xab: {  	v52 =	vld [tilespmem:s12+$0x8000];
	vm0 =	vge.f32 v15, v1;
	v5 =	vadd.s32 v5, v9  }
0xac: {  	v11 =	vld [tilespmem:s10+$0xC100];
	v15 =	vmctz.xlane vm0;
	v5 =	vadd.s32 v6, v5  }
0xad: {  	v4 =	vperm.xlane v4, v2;
	v9 =	vld [tilespmem:s10+$0xC180];
	v5 =	vadd.s32 v7, v5  }
0xae: {  	v6 =	vld [tilespmem:s10+$0xC200];
	vm0 =	veq.s32 v15, v0;
	v5 =	vadd.s32 v8, v5  }
0xaf: {  	(xrf2) =	vadd.scan.msk.f32 $0xffff, v4;
	v7 =	vld [tilespmem:s10+$0xC280];
	v12 =	vnsel vm0, $0x0, v12;
	v5 =	vadd.s32 v13, v5  }
0xb0: {  	v8 =	vld [tilespmem:s10+$0xC300];
	(xrf2) =	vadd.scan.msk.f32 $0xffff, v12;
	v5 =	vadd.s32 v14, v5  }
0xb1: {  	v51 =	vxor.u32 $0x80000000, v15;
	v5 =	vadd.s32 v10, v5;
	v10 =	vld [tilespmem:s12+$0x8080]  }
0xb2: {  	s3 =	spop (v2sf);
	(xrf0) =	vmax.scan.msk.u32 $0xffff, v51;
	v5 =	vadd.s32 v11, v5;
	v11 =	vld [tilespmem:s12+$0x8100]  }
0xb3: {  	s28 =	simm.s32 $0x7C0;
	v5 =	vadd.s32 v9, v5;
	v9 =	vld [tilespmem:s12+$0x8180];
	v53, _, _ =	vpop (xrf2);
	s26 =	spop (v2sf)  }
0xb4: {  	s10 =	sand.u32 $0x70, s28;
	v5 =	vadd.s32 v6, v5;
	v6 =	vld [tilespmem:s12+$0x8200];
	(v2sf) =	vpush v53, $0xF;
	s11 =	sadd.f32 s26, s5  }
0xb5: {  	s10 =	sadd.s32 $0x3E00, s10;
	v5 =	vadd.s32 v7, v5;
	v7 =	vld [tilespmem:s12+$0x8280]  }
0xb6: {  	v54 =	vld [tilespmem:s12+$0x8300];
	v3 =	vnsel vm0, $0x0, v3;
	s10 =	sor.u32 $0x380, s10;
	v5 =	vadd.s32 v8, v5;
	v10 =	vadd.s32 v52, v10;
	p2 =	sge.f32 s11, s3  }
0xb7: {  	p0 =	por $0x0, $0x0;
	(xrf2) =	vadd.scan.msk.f32 $0xffff, v3;
	v5 =	vadd.s32 v50, v5;
	v10 =	vadd.s32 v11, v10;
	v11 =	vld [tilespmem:s10+$0x8000]  }
0xb8: {  	v55, _, _ =	vpop (xrf0);
	v9 =	vadd.s32 v9, v10;
	v10 =	vld [tilespmem:s12+$0xC000];
	v5 =	vcvt.s32.f32 v5;
	p1 =	por p0, p2  }
0xb9: {  	v8, _, _ =	vpop (xrf2);
	v6 =	vadd.s32 v6, v9;
	v9 =	vld [tilespmem:s12+$0xC080];
	s11 =	smov.u32 @p1 s5  }
0xba: {  	v58 =	vld [tilespmem:s12+$0xC100];
	(v2sf) =	vpush v55, $0xF;
	v57, _, _ =	vpop (xrf2);
	v6 =	vadd.s32 v7, v6;
	(xrf2) =	vadd.scan.msk.f32 $0xffff, v5;
	v56 =	vadd.f32 s11, v8  }
0xbb: {  	v3 =	vperm.xlane v5, v2;
	v7 =	vld [tilespmem:s12+$0xC180];
	v5 =	vadd.s32 v54, v6  }
0xbc: {  	(v2sf) =	vpush v57, $0xF;
	v6 =	vld [tilespmem:s12+$0xC200];
	v5 =	vadd.s32 v11, v5;
	vm0 =	vge.f32 v56, v1  }
0xbd: {  	v11 =	vld [tilespmem:s12+$0xC280];
	v5 =	vadd.s32 v10, v5;
	v12 =	vmctz.xlane vm0  }
0xbe: {  	(xrf2) =	vadd.scan.msk.f32 $0xffff, v3;
	v10 =	vld [tilespmem:s12+$0xC300];
	v5 =	vadd.s32 v9, v5  }
0xbf: {  	s13 =	simm.s32 $0x3D80;
	s10 =	simm.s32 $0x7B0;
	v9 =	vld [tilespmem:s12+$0xC380];
	v5 =	vadd.s32 v58, v5;
	vm0 =	veq.s32 v12, v0  }
0xc0: {  	s15 =	sand.u32 $0x3C00, s13;
	s14 =	sand.u32 $0x70, s10;
	v5 =	vadd.s32 v7, v5;
	v8 =	vnsel vm0, $0x0, v8  }
0xc1: {  	s16 =	sor.u32 s14, s15;
	v5 =	vadd.s32 v6, v5;
	v6, _, _ =	vpop (xrf2);
	(xrf2) =	vadd.scan.msk.f32 $0xffff, v8  }
0xc2: {  	v7 =	vld [tilespmem:s16+$0x8080];
	v12 =	vxor.u32 $0x80000000, v12;
	v5 =	vadd.s32 v11, v5;
	(v2sf) =	vpush v6, $0xF  }
0xc3: {  	(xrf0) =	vmax.scan.msk.u32 $0xffff, v12;
	v8 =	vld [tilespmem:s16+$0x8000];
	v5 =	vadd.s32 v10, v5;
	s29 =	spop (v2sf)  }
0xc4: {  	s4 =	simm.s32 $0x0;
	s14 =	simm.s32 $0x7B0;
	v59 =	vld [tilespmem:s16+$0x8100];
	v4 =	vnsel vm0, $0x0, v4;
	v5 =	vadd.s32 v9, v5;
	v9, _, _ =	vpop (xrf2);
	s12 =	sadd.f32 s29, s11  }
0xc5: {  	s17 =	simm.s32 $0x3D80;
	p0 =	por !p0, !p0;
	s30 =	sand.u32 $0x70, s14;
	v11 =	vld [tilespmem:s16+$0x8180];
	(xrf2) =	vadd.scan.msk.f32 $0xffff, v4;
	(v2sf) =	vpush v9, $0xF  }
0xc6: {  	p0 =	por p0, p0;
	p3 =	por !p1, !p1;
	v10 =	vld [tilespmem:s16+$0x8200];
	p4 =	sge.f32 s12, s3  }
0xc7: {  	v60 =	vld [tilespmem:s16+$0x8280];
	s15 =	sadd.s32 $0x3D80, s30;
	p0 =	por !p2, !p0;
	p5 =	por p3, p3;
	v61 =	vcvt.s32.f32 v5  }
0xc8: {  	s15 =	sor.u32 $0x380, s15;
	p0 =	por !p0, !p0;
	v6 =	vld [tilespmem:s16+$0x8300];
	v5, _, _ =	vpop (xrf2);
	v7 =	vadd.s32 v8, v7;
	p3 =	por p1, p4  }
0xc9: {  	p0 =	por p0, p0;
	s18 =	spop (v2sf);
	v4 =	vperm.xlane v61, v2;
	v9, _, _ =	vpop (xrf0);
	v8 =	vadd.s32 v59, v7;
	v7 =	vld [tilespmem:s15+$0x8000];
	s12 =	smov.u32 @p3 s11  }
0xca: {  	s31 =	sxor.u32 $0x7FFFFFFF, s18;
	s18 =	simm.s32 $0x7A0;
	(xrf2) =	vadd.scan.msk.f32 $0xffff, v61;
	p6 =	por !p4, !p5;
	(v2sf) =	vpush v9, $0xF;
	v9 =	vld [tilespmem:s16+$0xC080];
	v11 =	vadd.s32 v11, v8;
	v62 =	vadd.f32 s12, v5  }
0xcb: {  	s15 =	sadd.s32 $0x800, s31;
	s19 =	spop (v2sf);
	p2 =	por !p3, !p3;
	v8 =	vld [tilespmem:s16+$0xC000];
	v10 =	vadd.s32 v10, v11;
	v63, _, _ =	vpop (xrf2)  }
0xcc: {  	p1 =	por !p6, !p6;
	s4 =	smov.u32 @p0 s15;
	s15 =	sadd.f32 s19, s5;
	v11 =	vadd.s32 v60, v10;
	v10 =	vld [tilespmem:s16+$0xC100];
	(xrf2) =	vadd.scan.msk.f32 $0xffff, v4;
	vm0 =	vge.f32 v62, v1;
	(v2sf) =	vpush v63, $0xF  }
.LBB2_6:
0xcd: {  	s21 =	smov.u32 s12  }
0xce: {  	p4 =	seq.s32 s18, $0x10;
	v6 =	vadd.s32 v6, v11;
	v12 =	vmctz.xlane vm0;
	s19 =	smov.u32 s12;
	s20 =	smov.u32 s7;
	v11 =	vld [tilespmem:s16+$0xC180]  }
0xcf: {  	s7 =	smov.u32 s8;
	s8 =	smov.u32 s9;
	s9 =	smov.u32 s10;
	v6 =	vadd.s32 v7, v6;
	v7 =	vld [tilespmem:s16+$0xC200];
	v13, _, _ =	vpop (xrf2)  }
0xd0: {  	s13 =	sadd.s32 $0xFFFFFF80, s13;
	s10 =	smov.u32 s18;
	p5 =	por p2, p2;
	v6 =	vadd.s32 v8, v6;
	vm0 =	veq.s32 v12, v0;
	v12 =	vxor.u32 $0x80000000, v12;
	v8 =	vld [tilespmem:s16+$0xC280]  }
0xd1: {  	s12 =	sand.u32 $0x70, s18;
	s22 =	sand.u32 $0x3C00, s13;
	v6 =	vadd.s32 v9, v6;
	v5 =	vnsel vm0, $0x0, v5;
	v14 =	vnsel vm0, $0x0, v3;
	v3 =	vmovc v4;
	v9 =	vld [tilespmem:s16+$0xC300];
	s23 =	spop (v2sf)  }
0xd2: {  	v4 =	vadd.s32 v10, v6;
	v6 =	vld [tilespmem:s16+$0xC380];
	s16 =	sor.u32 s12, s22;
	(xrf2) =	vadd.scan.msk.f32 $0xffff, v5;
	(v2sf) =	vpush v13, $0xF;
	s12 =	ssub.f32 s15, s23  }
0xd3: {  	v10 =	vld [tilespmem:s16+$0x8000];
	v4 =	vadd.s32 v11, v4;
	(xrf0) =	vmax.scan.msk.u32 $0xffff, v12  }
0xd4: {  	v11 =	vld [tilespmem:s16+$0x8080];
	v4 =	vadd.s32 v7, v4;
	v5, _, _ =	vpop (xrf2);
	s15 =	spop (v2sf);
	s5 =	smov.u32 @p0 s12;
	p0 =	por p1, p1  }
0xd5: {  	s14 =	sadd.s32 $0xFFFFFFF0, s14;
	v7 =	vld [tilespmem:s16+$0x8100];
	v4 =	vadd.s32 v8, v4;
	(v2sf) =	vpush v5, $0xF;
	s12 =	sadd.f32 s15, s21;
	(xrf2) =	vadd.scan.msk.f32 $0xffff, v14  }
0xd6: {  	s17 =	sadd.s32 $0xFFFFFF80, s17;
	s15 =	sand.u32 $0x70, s14;
	v8 =	vld [tilespmem:s16+$0x8180];
	v4 =	vadd.s32 v9, v4  }
0xd7: {  	s15 =	sadd.s32 s15, s17;
	v9 =	vld [tilespmem:s16+$0x8200];
	v4 =	vadd.s32 v6, v4;
	v5, _, _ =	vpop (xrf2);
	p1 =	sge.f32 s12, s3  }
0xd8: {  	s15 =	sor.u32 $0x380, s15;
	v12 =	vld [tilespmem:s16+$0x8280];
	v13 =	vcvt.s32.f32 v4  }
.Ltmp3:
0xd9: {  	v4 =	vadd.s32 v10, v11;
	v6 =	vld [tilespmem:s16+$0x8300];
	p3 =	por p3, p1;
	v10, _, _ =	vpop (xrf0);
	s22 =	spop (v2sf);
	(pc) =	sbr.rel @!p4 .LBB2_6-.Ltmp3, $4  }
0xda: {  	v11 =	vadd.s32 v7, v4;
	v7 =	vld [tilespmem:s15+$0x8000];
	v4 =	vperm.xlane v13, v2;
	(xrf2) =	vadd.scan.msk.f32 $0xffff, v13;
	p2 =	por !p3, !p3;
	s12 =	smov.u32 @p3 s21;
	(v2sf) =	vpush v10, $0xF;
	s15 =	sxor.u32 $0x7FFFFFFF, s22  }
0xdb: {  	p1 =	por !p1, !p5;
	v10 =	vadd.s32 v8, v11;
	v8 =	vld [tilespmem:s16+$0xC000];
	v13 =	vadd.f32 s12, v5;
	s15 =	sadd.s32 s15, s6;
	s6 =	smov.u32 s20  }
0xdc: {  	p1 =	por !p1, !p1;
	v10 =	vadd.s32 v9, v10;
	v9 =	vld [tilespmem:s16+$0xC080];
	v14, _, _ =	vpop (xrf2);
	s4 =	smov.u32 @p0 s15;
	s15 =	spop (v2sf)  }
0xdd: {  	s18 =	sadd.s32 $0xFFFFFFF0, s18;
	v11 =	vadd.s32 v12, v10;
	v10 =	vld [tilespmem:s16+$0xC100];
	(xrf2) =	vadd.scan.msk.f32 $0xffff, v4;
	vm0 =	vge.f32 v13, v1;
	(v2sf) =	vpush v14, $0xF;
	s15 =	sadd.f32 s15, s11;
	s11 =	smov.u32 s19  }
0xde: {  	v6 =	vadd.s32 v6, v11;
	v34 =	vld [tilespmem:s16+$0xC180]  }
0xdf: {  	v35 =	vld [tilespmem:s16+$0xC200];
	v6 =	vadd.s32 v7, v6  }
0xe0: {  	v36 =	vld [tilespmem:s16+$0xC280];
	v6 =	vadd.s32 v8, v6  }
0xe1: {  	v37 =	vld [tilespmem:s16+$0xC300];
	v6 =	vadd.s32 v9, v6  }
0xe2: {  	v38 =	vld [tilespmem:s16+$0xC380];
	v6 =	vadd.s32 v10, v6  }
0xe3: {  	v6 =	vadd.s32 v34, v6  }
0xe4: {  	v39 =	vmctz.xlane vm0;
	s13 =	sadd.s32 $0xFFFFFF80, s13;
	v6 =	vadd.s32 v35, v6  }
0xe5: {  	s28 =	sand.u32 $0x70, s18;
	s13 =	sand.u32 $0x3C00, s13;
	v6 =	vadd.s32 v36, v6  }
0xe6: {  	vm0 =	veq.s32 v39, v0;
	s18 =	sor.u32 s28, s13;
	v6 =	vadd.s32 v37, v6  }
0xe7: {  	v5 =	vnsel vm0, $0x0, v5;
	v40 =	vld [tilespmem:s18+$0x8000];
	v6 =	vadd.s32 v38, v6  }
0xe8: {  	v3 =	vnsel vm0, $0x0, v3;
	(xrf2) =	vadd.scan.msk.f32 $0xffff, v5;
	v5 =	vld [tilespmem:s18+$0x8080];
	v6 =	vcvt.s32.f32 v6  }
0xe9: {  	v43, _, _ =	vpop (xrf2);
	v41 =	vld [tilespmem:s18+$0x8100];
	(xrf2) =	vadd.scan.msk.f32 $0xffff, v3  }
0xea: {  	s29 =	sadd.s32 $0xFFFFFFF0, s14;
	(v2sf) =	vpush v43, $0xF;
	v42 =	vld [tilespmem:s18+$0x8180];
	v3 =	vxor.u32 $0x80000000, v39;
	v44, _, _ =	vpop (xrf2);
	(xrf2) =	vadd.scan.msk.f32 $0xffff, v6  }
0xeb: {  	s30 =	sadd.s32 $0xFFFFFF80, s17;
	s13 =	sand.u32 $0x70, s29;
	(xrf0) =	vmax.scan.msk.u32 $0xffff, v3;
	v3 =	vld [tilespmem:s18+$0x8200];
	(v2sf) =	vpush v44, $0xF  }
0xec: {  	s13 =	sadd.s32 s13, s30;
	v45 =	vld [tilespmem:s18+$0x8280]  }
0xed: {  	v46 =	vld [tilespmem:s18+$0x8300];
	s31 =	spop (v2sf);
	s13 =	sor.u32 $0x380, s13;
	v5 =	vadd.s32 v40, v5  }
0xee: {  	v47 =	vld [tilespmem:s13+$0x8000];
	s24 =	spop (v2sf);
	v5 =	vadd.s32 v41, v5  }
0xef: {  	v48 =	vld [tilespmem:s18+$0xC000];
	s13 =	sadd.f32 s24, s12;
	v5 =	vadd.s32 v42, v5  }
0xf0: {  	v49, _, _ =	vpop (xrf2);
	v3 =	vadd.s32 v3, v5;
	v5 =	vld [tilespmem:s18+$0xC080]  }
0xf1: {  	v50 =	vld [tilespmem:s18+$0xC100];
	p4 =	sge.f32 s13, s3;
	v12, _, _ =	vpop (xrf0);
	v3 =	vadd.s32 v45, v3  }
0xf2: {  	v52 =	vld [tilespmem:s18+$0xC180];
	(v2sf) =	vpush v12, $0xF;
	v51, _, _ =	vpop (xrf2);
	v3 =	vadd.s32 v46, v3  }
0xf3: {  	v53 =	vld [tilespmem:s18+$0xC200];
	s14 =	simm.s32 @!p4 $0x0;
	(v2sf) =	vpush v51, $0xF;
	v3 =	vadd.s32 v47, v3;
	v54, _, _ =	vpop (xrf2)  }
0xf4: {  	v55 =	vld [tilespmem:s18+$0xC280];
	s14 =	simm.s32 @p4 $0x1;
	p4 =	por p3, p4;
	v6 =	vperm.xlane v6, v2;
	v3 =	vadd.s32 v48, v3;
	(v2sf) =	vpush v54, $0xF;
	v56, _, _ =	vpop (xrf2)  }
0xf5: {  	s13 =	smov.u32 @p4 s12;
	v3 =	vadd.s32 v5, v3;
	v5 =	vld [tilespmem:s18+$0xC300];
	(v2sf) =	vpush v56, $0xF  }
0xf6: {  	v58 =	vld [tilespmem:s18+$0xC380];
	v57 =	vadd.f32 s13, v49;
	(xrf2) =	vadd.scan.msk.f32 $0xffff, v6;
	v3 =	vadd.s32 v50, v3  }
0xf7: {  	s19 =	spop (v2sf);
	v3 =	vadd.s32 v52, v3  }
0xf8: {  	s22 =	spop (v2sf);
	vm0 =	vge.f32 v57, v1;
	v3 =	vadd.s32 v53, v3  }
0xf9: {  	v59 =	vmctz.xlane vm0;
	s25 =	spop (v2sf);
	v3 =	vadd.s32 v55, v3  }
0xfa: {  	[smem:$0x7FC] =	sst s14;
	v3 =	vadd.s32 v5, v3;
	s26 =	spop (v2sf)  }
0xfb: {  	vm0 =	veq.s32 v59, v0;
	v3 =	vadd.s32 v58, v3;
	s14 =	sadd.f32 s26, s13  }
0xfc: {  	v5 =	vnsel vm0, $0x0, v49;
	v3 =	vcvt.s32.f32 v3  }
0xfd: {  	v4 =	vnsel vm0, $0x0, v4;
	(xrf2) =	vadd.scan.msk.f32 $0xffff, v5;
	p3 =	sge.f32 s14, s3  }
0xfe: {  	(xrf2) =	vadd.scan.msk.f32 $0xffff, v4;
	v2 =	vperm.xlane v3, v2  }
0xff: {  	(xrf2) =	vadd.scan.msk.f32 $0xffff, v3;
	p5 =	por p4, p3  }
0x100: {  	(xrf2) =	vadd.scan.msk.f32 $0xffff, v2;
	v3, _, _ =	vpop (xrf2);
	s14 =	smov.u32 @p5 s13  }
0x101: {  	s20 =	spop (v2sf);
	v4 =	vadd.f32 s14, v3  }
0x102: {  	s17 =	simm.s32 @!p3 $0x0;
	s23 =	spop (v2sf)  }
0x103: {  	s17 =	simm.s32 @p3 $0x1;
	s21 =	spop (v2sf);
	vm0 =	vge.f32 v4, v1  }
0x104: {  	[smem:$0x7FD] =	sst s17;
	v4 =	vmctz.xlane vm0;
	s28 =	spop (v2sf)  }
0x105: {  	s17 =	sadd.f32 s28, s14  }
0x106: {  	vm0 =	veq.s32 v4, v0  }
0x107: {  	v5, _, _ =	vpop (xrf2);
	v3 =	vnsel vm0, $0x0, v3;
	p3 =	sge.f32 s17, s3  }
0x108: {  	v7 =	vxor.u32 $0x80000000, v59;
	v60, _, _ =	vpop (xrf2)  }
0x109: {  	(xrf0) =	vmax.scan.msk.u32 $0xffff, v7;
	v61, _, _ =	vpop (xrf2);
	p6 =	por p5, p3  }
0x10a: {  	(xrf2) =	vadd.scan.msk.f32 $0xffff, v3;
	v3, _, _ =	vpop (xrf2);
	s17 =	smov.u32 @p6 s14  }
0x10b: {  	v62 =	vadd.f32 s17, v3  }
0x10c: {  	v4 =	vxor.u32 $0x80000000, v4;
	v6 =	vnsel vm0, $0x0, v6  }
0x10d: {  	(xrf2) =	vadd.scan.msk.f32 $0xffff, v6;
	vm1 =	vge.f32 v62, v1  }
0x10e: {  	(xrf0) =	vmax.scan.msk.u32 $0xffff, v4;
	v1 =	vmctz.xlane vm1  }
0x10f: {  	v4, _, _ =	vpop (xrf0)  }
0x110: {  	(v2sf) =	vpush v4, $0xF;
	vm0 =	veq.s32 v1, v0  }
0x111: {  	(v2sf) =	vpush v5, $0xF;
	v1 =	vxor.u32 $0x80000000, v1;
	v0 =	vnsel vm0, $0x0, v3  }
0x112: {  	(v2sf) =	vpush v60, $0xF;
	(xrf0) =	vmax.scan.msk.u32 $0xffff, v1  }
0x113: {  	(v2sf) =	vpush v61, $0xF  }
0x114: {  	s15 =	ssub.f32 s15, s31;
	(xrf2) =	vadd.scan.msk.f32 $0xffff, v0;
	v0, _, _ =	vpop (xrf0)  }
0x115: {  	s30 =	sld [smem:$0x7FC];
	(v2sf) =	vpush v0, $0xF;
	v0, _, _ =	vpop (xrf2)  }
0x116: {  	p1 =	por p1, p1;
	s11 =	sadd.f32 s22, s11;
	(v2sf) =	vpush v0, $0xF  }
0x117: {  	s5 =	smov.u32 @p0 s15;
	p0 =	por p2, p2;
	s29 =	sxor.u32 $0x7FFFFFFF, s19;
	v0, _, _ =	vpop (xrf2)  }
0x118: {  	s6 =	sadd.s32 s29, s6;
	p2 =	seq.s32 s30, $0x1;
	s11 =	ssub.f32 s11, s25;
	(v2sf) =	vpush v0, $0xF;
	v0, _, _ =	vpop (xrf0)  }
0x119: {  	s4 =	smov.u32 @p1 s6;
	p0 =	por !p2, !p0;
	(v2sf) =	vpush v0, $0xF  }
0x11a: {  	p0 =	por !p0, !p0;
	s5 =	smov.u32 @p1 s11;
	s18 =	sld [smem:$0x7FD]  }
0x11b: {  	p4 =	por !p4, !p4;
	s24 =	sxor.u32 $0x7FFFFFFF, s20;
	s22 =	sadd.f32 s23, s12  }
0x11c: {  	p0 =	por p0, p0;
	p2 =	por p4, p4;
	s7 =	sadd.s32 s24, s7  }
0x11d: {  	s4 =	smov.u32 @p0 s7;
	p4 =	seq.s32 s18, $0x1;
	s12 =	ssub.f32 s22, s21  }
0x11e: {  	s22 =	simm.s32 $0x20;
	p1 =	por !p4, !p2;
	p4 =	por !p5, !p5  }
0x11f: {  	p1 =	por !p1, !p1;
	p2 =	por p4, p4;
	s31 =	spop (v2sf)  }
0x120: {  	s5 =	smov.u32 @p0 s12;
	p0 =	por p1, p1;
	v2 =	vnsel vm0, $0x0, v2;
	s16 =	spop (v2sf)  }
0x121: {  	p2 =	por !p3, !p2;
	p5 =	por !p6, !p6;
	(xrf2) =	vadd.scan.msk.f32 $0xffff, v2;
	s19 =	spop (v2sf)  }
0x122: {  	p2 =	por !p2, !p2;
	s6 =	sadd.f32 s16, s13;
	s23 =	spop (v2sf)  }
0x123: {  	p1 =	por p5, p5;
	s28 =	sxor.u32 $0x7FFFFFFF, s31;
	s29 =	sadd.f32 s23, s17  }
0x124: {  	s7 =	sadd.s32 s28, s8;
	s6 =	ssub.f32 s6, s19;
	s25 =	spop (v2sf)  }
0x125: {  	s4 =	smov.u32 @p0 s7;
	p6 =	sge.f32 s29, s3;
	s26 =	spop (v2sf)  }
0x126: {  	s5 =	smov.u32 @p0 s6;
	p0 =	por p2, p2;
	s15 =	sadd.f32 s26, s14  }
0x127: {  	v2 =	vld [tilespmem:s22+$0xFFFFFFE0];
	p1 =	por !p6, !p1;
	s13 =	sxor.u32 $0x7FFFFFFF, s25;
	s30 =	spop (v2sf)  }
0x128: {  	s8 =	sadd.s32 s13, s9;
	s31 =	spop (v2sf);
	s6 =	ssub.f32 s15, s30  }
0x129: {  	p1 =	por !p1, !p1;
	s4 =	smov.u32 @p0 s8;
	s7 =	sxor.u32 $0x7FFFFFFF, s31  }
0x12a: {  	v0, _, _ =	vpop (xrf2);
	s5 =	smov.u32 @p0 s6;
	p0 =	por p1, p1;
	s6 =	sadd.s32 s7, s10  }
0x12b: {  	(v2sf) =	vpush v0, $0xF;
	v0, _, _ =	vpop (xrf2);
	s4 =	smov.u32 @p0 s6  }
0x12c: {  	v3 =	vshrl.u32 v2, $0x14;
	(v2sf) =	vpush v0, $0xF;
	v0 =	vmov s4  }
0x12d: {  	v1 =	vimm.s32 $0x0;
	vm0 =	veq.s32 v3, v0  }
0x12e: {  	v4 =	vsel vm0, $0x1, v1  }
0x12f: {  	(xrf0) =	vadd.scan.msk.s32 $0xffff, v4;
	_ =	sdelay $0x1  }
0x130: {  	s20 =	simm.s32 $0x0  }
0x131: {  	v4 =	vmov s20  }
0x132: {  	v4 =	vadd.s32 $0xFFFFFFFF, v4  }
0x133: {  	v4 =	vbroadcast v4, $0x0  }
0x134: {  	v5, _, _ =	vpop (xrf0)  }
0x135: {  	v4 =	vadd.s32 v5, v4;
	(v2sf) =	vpush v5, $0xF;
	_ =	sdelay $0x3  }
0x136: {  	s7 =	simm.s32 $0x10000  }
0x137: {  	[tilespmem:v4+s7+$0x0] =	vst.idx.msk vm0, v2  }
0x138: {  	v4 =	vld [tilespmem:s22+$0xFFFFFFF0]  }
0x139: {  	vm0 =	vgt.s32 v3, v0  }
0x13a: {  	v2 =	vnsel vm0, $0x0, v2  }
0x13b: {  	(xrf2) =	vadd.scan.msk.f32 $0xffff, v2;
	_ =	sdelay $0x1  }
0x13c: {  	v2 =	vshrl.u32 v4, $0x14  }
0x13d: {  	vm0 =	veq.s32 v2, v0  }
0x13e: {  	s16 =	spop (v2sf);
	v3 =	vsel vm0, $0x1, v1  }
0x13f: {  	s19 =	spop (v2sf);
	(xrf0) =	vadd.scan.msk.s32 $0xffff, v3  }
0x140: {  	s23 =	spop (v2sf)  }
0x141: {  	s9 =	sadd.s32 $0x0, s23  }
0x142: {  	v3 =	vmov s9  }
0x143: {  	v3 =	vadd.s32 $0xFFFFFFFF, v3  }
0x144: {  	v5, _, _ =	vpop (xrf2);
	v3 =	vbroadcast v3, $0x0  }
0x145: {  	(v2sf) =	vpush v5, $0xF;
	v5, _, _ =	vpop (xrf0)  }
0x146: {  	v3 =	vadd.s32 v5, v3;
	(v2sf) =	vpush v5, $0xF;
	_ =	sdelay $0x4  }
0x147: {  	[tilespmem:v3+s7+$0x0] =	vst.idx.msk vm0, v4  }
0x148: {  	v3 =	vld [tilespmem:s22+$0x0]  }
0x149: {  	vm0 =	vgt.s32 v2, v0  }
0x14a: {  	v4 =	vnsel vm0, $0x0, v4  }
0x14b: {  	(xrf2) =	vadd.scan.msk.f32 $0xffff, v4;
	_ =	sdelay $0x1  }
0x14c: {  	v2 =	vshrl.u32 v3, $0x14  }
0x14d: {  	vm0 =	veq.s32 v2, v0  }
0x14e: {  	v4 =	vsel vm0, $0x1, v1  }
0x14f: {  	s24 =	spop (v2sf);
	(xrf0) =	vadd.scan.msk.s32 $0xffff, v4  }
0x150: {  	s25 =	spop (v2sf)  }
0x151: {  	s9 =	sadd.s32 s9, s25  }
0x152: {  	v4 =	vmov s9  }
0x153: {  	v4 =	vadd.s32 $0xFFFFFFFF, v4  }
0x154: {  	v63, _, _ =	vpop (xrf2);
	v4 =	vbroadcast v4, $0x0  }
0x155: {  	v5, _, _ =	vpop (xrf0)  }
0x156: {  	(v2sf) =	vpush v63, $0xF;
	v4 =	vadd.s32 v5, v4  }
0x157: {  	(v2sf) =	vpush v5, $0xF;
	_ =	sdelay $0x3  }
0x158: {  	[tilespmem:v4+s7+$0x0] =	vst.idx.msk vm0, v3;
	vm0 =	vgt.s32 v2, v0  }
0x159: {  	v4 =	vld [tilespmem:s22+$0x10];
	v2 =	vnsel vm0, $0x0, v3  }
0x15a: {  	(xrf2) =	vadd.scan.msk.f32 $0xffff, v2;
	_ =	sdelay $0x3  }
0x15b: {  	v2 =	vshrl.u32 v4, $0x14  }
0x15c: {  	vm0 =	vgt.s32 v2, v0  }
0x15d: {  	vm1 =	veq.s32 v2, v0;
	v2 =	vnsel vm0, $0x0, v4  }
0x15e: {  	v3 =	vsel vm1, $0x1, v1;
	(xrf2) =	vadd.scan.msk.f32 $0xffff, v2  }
0x15f: {  	s26 =	spop (v2sf);
	(xrf0) =	vadd.scan.msk.s32 $0xffff, v3  }
0x160: {  	s28 =	spop (v2sf)  }
0x161: {  	s9 =	sadd.s32 s9, s28;
	v2, _, _ =	vpop (xrf2)  }
0x162: {  	(v2sf) =	vpush v2, $0xF;
	v2 =	vmov s9  }
0x163: {  	v2 =	vadd.s32 $0xFFFFFFFF, v2  }
0x164: {  	v2 =	vbroadcast v2, $0x0  }
0x165: {  	v3, _, _ =	vpop (xrf0)  }
0x166: {  	(v2sf) =	vpush v3, $0xF;
	v2 =	vadd.s32 v3, v2;
	_ =	sdelay $0x1  }
0x167: {  	v5, _, _ =	vpop (xrf2)  }
0x168: {  	(v2sf) =	vpush v5, $0xF;
	_ =	sdelay $0x1  }
0x169: {  	s6 =	simm.s32 $0x60;
	[tilespmem:v2+s7+$0x0] =	vst.idx.msk vm1, v4  }
0x16a: {  	v2 =	vld [tilespmem:s6+$0xFFFFFFE0];
	_ =	sdelay $0x2  }
0x16b: {  	s18 =	sadd.f32 s16, s17;
	_ =	sdelay $0x1  }
0x16c: {  	s8 =	ssub.f32 s18, s19;
	v3 =	vshrl.u32 v2, $0x14  }
0x16d: {  	s21 =	simm.f32 $0.0e+00;
	vm0 =	veq.s32 v3, v0  }
0x16e: {  	s5 =	smov.u32 @p0 s8;
	s8 =	sadd.f32 s24, s21;
	vm1 =	vgt.s32 v3, v0;
	v3 =	vsel vm0, $0x1, v1  }
0x16f: {  	s29 =	spop (v2sf);
	v4 =	vnsel vm1, $0x0, v2;
	(xrf0) =	vadd.scan.msk.s32 $0xffff, v3  }
0x170: {  	s31 =	sadd.f32 s26, s8;
	s30 =	spop (v2sf);
	(xrf2) =	vadd.scan.msk.f32 $0xffff, v4  }
0x171: {  	s11 =	sadd.s32 s9, s30  }
0x172: {  	s9 =	sadd.f32 s29, s31;
	v3 =	vmov s11  }
0x173: {  	s8 =	simm.s32 $0x4;
	v3 =	vadd.s32 $0xFFFFFFFF, v3;
	s10 =	spop (v2sf)  }
.LBB2_8:
0x174: {  	s8 =	sadd.s32 $0x4, s8;
	v3 =	vbroadcast v3, $0x0;
	s9 =	sadd.f32 s10, s9  }
0x175: {  	p0 =	slt.u32 s8, $0x7FC;
	v4, _, _ =	vpop (xrf0)  }
0x176: {  	v3 =	vadd.s32 v4, v3;
	(v2sf) =	vpush v4, $0xF;
	_ =	sdelay $0x3  }
0x177: {  	v4, _, _ =	vpop (xrf2)  }
0x178: {  	[tilespmem:v3+s7+$0x0] =	vst.idx.msk vm0, v2;
	(v2sf) =	vpush v4, $0xF  }
0x179: {  	v2 =	vld [tilespmem:s6+$0xFFFFFFF0];
	_ =	sdelay $0x4  }
0x17a: {  	v3 =	vshrl.u32 v2, $0x14  }
0x17b: {  	vm0 =	vgt.s32 v3, v0;
	vm1 =	veq.s32 v3, v0  }
0x17c: {  	v3 =	vnsel vm0, $0x0, v2;
	v4 =	vsel vm1, $0x1, v1  }
0x17d: {  	(xrf0) =	vadd.scan.msk.s32 $0xffff, v4  }
0x17e: {  	s10 =	spop (v2sf);
	(xrf2) =	vadd.scan.msk.f32 $0xffff, v3  }
0x17f: {  	s11 =	sadd.s32 s11, s10  }
0x180: {  	v3 =	vmov s11  }
0x181: {  	v3 =	vadd.s32 $0xFFFFFFFF, v3  }
0x182: {  	v3 =	vbroadcast v3, $0x0  }
0x183: {  	s10 =	spop (v2sf);
	v4, _, _ =	vpop (xrf0)  }
0x184: {  	v3 =	vadd.s32 v4, v3;
	(v2sf) =	vpush v4, $0xF;
	_ =	sdelay $0x3  }
0x185: {  	v4, _, _ =	vpop (xrf2)  }
0x186: {  	[tilespmem:v3+s7+$0x0] =	vst.idx.msk vm1, v2;
	(v2sf) =	vpush v4, $0xF  }
0x187: {  	v2 =	vld [tilespmem:s6+$0x0];
	_ =	sdelay $0x4  }
0x188: {  	v3 =	vshrl.u32 v2, $0x14  }
0x189: {  	vm0 =	vgt.s32 v3, v0;
	vm1 =	veq.s32 v3, v0  }
0x18a: {  	v3 =	vnsel vm0, $0x0, v2;
	v4 =	vsel vm1, $0x1, v1  }
0x18b: {  	(xrf0) =	vadd.scan.msk.s32 $0xffff, v4  }
0x18c: {  	s12 =	spop (v2sf);
	(xrf2) =	vadd.scan.msk.f32 $0xffff, v3  }
0x18d: {  	s12 =	sadd.s32 s11, s12  }
0x18e: {  	v3 =	vmov s12  }
0x18f: {  	v3 =	vadd.s32 $0xFFFFFFFF, v3  }
0x190: {  	v3 =	vbroadcast v3, $0x0  }
0x191: {  	s11 =	spop (v2sf);
	v4, _, _ =	vpop (xrf0)  }
0x192: {  	v3 =	vadd.s32 v4, v3;
	(v2sf) =	vpush v4, $0xF;
	_ =	sdelay $0x3  }
0x193: {  	v4, _, _ =	vpop (xrf2)  }
0x194: {  	[tilespmem:v3+s7+$0x0] =	vst.idx.msk vm1, v2;
	(v2sf) =	vpush v4, $0xF  }
0x195: {  	v2 =	vld [tilespmem:s6+$0x10];
	_ =	sdelay $0x4  }
0x196: {  	v3 =	vshrl.u32 v2, $0x14  }
0x197: {  	vm0 =	vgt.s32 v3, v0;
	vm1 =	veq.s32 v3, v0  }
0x198: {  	v3 =	vnsel vm0, $0x0, v2;
	v4 =	vsel vm1, $0x1, v1  }
0x199: {  	(xrf2) =	vadd.scan.msk.f32 $0xffff, v3  }
0x19a: {  	s13 =	spop (v2sf);
	(xrf0) =	vadd.scan.msk.s32 $0xffff, v4  }
0x19b: {  	s12 =	sadd.s32 s12, s13  }
0x19c: {  	v3 =	vmov s12  }
0x19d: {  	v3 =	vadd.s32 $0xFFFFFFFF, v3;
	_ =	sdelay $0x1  }
0x19e: {  	v3 =	vbroadcast v3, $0x0;
	s13 =	spop (v2sf)  }
0x19f: {  	v4, _, _ =	vpop (xrf0)  }
0x1a0: {  	v3 =	vadd.s32 v4, v3;
	(v2sf) =	vpush v4, $0xF;
	_ =	sdelay $0x1  }
0x1a1: {  	v4, _, _ =	vpop (xrf2)  }
0x1a2: {  	(v2sf) =	vpush v4, $0xF;
	_ =	sdelay $0x1  }
0x1a3: {  	s6 =	sadd.s32 $0x40, s6;
	[tilespmem:v3+s7+$0x0] =	vst.idx.msk vm1, v2  }
0x1a4: {  	v2 =	vld [tilespmem:s6+$0xFFFFFFE0];
	_ =	sdelay $0x4  }
0x1a5: {  	v3 =	vshrl.u32 v2, $0x14  }
0x1a6: {  	vm1 =	vgt.s32 v3, v0;
	vm0 =	veq.s32 v3, v0  }
0x1a7: {  	s9 =	sadd.f32 s10, s9;
	v3 =	vnsel vm1, $0x0, v2;
	v4 =	vsel vm0, $0x1, v1  }
.Ltmp4:
0x1a8: {  	(xrf0) =	vadd.scan.msk.s32 $0xffff, v4;
	(pc) =	sbr.rel @p0 .LBB2_8-.Ltmp4, $4  }
0x1a9: {  	s9 =	sadd.f32 s11, s9;
	(xrf2) =	vadd.scan.msk.f32 $0xffff, v3;
	s10 =	spop (v2sf)  }
0x1aa: {  	s11 =	sadd.s32 s12, s10  }
0x1ab: {  	s9 =	sadd.f32 s13, s9;
	v3 =	vmov s11  }
0x1ac: {  	v3 =	vadd.s32 $0xFFFFFFFF, v3;
	s10 =	spop (v2sf)  }
0x1ad: {  	v3 =	vbroadcast v3, $0x0  }
0x1ae: {  	v4, _, _ =	vpop (xrf0)  }
0x1af: {  	v3 =	vadd.s32 v4, v3;
	(v2sf) =	vpush v4, $0xF;
	_ =	sdelay $0x4  }
0x1b0: {  	[tilespmem:v3+s7+$0x0] =	vst.idx.msk vm0, v2  }
0x1b1: {  	v2 =	vld [tilespmem:s6+$0xFFFFFFF0];
	_ =	sdelay $0x4  }
0x1b2: {  	v3 =	vshrl.u32 v2, $0x14  }
0x1b3: {  	vm11 =	veq.s32 v3, v0  }
0x1b4: {  	v57 =	vsel vm11, $0x1, v1  }
0x1b5: {  	(xrf0) =	vadd.scan.msk.s32 $0xffff, v57  }
0x1b6: {  	s8 =	spop (v2sf)  }
0x1b7: {  	s8 =	sadd.s32 s11, s8  }
0x1b8: {  	v58 =	vmov s8  }
0x1b9: {  	v4 =	vadd.s32 $0xFFFFFFFF, v58  }
0x1ba: {  	v5, _, _ =	vpop (xrf2);
	v4 =	vbroadcast v4, $0x0  }
0x1bb: {  	(v2sf) =	vpush v5, $0xF;
	v59, _, _ =	vpop (xrf0)  }
0x1bc: {  	v4 =	vadd.s32 v59, v4;
	(v2sf) =	vpush v59, $0xF;
	_ =	sdelay $0x4  }
0x1bd: {  	[tilespmem:v4+s7+$0x0] =	vst.idx.msk vm11, v2  }
0x1be: {  	v4 =	vld [tilespmem:s6+$0x0];
	_ =	sdelay $0x4  }
0x1bf: {  	v60 =	vshrl.u32 v4, $0x14  }
0x1c0: {  	vm12 =	veq.s32 v60, v0  }
0x1c1: {  	v6 =	vsel vm12, $0x1, v1  }
0x1c2: {  	s24 =	spop (v2sf);
	(xrf0) =	vadd.scan.msk.s32 $0xffff, v6  }
0x1c3: {  	s12 =	spop (v2sf)  }
0x1c4: {  	s8 =	sadd.s32 s8, s12  }
0x1c5: {  	v61 =	vmov s8  }
0x1c6: {  	v6 =	vadd.s32 $0xFFFFFFFF, v61  }
0x1c7: {  	v6 =	vbroadcast v6, $0x0  }
0x1c8: {  	v7, _, _ =	vpop (xrf0)  }
0x1c9: {  	vm1 =	vgt.s32 v3, v0;
	v6 =	vadd.s32 v7, v6  }
0x1ca: {  	v2 =	vnsel vm1, $0x0, v2  }
0x1cb: {  	(xrf2) =	vadd.scan.msk.f32 $0xffff, v2;
	_ =	sdelay $0x2  }
0x1cc: {  	[tilespmem:v6+s7+$0x0] =	vst.idx.msk vm12, v4  }
0x1cd: {  	v2 =	vld [tilespmem:s6+$0x10];
	_ =	sdelay $0x1  }
0x1ce: {  	vm13 =	vgt.s32 v60, v0  }
0x1cf: {  	v3 =	vnsel vm13, $0x0, v4  }
0x1d0: {  	(xrf2) =	vadd.scan.msk.f32 $0xffff, v3  }
0x1d1: {  	v62 =	vshrl.u32 v2, $0x14  }
0x1d2: {  	v63, _, _ =	vpop (xrf2);
	vm14 =	vgt.s32 v62, v0  }
0x1d3: {  	(v2sf) =	vpush v63, $0xF;
	vm15 =	veq.s32 v62, v0;
	v3 =	vnsel vm14, $0x0, v2  }
0x1d4: {  	(v2sf) =	vpush v7, $0xF;
	v0 =	vsel vm15, $0x1, v1;
	(xrf2) =	vadd.scan.msk.f32 $0xffff, v3  }
0x1d5: {  	(xrf0) =	vadd.scan.msk.s32 $0xffff, v0;
	_ =	sdelay $0x4  }
0x1d6: {  	v0, _, _ =	vpop (xrf2)  }
0x1d7: {  	(v2sf) =	vpush v0, $0xF;
	v0, _, _ =	vpop (xrf0)  }
0x1d8: {  	(v2sf) =	vpush v0, $0xF;
	_ =	sdelay $0x1  }
0x1d9: {  	v1, _, _ =	vpop (xrf2)  }
0x1da: {  	(v2sf) =	vpush v1, $0xF;
	_ =	sdelay $0x2  }
0x1db: {  	s25 =	spop (v2sf)  }
0x1dc: {  	s26 =	spop (v2sf)  }
0x1dd: {  	s8 =	sadd.s32 s8, s26  }
0x1de: {  	v1 =	vmov s8  }
0x1df: {  	s9 =	sadd.f32 s10, s9;
	v1 =	vadd.s32 $0xFFFFFFFF, v1  }
0x1e0: {  	v1 =	vbroadcast v1, $0x0  }
0x1e1: {  	s9 =	sadd.f32 s24, s9  }
0x1e2: {  	v0 =	vadd.s32 v0, v1  }
0x1e3: {  	s6 =	sadd.f32 s25, s9;
	s28 =	spop (v2sf)  }
.Ltmp5:
0x1e4: {  	s29 =	spop (v2sf);
	(pc) =	sbr.rel .LBB2_10-.Ltmp5, $4  }
0x1e5: {  	s3 =	ssub.f32 s3, s5;
	s8 =	sadd.s32 s8, s29  }
0x1e6: {  	s4 =	sshll.u32 s4, $0x14;
	s6 =	sadd.f32 s28, s6;
	s31 =	sadd.s32 $0xF, s8  }
0x1e7: {  	s5 =	simm.s32 $0x0;
	[tilespmem:v0+s7+$0x0] =	vst.idx.msk vm15, v2;
	v0 =	vimm.f32 $NaN;
	s7 =	sshrl.u32 s31, $0x4;
	s30 =	spop (v2sf)  }
0x1e8: {  	[tilespmem:s8+$0x10000] =	vst v0;
	s8 =	sor.u32 $0xFFFFF, s4;
	v0 =	vimm.f32 $1.000000000e+00;
	p0 =	seq.s32 s7, $0x0;
	s6 =	sadd.f32 s30, s6  }
.LBB2_11:
0x1e9: {  	s10 =	simm.f32 $0.0e+00  }
.LBB2_25:
0x1ea: {  	s5 =	sadd.s32 $0x1, s5  }
0x1eb: {  	p2 =	sne.s32 s5, $0x14  }
.Ltmp6:
0x1ec: {  	_ = 	snop;
	(pc) =	sbr.rel @!p2 .LBB2_26-.Ltmp6, $4  }
0x1ed: {  	p1 =	sge.f32 s10, s3  }
0x1ee: {  	s10 =	sadd.s32 $0xFFFFFFFF, s9  }
0x1ef: {  	s10 =	smov.u32 @p1 s8  }
0x1f0: {  	s4 =	smov.u32 @p1 s9;
	s8 =	smov.u32 s10  }
.LBB2_10:
.Ltmp7:
0x1f1: {  	(pc) =	sbr.rel @p0 .LBB2_11-.Ltmp7, $4  }
0x1f2: {  	s9 =	ssub.s32 s8, s4  }
0x1f3: {  	s9 =	sadd.s32 $0x1, s9  }
0x1f4: {  	s9 =	sshrl.u32 s9, $0x1  }
0x1f5: {  	s9 =	sadd.s32 s4, s9  }
0x1f6: {  	s10 =	simm.s32 $0x10000  }
0x1f7: {  	p5 =	sne.s32 s7, $0x1;
	v2 =	vld [tilespmem:s10+$0x0]  }
.Ltmp8:
0x1f8: {  	_ = 	snop;
	(pc) =	sbr.rel @!p5 .LBB2_13-.Ltmp8, $4  }
0x1f9: {  	_ = 	snop  }
0x1fa: {  	s11 =	sadd.s32 $0xFFFFFFFF, s7  }
0x1fb: {  	v1 =	vmov s9;
	s12 =	simm.s32 $0x10010;
	p1 =	por $0x0, $0x0;
	p2 =	por $0x0, $0x0  }
0x1fc: {  	p3 =	por $0x0, $0x0;
	p4 =	por $0x0, $0x0;
	s10 =	simm.f32 $0.0e+00;
	vm0 =	vlt.s32 v2, v1  }
0x1fd: {  	v2 =	vld [tilespmem:s12+$0x0];
	p5 =	sne.s32 s11, $0x1  }
.Ltmp9:
0x1fe: {  	_ = 	snop;
	(pc) =	sbr.rel @!p5 .LBB2_15-.Ltmp9, $3  }
0x1ff: {  	_ =	sdelay $0x1  }
0x200: {  	v3 =	vsel vm0, $0x0, v0  }
0x201: {  	s11 =	sadd.s32 $0xFFFFFFFF, s11;
	s12 =	simm.s32 $0x10020;
	p1 =	por $0x1, $0x1;
	(xrf2) =	vadd.scan.msk.f32 $0xffff, v3;
	vm0 =	vlt.s32 v2, v1  }
0x202: {  	_ =	sdelay $0x3  }
0x203: {  	v2 =	vld [tilespmem:s12+$0x0];
	p5 =	sne.s32 s11, $0x1  }
.Ltmp10:
0x204: {  	_ = 	snop;
	(pc) =	sbr.rel @!p5 .LBB2_17-.Ltmp10, $2  }
0x205: {  	v3 =	vsel vm0, $0x0, v0;
	_ =	sdelay $0x2  }
0x206: {  	s11 =	sadd.s32 $0xFFFFFFFF, s11;
	s12 =	simm.s32 $0x10030;
	p2 =	por $0x1, $0x1;
	(xrf2) =	vadd.scan.msk.f32 $0xffff, v3;
	vm0 =	vlt.s32 v2, v1;
	v3, _, _ =	vpop (xrf2)  }
0x207: {  	(v2sf) =	vpush v3, $0xF;
	_ =	sdelay $0x5  }
0x208: {  	v2 =	vld [tilespmem:s12+$0x0];
	p5 =	sne.s32 s11, $0x1  }
.Ltmp11:
0x209: {  	_ = 	snop;
	(pc) =	sbr.rel @!p5 .LBB2_19-.Ltmp11, $3  }
0x20a: {  	_ =	sdelay $0x1  }
0x20b: {  	v4 =	vsel vm0, $0x0, v0  }
0x20c: {  	s11 =	sadd.s32 $0xFFFFFFFF, s11;
	s12 =	simm.s32 $0x10040;
	p3 =	por $0x1, $0x1;
	(xrf2) =	vadd.scan.msk.f32 $0xffff, v4;
	vm0 =	vlt.s32 v2, v1;
	v2, _, _ =	vpop (xrf2)  }
0x20d: {  	(v2sf) =	vpush v2, $0xF;
	_ =	sdelay $0x3  }
0x20e: {  	v3 =	vld [tilespmem:s12+$0x0];
	p5 =	sne.s32 s11, $0x1;
	v4 =	vsel vm0, $0x0, v0  }
.Ltmp12:
0x20f: {  	(xrf2) =	vadd.scan.msk.f32 $0xffff, v4;
	(pc) =	sbr.rel @!p5 .LBB2_21-.Ltmp12, $3  }
0x210: {  	_ =	sdelay $0x1  }
0x211: {  	s12 =	sadd.s32 $0xFFFFFFFF, s11  }
0x212: {  	s13 =	simm.s32 $0x10050;
	p4 =	por $0x1, $0x1;
	s11 =	simm.f32 $0.0e+00;
	vm0 =	vlt.s32 v3, v1;
	v3, _, _ =	vpop (xrf2)  }
.LBB2_22:
0x213: {  	v4 =	vld [tilespmem:s13+$0x0];
	p5 =	sne.s32 s12, $0x1;
	s12 =	sadd.s32 $0xFFFFFFFF, s12;
	v5 =	vsel vm0, $0x0, v0;
	(v2sf) =	vpush v3, $0xF  }
.Ltmp13:
0x214: {  	(xrf2) =	vadd.scan.msk.f32 $0xffff, v5;
	(pc) =	sbr.rel @p5 .LBB2_22-.Ltmp13, $4  }
0x215: {  	_ = 	snop  }
0x216: {  	s14 =	spop (v2sf)  }
0x217: {  	s11 =	sadd.f32 s14, s11  }
0x218: {  	s13 =	sadd.s32 $0x10, s13;
	vm0 =	vlt.s32 v4, v1;
	v3, _, _ =	vpop (xrf2)  }
0x219: {  	_ = 	snop  }
.LBB2_24:
0x21a: {  	v1 =	vsel vm0, $0x0, v0  }
0x21b: {  	(xrf2) =	vadd.scan.msk.f32 $0xffff, v1;
	_ =	sdelay $0x4  }
0x21c: {  	(v2sf) =	vpush @p2 v3, $0xF  }
0x21d: {  	v1, _, _ =	vpop @p1 (xrf2)  }
0x21e: {  	v1 =	vpsel p1, v1, v2  }
0x21f: {  	(v2sf) =	vpush @p1 v1, $0xF;
	_ =	sdelay $0x1  }
0x220: {  	v1, _, _ =	vpop (xrf2)  }
0x221: {  	(v2sf) =	vpush v1, $0xF;
	_ =	sdelay $0x2  }
0x222: {  	s12 =	spop @p4 (v2sf)  }
0x223: {  	s11 =	sadd.f32 @p4 s12, s11  }
0x224: {  	s12 =	simm.f32 $0.0e+00  }
0x225: {  	s12 =	smov.u32 @p4 s11;
	s11 =	spop @p3 (v2sf)  }
0x226: {  	s11 =	sadd.f32 @p3 s11, s12  }
0x227: {  	s12 =	simm.f32 $0.0e+00  }
0x228: {  	s12 =	smov.u32 @p3 s11;
	s11 =	spop @p2 (v2sf)  }
0x229: {  	s11 =	sadd.f32 @p2 s11, s12  }
0x22a: {  	s12 =	simm.f32 $0.0e+00  }
.Ltmp14:
0x22b: {  	s12 =	smov.u32 @p2 s11;
	s11 =	spop @p1 (v2sf);
	(pc) =	sbr.rel .LBB2_25-.Ltmp14, $3  }
0x22c: {  	s11 =	sadd.f32 @p1 s11, s12;
	_ =	sdelay $0x1  }
0x22d: {  	s10 =	smov.u32 @p1 s11;
	s31 =	spop (v2sf)  }
0x22e: {  	s10 =	sadd.f32 s31, s10  }
.LBB2_13:
.Ltmp15:
0x22f: {  	(pc) =	sbr.rel .LBB2_24-.Ltmp15, $2  }
0x230: {  	_ =	sdelay $0x2  }
0x231: {  	s11 =	simm.f32 $0.0e+00  }
.LBB2_15:
.Ltmp16:
0x232: {  	(pc) =	sbr.rel .LBB2_24-.Ltmp16, $2  }
0x233: {  	_ =	sdelay $0x2  }
0x234: {  	s11 =	simm.f32 $0.0e+00  }
.LBB2_17:
.Ltmp17:
0x235: {  	(pc) =	sbr.rel .LBB2_24-.Ltmp17, $2  }
0x236: {  	_ =	sdelay $0x2  }
0x237: {  	s11 =	simm.f32 $0.0e+00  }
.LBB2_19:
.Ltmp18:
0x238: {  	(pc) =	sbr.rel .LBB2_24-.Ltmp18, $2  }
0x239: {  	_ =	sdelay $0x2  }
0x23a: {  	v3 =	vmov v2;
	s11 =	simm.f32 $0.0e+00  }
.LBB2_21:
.Ltmp19:
0x23b: {  	(pc) =	sbr.rel .LBB2_24-.Ltmp19, $2  }
0x23c: {  	_ =	sdelay $0x2  }
0x23d: {  	s11 =	simm.f32 $0.0e+00  }
.LBB2_26:
0x23e: {  	v1 =	vmov s4  }
0x23f: {  	(xrf0) =	vmax.scan.msk.f32 $0xffff, v1;
	_ =	sdelay $0x5  }
0x240: {  	v0, _, _ =	vpop (xrf0)  }
0x241: {  	(v2sf) =	vpush v0, $0xF;
	_ =	sdelay $0xa  }
.Ltmp20:
0x242: {  	_ = 	snop;
	(pc) =	sbr.rel @p0 .LBB2_27-.Ltmp20, $2  }
0x243: {  	_ =	sdelay $0x2  }
0x244: {  	s5 =	simm.f32 $0.0e+00;
	s4 =	spop (v2sf)  }
0x245: {  	s8 =	simm.s32 $0x10000  }
0x246: {  	p5 =	sne.s32 s7, $0x1;
	v2 =	vld [tilespmem:s8+$0x0]  }
.Ltmp21:
0x247: {  	_ = 	snop;
	(pc) =	sbr.rel @!p5 .LBB2_29-.Ltmp21, $4  }
0x248: {  	_ = 	snop  }
0x249: {  	s7 =	sadd.s32 $0xFFFFFFFF, s7  }
0x24a: {  	p0 =	por $0x0, $0x0;
	p1 =	por $0x0, $0x0;
	p2 =	por $0x0, $0x0  }
0x24b: {  	v0 =	vimm.f32 $0.0e+00;
	p3 =	por $0x0, $0x0;
	p4 =	por $0x0, $0x0;
	s8 =	simm.s32 $0x10010;
	vm0 =	vlt.s32 v1, v2  }
0x24c: {  	v3 =	vld [tilespmem:s8+$0x0];
	p5 =	sne.s32 s7, $0x1  }
.Ltmp22:
0x24d: {  	_ = 	snop;
	(pc) =	sbr.rel @!p5 .LBB2_31-.Ltmp22, $4  }
0x24e: {  	_ = 	snop  }
0x24f: {  	v2 =	vnsel vm0, $0x0, v2  }
0x250: {  	v4 =	vsel vm0, $0x3F800000, v0;
	(xrf2) =	vadd.scan.msk.f32 $0xffff, v2  }
0x251: {  	s7 =	sadd.s32 $0xFFFFFFFF, s7;
	s8 =	simm.s32 $0x10020;
	p0 =	por $0x1, $0x1;
	(xrf2) =	vadd.scan.msk.f32 $0xffff, v4;
	vm0 =	vlt.s32 v1, v3  }
0x252: {  	_ =	sdelay $0x2  }
0x253: {  	v2 =	vld [tilespmem:s8+$0x0];
	p5 =	sne.s32 s7, $0x1  }
.Ltmp23:
0x254: {  	_ = 	snop;
	(pc) =	sbr.rel @!p5 .LBB2_33-.Ltmp23, $3  }
0x255: {  	v3 =	vnsel vm0, $0x0, v3;
	_ =	sdelay $0x1  }
0x256: {  	v4 =	vsel vm0, $0x3F800000, v0;
	(xrf2) =	vadd.scan.msk.f32 $0xffff, v3  }
0x257: {  	s7 =	sadd.s32 $0xFFFFFFFF, s7;
	s8 =	simm.s32 $0x10030;
	p1 =	por $0x1, $0x1;
	(xrf2) =	vadd.scan.msk.f32 $0xffff, v4;
	vm0 =	vlt.s32 v1, v2;
	v3, _, _ =	vpop (xrf2)  }
0x258: {  	v2 =	vnsel vm0, $0x0, v2;
	_ =	sdelay $0x2  }
0x259: {  	(v2sf) =	vpush v3, $0xF;
	(xrf2) =	vadd.scan.msk.f32 $0xffff, v2;
	v2, _, _ =	vpop (xrf2)  }
0x25a: {  	(v2sf) =	vpush v2, $0xF;
	_ =	sdelay $0x8  }
0x25b: {  	v4 =	vld [tilespmem:s8+$0x0];
	p5 =	sne.s32 s7, $0x1  }
.Ltmp24:
0x25c: {  	_ = 	snop;
	(pc) =	sbr.rel @!p5 .LBB2_35-.Ltmp24, $3  }
0x25d: {  	_ =	sdelay $0x1  }
0x25e: {  	v5 =	vsel vm0, $0x3F800000, v0  }
0x25f: {  	s7 =	sadd.s32 $0xFFFFFFFF, s7;
	s8 =	simm.s32 $0x10040;
	p2 =	por $0x1, $0x1;
	(xrf2) =	vadd.scan.msk.f32 $0xffff, v5;
	vm0 =	vlt.s32 v1, v4;
	v3, _, _ =	vpop (xrf2)  }
0x260: {  	(v2sf) =	vpush v3, $0xF  }
0x261: {  	v3, _, _ =	vpop (xrf2)  }
0x262: {  	v4 =	vnsel vm0, $0x0, v4;
	(v2sf) =	vpush v3, $0xF  }
0x263: {  	v5 =	vsel vm0, $0x3F800000, v0;
	(xrf2) =	vadd.scan.msk.f32 $0xffff, v4  }
0x264: {  	(xrf2) =	vadd.scan.msk.f32 $0xffff, v5;
	_ =	sdelay $0x1  }
0x265: {  	v2 =	vld [tilespmem:s8+$0x0];
	p5 =	sne.s32 s7, $0x1  }
.Ltmp25:
0x266: {  	_ = 	snop;
	(pc) =	sbr.rel @!p5 .LBB2_37-.Ltmp25, $2  }
0x267: {  	_ =	sdelay $0x2  }
0x268: {  	s7 =	sadd.s32 $0xFFFFFFFF, s7;
	s8 =	simm.s32 $0x10050;
	p3 =	por $0x1, $0x1;
	v4, _, _ =	vpop (xrf2);
	vm0 =	vlt.s32 v1, v2  }
0x269: {  	v2 =	vnsel vm0, $0x0, v2;
	_ =	sdelay $0x2  }
0x26a: {  	(v2sf) =	vpush v4, $0xF;
	(xrf2) =	vadd.scan.msk.f32 $0xffff, v2;
	v2, _, _ =	vpop (xrf2)  }
0x26b: {  	(v2sf) =	vpush v2, $0xF;
	_ =	sdelay $0x3  }
0x26c: {  	v5 =	vld [tilespmem:s8+$0x0];
	p5 =	sne.s32 s7, $0x1;
	v3 =	vsel vm0, $0x3F800000, v0  }
.Ltmp26:
0x26d: {  	(xrf2) =	vadd.scan.msk.f32 $0xffff, v3;
	(pc) =	sbr.rel @!p5 .LBB2_39-.Ltmp26, $3  }
0x26e: {  	_ =	sdelay $0x1  }
0x26f: {  	s31 =	spop (v2sf);
	s9 =	sadd.s32 $0xFFFFFFFF, s7;
	s10 =	simm.s32 $0x10060  }
0x270: {  	p4 =	por $0x1, $0x1;
	s7 =	simm.f32 $0.0e+00;
	s8 =	sadd.f32 s31, s5;
	v3, _, _ =	vpop (xrf2);
	vm0 =	vlt.s32 v1, v5  }
.LBB2_40:
0x271: {  	p5 =	sne.s32 s9, $0x1;
	s9 =	sadd.s32 $0xFFFFFFFF, s9;
	v2 =	vsel vm0, $0x3F800000, v0;
	v6 =	vnsel vm0, $0x0, v5;
	v5 =	vld [tilespmem:s10+$0x0];
	(v2sf) =	vpush v3, $0xF;
	s11 =	spop (v2sf)  }
.Ltmp27:
0x272: {  	(xrf2) =	vadd.scan.msk.f32 $0xffff, v6;
	s7 =	sadd.f32 s11, s7;
	(pc) =	sbr.rel @p5 .LBB2_40-.Ltmp27, $4  }
0x273: {  	v3, _, _ =	vpop (xrf2)  }
0x274: {  	(v2sf) =	vpush v3, $0xF;
	s11 =	spop (v2sf)  }
0x275: {  	(xrf2) =	vadd.scan.msk.f32 $0xffff, v2;
	s8 =	sadd.f32 s11, s8  }
0x276: {  	s10 =	sadd.s32 $0x10, s10;
	vm0 =	vlt.s32 v1, v5;
	v3, _, _ =	vpop (xrf2)  }
0x277: {  	v2 =	vmov v5  }
.LBB2_42:
0x278: {  	v1 =	vnsel vm0, $0x0, v2  }
0x279: {  	v0 =	vsel vm0, $0x3F800000, v0;
	(xrf2) =	vadd.scan.msk.f32 $0xffff, v1  }
0x27a: {  	(xrf2) =	vadd.scan.msk.f32 $0xffff, v0  }
0x27b: {  	(v2sf) =	vpush @p1 v3, $0xF  }
0x27c: {  	v0, _, _ =	vpop @p1 (xrf2)  }
0x27d: {  	v1, _, _ =	vpop @p0 (xrf2)  }
0x27e: {  	(v2sf) =	vpush @p1 v0, $0xF;
	v0 =	vpsel p0, v1, v4  }
0x27f: {  	(v2sf) =	vpush @p0 v0, $0xF;
	_ =	sdelay $0x1  }
0x280: {  	s9 =	spop @p4 (v2sf);
	v0, _, _ =	vpop @p0 (xrf2)  }
0x281: {  	s7 =	sadd.f32 @p4 s9, s7;
	s9 =	spop @p3 (v2sf);
	(v2sf) =	vpush @p0 v0, $0xF  }
0x282: {  	s8 =	sadd.f32 @p3 s9, s8;
	s9 =	simm.f32 $0.0e+00;
	v62, _, _ =	vpop (xrf2)  }
0x283: {  	s9 =	smov.u32 @p4 s7;
	s7 =	simm.f32 $0.0e+00;
	(v2sf) =	vpush v62, $0xF;
	v63, _, _ =	vpop (xrf2)  }
0x284: {  	s7 =	smov.u32 @p3 s8;
	s8 =	spop @p3 (v2sf);
	(v2sf) =	vpush v63, $0xF  }
0x285: {  	s8 =	sadd.f32 @p3 s8, s9;
	s9 =	spop @p2 (v2sf)  }
0x286: {  	s7 =	sadd.f32 @p2 s9, s7;
	s9 =	simm.f32 $0.0e+00  }
0x287: {  	s9 =	smov.u32 @p3 s8;
	s8 =	simm.f32 $0.0e+00  }
0x288: {  	s8 =	smov.u32 @p2 s7;
	s7 =	spop @p2 (v2sf)  }
0x289: {  	s7 =	sadd.f32 @p2 s7, s9;
	s9 =	spop @p1 (v2sf)  }
0x28a: {  	s8 =	sadd.f32 @p1 s9, s8;
	s9 =	simm.f32 $0.0e+00  }
0x28b: {  	s9 =	smov.u32 @p2 s7;
	s7 =	simm.f32 $0.0e+00  }
0x28c: {  	s7 =	smov.u32 @p1 s8;
	s8 =	spop @p1 (v2sf)  }
0x28d: {  	s8 =	sadd.f32 @p1 s8, s9;
	s9 =	spop @p0 (v2sf)  }
0x28e: {  	s7 =	sadd.f32 @p0 s9, s7;
	s9 =	simm.f32 $0.0e+00  }
0x28f: {  	s9 =	smov.u32 @p1 s8;
	s8 =	simm.f32 $0.0e+00  }
.Ltmp28:
0x290: {  	s8 =	smov.u32 @p0 s7;
	s7 =	spop @p0 (v2sf);
	(pc) =	sbr.rel .LBB2_43-.Ltmp28, $4  }
0x291: {  	s9 =	sadd.f32 @p0 s7, s9  }
0x292: {  	s30 =	spop (v2sf)  }
0x293: {  	s5 =	smov.u32 @p0 s9;
	s7 =	sadd.f32 s30, s8;
	s31 =	spop (v2sf)  }
0x294: {  	s5 =	sadd.f32 s31, s5  }
.LBB2_27:
0x295: {  	s7 =	simm.f32 $0.0e+00  }
.LBB2_43:
0x296: {  	_ = 	snop  }
0x297: {  	s3 =	ssub.f32 s3, s5;
	_ =	sdelay $0x1  }
0x298: {  	s28 =	sadd.f32 s7, s6;
	s3 =	smul.f32 s3, s4  }
0x299: {  	_ = 	snop  }
0x29a: {  	s3 =	sadd.f32 s3, s28;
	_ =	sdelay $0x1  }
0x29b: {  	v0 =	vmov s3  }
0x29c: {  	v0 =	vadd.f32 $0.0e+00, v0;
	_ =	sdelay $0x1  }
0x29d: {  	v0 =	vbroadcast v0, $0x0;
	_ =	sdelay $0x1  }
0x29e: {  	s29 =	simm.s32 $0x0;
	s30 =	simm.s32 $0x18080;
	s31 =	simm.s32 $0x1;
	[tilespmem:$0x18080] =	vst v0  }
0x29f: {  	[hbm4b:s2+s29] =	stream.linear.scatter [tilespmem:s30], [sflag:$0x1], $0x80, $0x38;
	[tilespmem:$0x18100] =	vst v63  }
0x2a0: {  	_ =	swait.ge [sflag:s31], $0x80  }
0x2a1: {  	[sflag:s31] =	ssyncset.done $0x0  }
0x2a2: {  	[sflag:s31] =	ssyncadd.s32 $0xFFFFFF80  }
.LBB2_44:
0x2a3: {  	_ =	sfence.sel $0x180000  }
0x2a4: {  	[bflag:$0x0] =	sbarrier.arrive $0xFFFF  }
0x2a5: {  	p0 =	sne.s32 s1, $0x0;
	_ =	strace $0x90000047  }
0x2a6: {  	s0 =	sadd.s32 @!p0 $0x100000, s0;
	[bflag:$0x2] =	sbarrier.arrive $0xFFFF  }
0x2a7: {  	[sflag:s0] =	ssyncadd.tile.s32 @!p0 $0x1;
	_ =	shalt  }
.LBB2_29:
.Ltmp29:
0x2a8: {  	(pc) =	sbr.rel .LBB2_42-.Ltmp29, $2  }
0x2a9: {  	_ =	sdelay $0x2  }
0x2aa: {  	s7 =	simm.f32 $0.0e+00;
	s8 =	simm.f32 $0.0e+00  }
.LBB2_31:
.Ltmp30:
0x2ab: {  	(pc) =	sbr.rel .LBB2_42-.Ltmp30, $2  }
0x2ac: {  	_ =	sdelay $0x2  }
0x2ad: {  	v2 =	vmov v3;
	s7 =	simm.f32 $0.0e+00;
	s8 =	simm.f32 $0.0e+00  }
.LBB2_33:
.Ltmp31:
0x2ae: {  	(pc) =	sbr.rel .LBB2_42-.Ltmp31, $2  }
0x2af: {  	_ =	sdelay $0x2  }
0x2b0: {  	s7 =	simm.f32 $0.0e+00;
	s8 =	simm.f32 $0.0e+00  }
.LBB2_35:
.Ltmp32:
0x2b1: {  	(pc) =	sbr.rel .LBB2_42-.Ltmp32, $2  }
0x2b2: {  	_ =	sdelay $0x3  }
0x2b3: {  	v2 =	vmov v4;
	s7 =	simm.f32 $0.0e+00;
	s8 =	simm.f32 $0.0e+00  }
.LBB2_37:
.Ltmp33:
0x2b4: {  	(pc) =	sbr.rel .LBB2_42-.Ltmp33, $2  }
0x2b5: {  	_ =	sdelay $0x3  }
0x2b6: {  	v3 =	vmov v4;
	s7 =	simm.f32 $0.0e+00;
	s8 =	simm.f32 $0.0e+00  }
.LBB2_39:
.Ltmp34:
0x2b7: {  	(pc) =	sbr.rel .LBB2_42-.Ltmp34, $2  }
0x2b8: {  	_ =	sdelay $0x2  }
0x2b9: {  	v2 =	vmov v5;
	s7 =	simm.f32 $0.0e+00  }
.Lfunc_end2:
_tile_overlayer_lowered:
.L_overlay_start_2:
0x2ba: {  	(tag) =	ssettag $0x2  }
0x2bb: {  	s0 =	rddreg [dreg:$0x0];
	s2 =	stileid.u32  }
0x2bc: {  	s1 =	rddreg [dreg:$0x1];
	p0 =	sne.s32 s2, $0x0  }
0x2bd: {  	s3 =	rddreg [dreg:$0x2];
	[bflag:$0x3] =	sbarrier.arrive $0xFFFF;
	s2 =	simm.s32 @!p0 $0x1C01  }
0x2be: {  	[timem:s3], [sflag:s2] =	dma.local @!p0 [hbm:s0], s1  }
0x2bf: {  	s0 =	simm.s32 @!p0 $0x1  }
0x2c0: {  	_ =	swait.ge @!p0 [sflag:s0], s1  }
0x2c1: {  	s1 =	ssub.s32 @!p0 $0x0, s1;
	[sflag:s0] =	ssyncset.done @!p0 $0x0  }
0x2c2: {  	[sflag:s0] =	ssyncadd.s32 @!p0 s1  }
0x2c3: {  	[bflag:$0x3] =	sbarrier.arrive $0xFFFF  }
0x2c4: {  	_ =	shalt  }

</sc_bundles>
